<compile_context>
chip_gen: v7x
topology: tpu7x:2x2x1
jax: 0.10.2.dev20260603
libtpu: 0.0.44.dev20260713+nightly
codegen_flags: <defaults>
</compile_context>

<pallas_src>
import functools

import jax
import jax.numpy as jnp
from jax import lax
from jax.experimental import pallas as pl
from jax.experimental.pallas import tpu as pltpu
from jax.experimental.pallas import tpu_sc as plsc

N = 4096
D = 256
K = 32
NPAIR = 1024
ROWS = 256


def _knn_body(emb_blk_ref, emb_all_ref, out_ref):
    i = pl.program_id(0)
    eb = emb_blk_ref[...]
    ea = emb_all_ref[...]
    sq = lax.dot_general(
        jnp.ones((1, D), jnp.float32), ea * ea,
        (((1,), (1,)), ((), ())), preferred_element_type=jnp.float32)
    dot = lax.dot_general(
        eb, ea, (((1,), (1,)), ((), ())), preferred_element_type=jnp.float32)
    s = sq - 2.0 * dot
    cols = lax.broadcasted_iota(jnp.int32, (ROWS, N), 1)
    rows_g = lax.broadcasted_iota(jnp.int32, (ROWS, N), 0) + i * ROWS
    b = lax.bitcast_convert_type(s, jnp.int32)
    k = b ^ (lax.shift_right_arithmetic(b, 31) & jnp.int32(0x7FFFFFFF))
    k = (k & jnp.int32(-4096)) | cols
    imax = jnp.int32(0x7FFFFFFF)
    k = jnp.where(cols == rows_g, imax, k)
    m = jnp.min(k, axis=1, keepdims=True)
    idx_cols = [m & 4095]
    for _ in range(K - 1):
        m = jnp.min(jnp.where(k > m, k, imax), axis=1, keepdims=True)
        idx_cols.append(m & 4095)
    pad = [jnp.full((ROWS, 128 - K), -1, jnp.int32)]
    out_ref[...] = jnp.concatenate(idx_cols + pad, axis=1)


_knn_call = pl.pallas_call(
    _knn_body,
    grid=(N // ROWS,),
    in_specs=[
        pl.BlockSpec((ROWS, D), lambda i: (i, 0)),
        pl.BlockSpec((N, D), lambda i: (0, 0)),
    ],
    out_specs=pl.BlockSpec((ROWS, 128), lambda i: (i, 0)),
    out_shape=jax.ShapeDtypeStruct((N, 128), jnp.int32),
)


NW = 32
PB = NPAIR // NW


@functools.cache
def _make_gather_call():
    @functools.partial(
        pl.kernel,
        out_type=[
            jax.ShapeDtypeStruct((NPAIR, 128), jnp.int32),
            jax.ShapeDtypeStruct((NPAIR, K, 128), jnp.int32),
        ],
        mesh=plsc.VectorSubcoreMesh(core_axis_name="c", subcore_axis_name="s"),
        scratch_types=[
            pltpu.VMEM((PB,), jnp.int32),
            pltpu.VMEM((PB, 128), jnp.int32),
            pltpu.VMEM((8, K, 128), jnp.int32),
            pltpu.SemaphoreType.DMA,
            pltpu.SemaphoreType.DMA,
        ],
    )
    def _gather(knn_hbm, pair_hbm, a_out, g_out, pidx_v, a_v, g_v, sem, sem2):
        wid = lax.axis_index("s") * 2 + lax.axis_index("c")
        base = wid * PB
        pltpu.sync_copy(pair_hbm.at[pl.ds(base, PB)], pidx_v)
        pltpu.async_copy(knn_hbm.at[pidx_v], a_v, sem).wait()
        pltpu.sync_copy(a_v, a_out.at[pl.ds(base, PB)])
        for c in range(PB // 8):
            copies = [
                pltpu.async_copy(
                    knn_hbm.at[a_v.at[c * 8 + j, pl.ds(0, K)]],
                    g_v.at[j], sem2)
                for j in range(8)
            ]
            for cp in copies:
                cp.wait()
            pltpu.sync_copy(g_v, g_out.at[pl.ds(base + c * 8, 8)])

    return _gather


LB = 256


def _loss_body(a_ref, g_ref, r_ref, out_ref):
    i = pl.program_id(0)
    a = a_ref[...]
    g = g_ref[...]
    counts = jnp.zeros((LB, K), jnp.float32)
    for p in range(K):
        a_p = jnp.reshape(a[:, p], (LB, 1, 1))
        counts = counts + jnp.sum((g == a_p).astype(jnp.float32), axis=2)
    cs = [jnp.sum((counts <= t).astype(jnp.float32), axis=1, keepdims=True)
          for t in range(K + 1)]
    cum = jnp.concatenate(cs, axis=1)
    ss = [jnp.sum((cum <= r).astype(jnp.float32), axis=1, keepdims=True)
          for r in range(K)]
    sorted_v = jnp.concatenate(ss, axis=1)
    dif = sorted_v * (1.0 / K) - r_ref[...]
    part = jnp.sum(dif * dif) * (1.0 / (NPAIR * K))

    @pl.when(i == 0)
    def _():
        out_ref[0, 0] = 0.0

    out_ref[0, 0] += part


_loss_call = pl.pallas_call(
    _loss_body,
    grid=(NPAIR // LB,),
    in_specs=[
        pl.BlockSpec((LB, 128), lambda i: (i, 0)),
        pl.BlockSpec((LB, K, 128), lambda i: (i, 0, 0)),
        pl.BlockSpec((LB, K), lambda i: (i, 0)),
    ],
    out_specs=pl.BlockSpec(memory_space=pltpu.SMEM),
    out_shape=jax.ShapeDtypeStruct((1, 1), jnp.float32),
)


def kernel(embeddings, reference_second_order):
    knn_pad = _knn_call(embeddings, embeddings)
    pair = jax.random.permutation(jax.random.key(42), N)[:NPAIR].astype(jnp.int32)
    a, g = _make_gather_call()(knn_pad, pair)
    loss = _loss_call(a, g, reference_second_order)
    return loss.reshape(())

# --- scband reference (transcript-rebuilt; emitter-appended) ---
"""Pipeline reference for scband-second-order-geometry-regularizer-73005854097888 (READ-ONLY COPY).

The authoritative reference and input builder live on the scoring server;
editing this copy changes nothing except your own understanding.
"""

import jax, jax.numpy as jnp
import numpy as np

K_NEIGHBORS = 32
N_SAMPLES = 1024


def setup_inputs(seed: int = 0) -> dict:
    key = jax.random.key(seed)
    k1, k2 = jax.random.split(key)
    embeddings = jax.random.normal(k1, (4096, 256), dtype=jnp.float32)
    # buffer set via set_reference(): sorted per-row overlap fractions in [0, 1]
    reference_second_order = jnp.sort(
        jax.random.uniform(k2, (N_SAMPLES, K_NEIGHBORS), dtype=jnp.float32), axis=1
    )
    return {"embeddings": embeddings, "reference_second_order": reference_second_order}


def _compute_second_order(embeddings, k_neighbors=K_NEIGHBORS, n_samples=N_SAMPLES):
    n = embeddings.shape[0]
    k = min(k_neighbors, n - 1)
    # torch.cdist(embeddings, embeddings, p=2)
    sq = jnp.sum(embeddings * embeddings, axis=1)
    d2 = sq[:, None] + sq[None, :] - 2.0 * (embeddings @ embeddings.T)
    dists = jnp.sqrt(jnp.clip(d2, 0.0, None))
    # torch.topk(dists, k+1, largest=False) -> smallest k+1 distances
    _, knn_indices = jax.lax.top_k(-dists, k + 1)
    knn_indices = knn_indices[:, 1:]  # drop self
    n_pairs = min(n, n_samples)
    # torch.randperm(n)[:n_pairs] -- deterministic key stands in for device RNG
    pair_indices = jax.random.permutation(jax.random.key(42), n)[:n_pairs]
    # Boolean neighborhood membership matrix M[i, j] = 1 iff j in N_i
    M = jnp.zeros((n, n), dtype=jnp.float32).at[
        jnp.arange(n)[:, None], knn_indices
    ].set(1.0)
    # overlap counts between each sampled i and every node: |N_i ^ N_j|
    O = M[pair_indices] @ M.T  # (n_pairs, n)
    # select the counts for j in knn_indices[i], normalize by k
    overlaps = jnp.take_along_axis(O, knn_indices[pair_indices], axis=1) / float(k)
    second_order = jnp.sort(overlaps, axis=1)
    return second_order


def reference(embeddings, reference_second_order):
    curr_second_order = _compute_second_order(embeddings)
    n = min(curr_second_order.shape[0], reference_second_order.shape[0])
    k = min(curr_second_order.shape[1], reference_second_order.shape[1])
    diff = curr_second_order[:n, :k] - reference_second_order[:n, :k]
    loss = jnp.mean(diff * diff)
    return loss

if __name__ == "__main__":
    import jax
    _d = setup_inputs()
    print(jax.jit(kernel)(*tuple(_d.values())))

</pallas_src>

<mosaic_0001>
#map = affine_map<(d0, d1) -> (0, 0)>
#map1 = affine_map<(d0, d1) -> (0)>
#map2 = affine_map<(d0, d1) -> (0, 0, 0)>
module attributes {stable_mosaic.version = 14 : i64} {
  func.func @_gather(%arg0: i32, %arg1: i32, %arg2: memref<4096x128xi32, #tpu.memory_space<hbm>>, %arg3: memref<1024xi32, #tpu.memory_space<hbm>>, %arg4: memref<1024x128xi32, #tpu.memory_space<hbm>>, %arg5: memref<1024x32x128xi32, #tpu.memory_space<hbm>>, %arg6: memref<32xi32, #tpu.memory_space<vmem>>, %arg7: memref<32x128xi32, #tpu.memory_space<vmem>>, %arg8: memref<8x32x128xi32, #tpu.memory_space<vmem>>, %arg9: memref<!tpu.dma_semaphore, #tpu.memory_space<semaphore_mem>>, %arg10: memref<!tpu.dma_semaphore, #tpu.memory_space<semaphore_mem>>) attributes {dimension_semantics = [#tpu.dimension_semantics<core_parallel>, #tpu.dimension_semantics<subcore_parallel>], iteration_bounds = array<i64: 2, 16>, scalar_prefetch = 0 : i64, scratch_operands = 5 : i64, tpu.core_type = #tpu.core_type<sc_vector_subcore>, window_params = [{transform_indices = #map}, {transform_indices = #map1}, {transform_indices = #map}, {transform_indices = #map2}]} {
    %mul3A = arith.constant 2 : i32
    %mul3A_0 = arith.muli %arg1, %mul3A : i32
    %add3A = arith.addi %mul3A_0, %arg0 : i32
    %mul3A_1 = arith.constant 32 : i32
    %mul3A_2 = arith.muli %add3A, %mul3A_1 : i32
    "tpu.region"() ({
      %run_scoped3A = tpu.sem_alloc : memref<!tpu.dma_semaphore, #tpu.memory_space<semaphore_mem>>
      %dma_start3A_783 = tpu.memref_slice %arg3[%mul3A_2] : memref<1024xi32, #tpu.memory_space<hbm>> -> memref<32xi32, #tpu.memory_space<hbm>>
      %dma_start3A_784 = tpu.memref_slice %arg3[%mul3A_2] : memref<1024xi32, #tpu.memory_space<hbm>> -> memref<32xi32, #tpu.memory_space<hbm>>
      tpu.enqueue_dma source(%dma_start3A_784 : memref<32xi32, #tpu.memory_space<hbm>>) target(%arg6 : memref<32xi32, #tpu.memory_space<vmem>>) target_semaphore(%run_scoped3A : memref<!tpu.dma_semaphore, #tpu.memory_space<semaphore_mem>>)
      %dma_wait3A_785 = tpu.memref_slice %arg3[%mul3A_2] : memref<1024xi32, #tpu.memory_space<hbm>> -> memref<32xi32, #tpu.memory_space<hbm>>
      %dma_wait3A_786 = tpu.memref_slice %arg3[%mul3A_2] : memref<1024xi32, #tpu.memory_space<hbm>> -> memref<32xi32, #tpu.memory_space<hbm>>
      tpu.wait_dma2 semaphore(%run_scoped3A : memref<!tpu.dma_semaphore, #tpu.memory_space<semaphore_mem>>) src(%dma_wait3A_786 : memref<32xi32, #tpu.memory_space<hbm>>) dst(%arg6 : memref<32xi32, #tpu.memory_space<vmem>>)
      tpu.yield
    }) : () -> ()
    %dma_start3A = arith.constant 0 : i32
    %dma_start3A_3 = arith.constant 0 : i32
    %dma_start3A_4 = tpu.memref_slice %arg2[%dma_start3A, %dma_start3A_3] : memref<4096x128xi32, #tpu.memory_space<hbm>> -> memref<4096x128xi32, #tpu.memory_space<hbm>>
    tpu.enqueue_indirect_dma source(%dma_start3A_4 : memref<4096x128xi32, #tpu.memory_space<hbm>>) target(%arg7 : memref<32x128xi32, #tpu.memory_space<vmem>>) offsets(%arg6 : memref<32xi32, #tpu.memory_space<vmem>>) semaphore(%arg9 : memref<!tpu.dma_semaphore, #tpu.memory_space<semaphore_mem>>)
    %dma_wait3A = arith.constant 0 : i32
    %dma_wait3A_5 = arith.constant 0 : i32
    %dma_wait3A_6 = tpu.memref_slice %arg2[%dma_wait3A, %dma_wait3A_5] : memref<4096x128xi32, #tpu.memory_space<hbm>> -> memref<4096x128xi32, #tpu.memory_space<hbm>>
    tpu.wait_indirect_dma semaphore(%arg9 : memref<!tpu.dma_semaphore, #tpu.memory_space<semaphore_mem>>) src(%dma_wait3A_6 : memref<4096x128xi32, #tpu.memory_space<hbm>>) dst(%arg7 : memref<32x128xi32, #tpu.memory_space<vmem>>)
    "tpu.region"() ({
      %run_scoped3A = tpu.sem_alloc : memref<!tpu.dma_semaphore, #tpu.memory_space<semaphore_mem>>
      %dma_start3A_783 = arith.constant 0 : i32
      %dma_start3A_784 = tpu.memref_slice %arg4[%mul3A_2, %dma_start3A_783] : memref<1024x128xi32, #tpu.memory_space<hbm>> -> memref<32x128xi32, #tpu.memory_space<hbm>>
      %dma_start3A_785 = arith.constant 0 : i32
      %dma_start3A_786 = tpu.memref_slice %arg4[%mul3A_2, %dma_start3A_785] : memref<1024x128xi32, #tpu.memory_space<hbm>> -> memref<32x128xi32, #tpu.memory_space<hbm>>
      tpu.enqueue_dma source(%arg7 : memref<32x128xi32, #tpu.memory_space<vmem>>) target(%dma_start3A_786 : memref<32x128xi32, #tpu.memory_space<hbm>>) target_semaphore(%run_scoped3A : memref<!tpu.dma_semaphore, #tpu.memory_space<semaphore_mem>>)
      %dma_wait3A_787 = arith.constant 0 : i32
      %dma_wait3A_788 = tpu.memref_slice %arg4[%mul3A_2, %dma_wait3A_787] : memref<1024x128xi32, #tpu.memory_space<hbm>> -> memref<32x128xi32, #tpu.memory_space<hbm>>
      %dma_wait3A_789 = arith.constant 0 : i32
      %dma_wait3A_790 = tpu.memref_slice %arg4[%mul3A_2, %dma_wait3A_789] : memref<1024x128xi32, #tpu.memory_space<hbm>> -> memref<32x128xi32, #tpu.memory_space<hbm>>
      tpu.wait_dma2 semaphore(%run_scoped3A : memref<!tpu.dma_semaphore, #tpu.memory_space<semaphore_mem>>) src(%arg7 : memref<32x128xi32, #tpu.memory_space<vmem>>) dst(%dma_wait3A_790 : memref<32x128xi32, #tpu.memory_space<hbm>>)
      tpu.yield
    }) : () -> ()
    %dma_start3A_7 = arith.constant 0 : i32
    %dma_start3A_8 = arith.constant 0 : i32
    %dma_start3A_9 = arith.constant 0 : i32
    %dma_start3A_10 = arith.constant 0 : i32
    %dma_start3A_11 = tpu.memref_slice %arg8[%dma_start3A_8, %dma_start3A_9, %dma_start3A_10] : memref<8x32x128xi32, #tpu.memory_space<vmem>> -> memref<1x32x128xi32, #tpu.memory_space<vmem>>
    %dma_start3A_12 = tpu.memref_squeeze %dma_start3A_11 : memref<1x32x128xi32, #tpu.memory_space<vmem>> -> memref<32x128xi32, #tpu.memory_space<vmem>>
    %dma_start3A_13 = arith.constant 0 : i32
    %dma_start3A_14 = tpu.memref_slice %arg7[%dma_start3A_7, %dma_start3A_13] : memref<32x128xi32, #tpu.memory_space<vmem>> -> memref<1x32xi32, #tpu.memory_space<vmem>>
    %dma_start3A_15 = tpu.memref_squeeze %dma_start3A_14 : memref<1x32xi32, #tpu.memory_space<vmem>> -> memref<32xi32, #tpu.memory_space<vmem>>
    %dma_start3A_16 = arith.constant 0 : i32
    %dma_start3A_17 = arith.constant 0 : i32
    %dma_start3A_18 = tpu.memref_slice %arg2[%dma_start3A_16, %dma_start3A_17] : memref<4096x128xi32, #tpu.memory_space<hbm>> -> memref<4096x128xi32, #tpu.memory_space<hbm>>
    tpu.enqueue_indirect_dma source(%dma_start3A_18 : memref<4096x128xi32, #tpu.memory_space<hbm>>) target(%dma_start3A_12 : memref<32x128xi32, #tpu.memory_space<vmem>>) offsets(%dma_start3A_15 : memref<32xi32, #tpu.memory_space<vmem>>) semaphore(%arg10 : memref<!tpu.dma_semaphore, #tpu.memory_space<semaphore_mem>>)
    %dma_start3A_19 = arith.constant 1 : i32
    %dma_start3A_20 = arith.constant 1 : i32
    %dma_start3A_21 = arith.constant 0 : i32
    %dma_start3A_22 = arith.constant 0 : i32
    %dma_start3A_23 = tpu.memref_slice %arg8[%dma_start3A_20, %dma_start3A_21, %dma_start3A_22] : memref<8x32x128xi32, #tpu.memory_space<vmem>> -> memref<1x32x128xi32, #tpu.memory_space<vmem>>
    %dma_start3A_24 = tpu.memref_squeeze %dma_start3A_23 : memref<1x32x128xi32, #tpu.memory_space<vmem>> -> memref<32x128xi32, #tpu.memory_space<vmem>>
    %dma_start3A_25 = arith.constant 0 : i32
    %dma_start3A_26 = tpu.memref_slice %arg7[%dma_start3A_19, %dma_start3A_25] : memref<32x128xi32, #tpu.memory_space<vmem>> -> memref<1x32xi32, #tpu.memory_space<vmem>>
    %dma_start3A_27 = tpu.memref_squeeze %dma_start3A_26 : memref<1x32xi32, #tpu.memory_space<vmem>> -> memref<32xi32, #tpu.memory_space<vmem>>
    %dma_start3A_28 = arith.constant 0 : i32
    %dma_start3A_29 = arith.constant 0 : i32
    %dma_start3A_30 = tpu.memref_slice %arg2[%dma_start3A_28, %dma_start3A_29] : memref<4096x128xi32, #tpu.memory_space<hbm>> -> memref<4096x128xi32, #tpu.memory_space<hbm>>
    tpu.enqueue_indirect_dma source(%dma_start3A_30 : memref<4096x128xi32, #tpu.memory_space<hbm>>) target(%dma_start3A_24 : memref<32x128xi32, #tpu.memory_space<vmem>>) offsets(%dma_start3A_27 : memref<32xi32, #tpu.memory_space<vmem>>) semaphore(%arg10 : memref<!tpu.dma_semaphore, #tpu.memory_space<semaphore_mem>>)
    %dma_start3A_31 = arith.constant 2 : i32
    %dma_start3A_32 = arith.constant 2 : i32
    %dma_start3A_33 = arith.constant 0 : i32
    %dma_start3A_34 = arith.constant 0 : i32
    %dma_start3A_35 = tpu.memref_slice %arg8[%dma_start3A_32, %dma_start3A_33, %dma_start3A_34] : memref<8x32x128xi32, #tpu.memory_space<vmem>> -> memref<1x32x128xi32, #tpu.memory_space<vmem>>
    %dma_start3A_36 = tpu.memref_squeeze %dma_start3A_35 : memref<1x32x128xi32, #tpu.memory_space<vmem>> -> memref<32x128xi32, #tpu.memory_space<vmem>>
    %dma_start3A_37 = arith.constant 0 : i32
    %dma_start3A_38 = tpu.memref_slice %arg7[%dma_start3A_31, %dma_start3A_37] : memref<32x128xi32, #tpu.memory_space<vmem>> -> memref<1x32xi32, #tpu.memory_space<vmem>>
    %dma_start3A_39 = tpu.memref_squeeze %dma_start3A_38 : memref<1x32xi32, #tpu.memory_space<vmem>> -> memref<32xi32, #tpu.memory_space<vmem>>
    %dma_start3A_40 = arith.constant 0 : i32
    %dma_start3A_41 = arith.constant 0 : i32
    %dma_start3A_42 = tpu.memref_slice %arg2[%dma_start3A_40, %dma_start3A_41] : memref<4096x128xi32, #tpu.memory_space<hbm>> -> memref<4096x128xi32, #tpu.memory_space<hbm>>
    tpu.enqueue_indirect_dma source(%dma_start3A_42 : memref<4096x128xi32, #tpu.memory_space<hbm>>) target(%dma_start3A_36 : memref<32x128xi32, #tpu.memory_space<vmem>>) offsets(%dma_start3A_39 : memref<32xi32, #tpu.memory_space<vmem>>) semaphore(%arg10 : memref<!tpu.dma_semaphore, #tpu.memory_space<semaphore_mem>>)
    %dma_start3A_43 = arith.constant 3 : i32
    %dma_start3A_44 = arith.constant 3 : i32
    %dma_start3A_45 = arith.constant 0 : i32
    %dma_start3A_46 = arith.constant 0 : i32
    %dma_start3A_47 = tpu.memref_slice %arg8[%dma_start3A_44, %dma_start3A_45, %dma_start3A_46] : memref<8x32x128xi32, #tpu.memory_space<vmem>> -> memref<1x32x128xi32, #tpu.memory_space<vmem>>
    %dma_start3A_48 = tpu.memref_squeeze %dma_start3A_47 : memref<1x32x128xi32, #tpu.memory_space<vmem>> -> memref<32x128xi32, #tpu.memory_space<vmem>>
    %dma_start3A_49 = arith.constant 0 : i32
    %dma_start3A_50 = tpu.memref_slice %arg7[%dma_start3A_43, %dma_start3A_49] : memref<32x128xi32, #tpu.memory_space<vmem>> -> memref<1x32xi32, #tpu.memory_space<vmem>>
    %dma_start3A_51 = tpu.memref_squeeze %dma_start3A_50 : memref<1x32xi32, #tpu.memory_space<vmem>> -> memref<32xi32, #tpu.memory_space<vmem>>
    %dma_start3A_52 = arith.constant 0 : i32
    %dma_start3A_53 = arith.constant 0 : i32
    %dma_start3A_54 = tpu.memref_slice %arg2[%dma_start3A_52, %dma_start3A_53] : memref<4096x128xi32, #tpu.memory_space<hbm>> -> memref<4096x128xi32, #tpu.memory_space<hbm>>
    tpu.enqueue_indirect_dma source(%dma_start3A_54 : memref<4096x128xi32, #tpu.memory_space<hbm>>) target(%dma_start3A_48 : memref<32x128xi32, #tpu.memory_space<vmem>>) offsets(%dma_start3A_51 : memref<32xi32, #tpu.memory_space<vmem>>) semaphore(%arg10 : memref<!tpu.dma_semaphore, #tpu.memory_space<semaphore_mem>>)
    %dma_start3A_55 = arith.constant 4 : i32
    %dma_start3A_56 = arith.constant 4 : i32
    %dma_start3A_57 = arith.constant 0 : i32
    %dma_start3A_58 = arith.constant 0 : i32
    %dma_start3A_59 = tpu.memref_slice %arg8[%dma_start3A_56, %dma_start3A_57, %dma_start3A_58] : memref<8x32x128xi32, #tpu.memory_space<vmem>> -> memref<1x32x128xi32, #tpu.memory_space<vmem>>
    %dma_start3A_60 = tpu.memref_squeeze %dma_start3A_59 : memref<1x32x128xi32, #tpu.memory_space<vmem>> -> memref<32x128xi32, #tpu.memory_space<vmem>>
    %dma_start3A_61 = arith.constant 0 : i32
    %dma_start3A_62 = tpu.memref_slice %arg7[%dma_start3A_55, %dma_start3A_61] : memref<32x128xi32, #tpu.memory_space<vmem>> -> memref<1x32xi32, #tpu.memory_space<vmem>>
    %dma_start3A_63 = tpu.memref_squeeze %dma_start3A_62 : memref<1x32xi32, #tpu.memory_space<vmem>> -> memref<32xi32, #tpu.memory_space<vmem>>
    %dma_start3A_64 = arith.constant 0 : i32
    %dma_start3A_65 = arith.constant 0 : i32
    %dma_start3A_66 = tpu.memref_slice %arg2[%dma_start3A_64, %dma_start3A_65] : memref<4096x128xi32, #tpu.memory_space<hbm>> -> memref<4096x128xi32, #tpu.memory_space<hbm>>
    tpu.enqueue_indirect_dma source(%dma_start3A_66 : memref<4096x128xi32, #tpu.memory_space<hbm>>) target(%dma_start3A_60 : memref<32x128xi32, #tpu.memory_space<vmem>>) offsets(%dma_start3A_63 : memref<32xi32, #tpu.memory_space<vmem>>) semaphore(%arg10 : memref<!tpu.dma_semaphore, #tpu.memory_space<semaphore_mem>>)
    %dma_start3A_67 = arith.constant 5 : i32
    %dma_start3A_68 = arith.constant 5 : i32
    %dma_start3A_69 = arith.constant 0 : i32
    %dma_start3A_70 = arith.constant 0 : i32
    %dma_start3A_71 = tpu.memref_slice %arg8[%dma_start3A_68, %dma_start3A_69, %dma_start3A_70] : memref<8x32x128xi32, #tpu.memory_space<vmem>> -> memref<1x32x128xi32, #tpu.memory_space<vmem>>
    %dma_start3A_72 = tpu.memref_squeeze %dma_start3A_71 : memref<1x32x128xi32, #tpu.memory_space<vmem>> -> memref<32x128xi32, #tpu.memory_space<vmem>>
    %dma_start3A_73 = arith.constant 0 : i32
    %dma_start3A_74 = tpu.memref_slice %arg7[%dma_start3A_67, %dma_start3A_73] : memref<32x128xi32, #tpu.memory_space<vmem>> -> memref<1x32xi32, #tpu.memory_space<vmem>>
    %dma_start3A_75 = tpu.memref_squeeze %dma_start3A_74 : memref<1x32xi32, #tpu.memory_space<vmem>> -> memref<32xi32, #tpu.memory_space<vmem>>
    %dma_start3A_76 = arith.constant 0 : i32
    %dma_start3A_77 = arith.constant 0 : i32
    %dma_start3A_78 = tpu.memref_slice %arg2[%dma_start3A_76, %dma_start3A_77] : memref<4096x128xi32, #tpu.memory_space<hbm>> -> memref<4096x128xi32, #tpu.memory_space<hbm>>
    tpu.enqueue_indirect_dma source(%dma_start3A_78 : memref<4096x128xi32, #tpu.memory_space<hbm>>) target(%dma_start3A_72 : memref<32x128xi32, #tpu.memory_space<vmem>>) offsets(%dma_start3A_75 : memref<32xi32, #tpu.memory_space<vmem>>) semaphore(%arg10 : memref<!tpu.dma_semaphore, #tpu.memory_space<semaphore_mem>>)
    %dma_start3A_79 = arith.constant 6 : i32
    %dma_start3A_80 = arith.constant 6 : i32
    %dma_start3A_81 = arith.constant 0 : i32
    %dma_start3A_82 = arith.constant 0 : i32
    %dma_start3A_83 = tpu.memref_slice %arg8[%dma_start3A_80, %dma_start3A_81, %dma_start3A_82] : memref<8x32x128xi32, #tpu.memory_space<vmem>> -> memref<1x32x128xi32, #tpu.memory_space<vmem>>
    %dma_start3A_84 = tpu.memref_squeeze %dma_start3A_83 : memref<1x32x128xi32, #tpu.memory_space<vmem>> -> memref<32x128xi32, #tpu.memory_space<vmem>>
    %dma_start3A_85 = arith.constant 0 : i32
    %dma_start3A_86 = tpu.memref_slice %arg7[%dma_start3A_79, %dma_start3A_85] : memref<32x128xi32, #tpu.memory_space<vmem>> -> memref<1x32xi32, #tpu.memory_space<vmem>>
    %dma_start3A_87 = tpu.memref_squeeze %dma_start3A_86 : memref<1x32xi32, #tpu.memory_space<vmem>> -> memref<32xi32, #tpu.memory_space<vmem>>
    %dma_start3A_88 = arith.constant 0 : i32
    %dma_start3A_89 = arith.constant 0 : i32
    %dma_start3A_90 = tpu.memref_slice %arg2[%dma_start3A_88, %dma_start3A_89] : memref<4096x128xi32, #tpu.memory_space<hbm>> -> memref<4096x128xi32, #tpu.memory_space<hbm>>
    tpu.enqueue_indirect_dma source(%dma_start3A_90 : memref<4096x128xi32, #tpu.memory_space<hbm>>) target(%dma_start3A_84 : memref<32x128xi32, #tpu.memory_space<vmem>>) offsets(%dma_start3A_87 : memref<32xi32, #tpu.memory_space<vmem>>) semaphore(%arg10 : memref<!tpu.dma_semaphore, #tpu.memory_space<semaphore_mem>>)
    %dma_start3A_91 = arith.constant 7 : i32
    %dma_start3A_92 = arith.constant 7 : i32
    %dma_start3A_93 = arith.constant 0 : i32
    %dma_start3A_94 = arith.constant 0 : i32
    %dma_start3A_95 = tpu.memref_slice %arg8[%dma_start3A_92, %dma_start3A_93, %dma_start3A_94] : memref<8x32x128xi32, #tpu.memory_space<vmem>> -> memref<1x32x128xi32, #tpu.memory_space<vmem>>
    %dma_start3A_96 = tpu.memref_squeeze %dma_start3A_95 : memref<1x32x128xi32, #tpu.memory_space<vmem>> -> memref<32x128xi32, #tpu.memory_space<vmem>>
    %dma_start3A_97 = arith.constant 0 : i32
    %dma_start3A_98 = tpu.memref_slice %arg7[%dma_start3A_91, %dma_start3A_97] : memref<32x128xi32, #tpu.memory_space<vmem>> -> memref<1x32xi32, #tpu.memory_space<vmem>>
    %dma_start3A_99 = tpu.memref_squeeze %dma_start3A_98 : memref<1x32xi32, #tpu.memory_space<vmem>> -> memref<32xi32, #tpu.memory_space<vmem>>
    %dma_start3A_100 = arith.constant 0 : i32
    %dma_start3A_101 = arith.constant 0 : i32
    %dma_start3A_102 = tpu.memref_slice %arg2[%dma_start3A_100, %dma_start3A_101] : memref<4096x128xi32, #tpu.memory_space<hbm>> -> memref<4096x128xi32, #tpu.memory_space<hbm>>
    tpu.enqueue_indirect_dma source(%dma_start3A_102 : memref<4096x128xi32, #tpu.memory_space<hbm>>) target(%dma_start3A_96 : memref<32x128xi32, #tpu.memory_space<vmem>>) offsets(%dma_start3A_99 : memref<32xi32, #tpu.memory_space<vmem>>) semaphore(%arg10 : memref<!tpu.dma_semaphore, #tpu.memory_space<semaphore_mem>>)
    %dma_wait3A_103 = arith.constant 0 : i32
    %dma_wait3A_104 = arith.constant 0 : i32
    %dma_wait3A_105 = arith.constant 0 : i32
    %dma_wait3A_106 = arith.constant 0 : i32
    %dma_wait3A_107 = tpu.memref_slice %arg8[%dma_wait3A_104, %dma_wait3A_105, %dma_wait3A_106] : memref<8x32x128xi32, #tpu.memory_space<vmem>> -> memref<1x32x128xi32, #tpu.memory_space<vmem>>
    %dma_wait3A_108 = tpu.memref_squeeze %dma_wait3A_107 : memref<1x32x128xi32, #tpu.memory_space<vmem>> -> memref<32x128xi32, #tpu.memory_space<vmem>>
    %dma_wait3A_109 = arith.constant 0 : i32
    %dma_wait3A_110 = tpu.memref_slice %arg7[%dma_wait3A_103, %dma_wait3A_109] : memref<32x128xi32, #tpu.memory_space<vmem>> -> memref<1x32xi32, #tpu.memory_space<vmem>>
    %dma_wait3A_111 = tpu.memref_squeeze %dma_wait3A_110 : memref<1x32xi32, #tpu.memory_space<vmem>> -> memref<32xi32, #tpu.memory_space<vmem>>
    %dma_wait3A_112 = arith.constant 0 : i32
    %dma_wait3A_113 = arith.constant 0 : i32
    %dma_wait3A_114 = tpu.memref_slice %arg2[%dma_wait3A_112, %dma_wait3A_113] : memref<4096x128xi32, #tpu.memory_space<hbm>> -> memref<4096x128xi32, #tpu.memory_space<hbm>>
    tpu.wait_indirect_dma semaphore(%arg10 : memref<!tpu.dma_semaphore, #tpu.memory_space<semaphore_mem>>) src(%dma_wait3A_114 : memref<4096x128xi32, #tpu.memory_space<hbm>>) dst(%dma_wait3A_108 : memref<32x128xi32, #tpu.memory_space<vmem>>)
    %dma_wait3A_115 = arith.constant 1 : i32
    %dma_wait3A_116 = arith.constant 1 : i32
    %dma_wait3A_117 = arith.constant 0 : i32
    %dma_wait3A_118 = arith.constant 0 : i32
    %dma_wait3A_119 = tpu.memref_slice %arg8[%dma_wait3A_116, %dma_wait3A_117, %dma_wait3A_118] : memref<8x32x128xi32, #tpu.memory_space<vmem>> -> memref<1x32x128xi32, #tpu.memory_space<vmem>>
    %dma_wait3A_120 = tpu.memref_squeeze %dma_wait3A_119 : memref<1x32x128xi32, #tpu.memory_space<vmem>> -> memref<32x128xi32, #tpu.memory_space<vmem>>
    %dma_wait3A_121 = arith.constant 0 : i32
    %dma_wait3A_122 = tpu.memref_slice %arg7[%dma_wait3A_115, %dma_wait3A_121] : memref<32x128xi32, #tpu.memory_space<vmem>> -> memref<1x32xi32, #tpu.memory_space<vmem>>
    %dma_wait3A_123 = tpu.memref_squeeze %dma_wait3A_122 : memref<1x32xi32, #tpu.memory_space<vmem>> -> memref<32xi32, #tpu.memory_space<vmem>>
    %dma_wait3A_124 = arith.constant 0 : i32
    %dma_wait3A_125 = arith.constant 0 : i32
    %dma_wait3A_126 = tpu.memref_slice %arg2[%dma_wait3A_124, %dma_wait3A_125] : memref<4096x128xi32, #tpu.memory_space<hbm>> -> memref<4096x128xi32, #tpu.memory_space<hbm>>
    tpu.wait_indirect_dma semaphore(%arg10 : memref<!tpu.dma_semaphore, #tpu.memory_space<semaphore_mem>>) src(%dma_wait3A_126 : memref<4096x128xi32, #tpu.memory_space<hbm>>) dst(%dma_wait3A_120 : memref<32x128xi32, #tpu.memory_space<vmem>>)
    %dma_wait3A_127 = arith.constant 2 : i32
    %dma_wait3A_128 = arith.constant 2 : i32
    %dma_wait3A_129 = arith.constant 0 : i32
    %dma_wait3A_130 = arith.constant 0 : i32
    %dma_wait3A_131 = tpu.memref_slice %arg8[%dma_wait3A_128, %dma_wait3A_129, %dma_wait3A_130] : memref<8x32x128xi32, #tpu.memory_space<vmem>> -> memref<1x32x128xi32, #tpu.memory_space<vmem>>
    %dma_wait3A_132 = tpu.memref_squeeze %dma_wait3A_131 : memref<1x32x128xi32, #tpu.memory_space<vmem>> -> memref<32x128xi32, #tpu.memory_space<vmem>>
    %dma_wait3A_133 = arith.constant 0 : i32
    %dma_wait3A_134 = tpu.memref_slice %arg7[%dma_wait3A_127, %dma_wait3A_133] : memref<32x128xi32, #tpu.memory_space<vmem>> -> memref<1x32xi32, #tpu.memory_space<vmem>>
    %dma_wait3A_135 = tpu.memref_squeeze %dma_wait3A_134 : memref<1x32xi32, #tpu.memory_space<vmem>> -> memref<32xi32, #tpu.memory_space<vmem>>
    %dma_wait3A_136 = arith.constant 0 : i32
    %dma_wait3A_137 = arith.constant 0 : i32
    %dma_wait3A_138 = tpu.memref_slice %arg2[%dma_wait3A_136, %dma_wait3A_137] : memref<4096x128xi32, #tpu.memory_space<hbm>> -> memref<4096x128xi32, #tpu.memory_space<hbm>>
    tpu.wait_indirect_dma semaphore(%arg10 : memref<!tpu.dma_semaphore, #tpu.memory_space<semaphore_mem>>) src(%dma_wait3A_138 : memref<4096x128xi32, #tpu.memory_space<hbm>>) dst(%dma_wait3A_132 : memref<32x128xi32, #tpu.memory_space<vmem>>)
    %dma_wait3A_139 = arith.constant 3 : i32
    %dma_wait3A_140 = arith.constant 3 : i32
    %dma_wait3A_141 = arith.constant 0 : i32
    %dma_wait3A_142 = arith.constant 0 : i32
    %dma_wait3A_143 = tpu.memref_slice %arg8[%dma_wait3A_140, %dma_wait3A_141, %dma_wait3A_142] : memref<8x32x128xi32, #tpu.memory_space<vmem>> -> memref<1x32x128xi32, #tpu.memory_space<vmem>>
    %dma_wait3A_144 = tpu.memref_squeeze %dma_wait3A_143 : memref<1x32x128xi32, #tpu.memory_space<vmem>> -> memref<32x128xi32, #tpu.memory_space<vmem>>
    %dma_wait3A_145 = arith.constant 0 : i32
    %dma_wait3A_146 = tpu.memref_slice %arg7[%dma_wait3A_139, %dma_wait3A_145] : memref<32x128xi32, #tpu.memory_space<vmem>> -> memref<1x32xi32, #tpu.memory_space<vmem>>
    %dma_wait3A_147 = tpu.memref_squeeze %dma_wait3A_146 : memref<1x32xi32, #tpu.memory_space<vmem>> -> memref<32xi32, #tpu.memory_space<vmem>>
    %dma_wait3A_148 = arith.constant 0 : i32
    %dma_wait3A_149 = arith.constant 0 : i32
    %dma_wait3A_150 = tpu.memref_slice %arg2[%dma_wait3A_148, %dma_wait3A_149] : memref<4096x128xi32, #tpu.memory_space<hbm>> -> memref<4096x128xi32, #tpu.memory_space<hbm>>
    tpu.wait_indirect_dma semaphore(%arg10 : memref<!tpu.dma_semaphore, #tpu.memory_space<semaphore_mem>>) src(%dma_wait3A_150 : memref<4096x128xi32, #tpu.memory_space<hbm>>) dst(%dma_wait3A_144 : memref<32x128xi32, #tpu.memory_space<vmem>>)
    %dma_wait3A_151 = arith.constant 4 : i32
    %dma_wait3A_152 = arith.constant 4 : i32
    %dma_wait3A_153 = arith.constant 0 : i32
    %dma_wait3A_154 = arith.constant 0 : i32
    %dma_wait3A_155 = tpu.memref_slice %arg8[%dma_wait3A_152, %dma_wait3A_153, %dma_wait3A_154] : memref<8x32x128xi32, #tpu.memory_space<vmem>> -> memref<1x32x128xi32, #tpu.memory_space<vmem>>
    %dma_wait3A_156 = tpu.memref_squeeze %dma_wait3A_155 : memref<1x32x128xi32, #tpu.memory_space<vmem>> -> memref<32x128xi32, #tpu.memory_space<vmem>>
    %dma_wait3A_157 = arith.constant 0 : i32
    %dma_wait3A_158 = tpu.memref_slice %arg7[%dma_wait3A_151, %dma_wait3A_157] : memref<32x128xi32, #tpu.memory_space<vmem>> -> memref<1x32xi32, #tpu.memory_space<vmem>>
    %dma_wait3A_159 = tpu.memref_squeeze %dma_wait3A_158 : memref<1x32xi32, #tpu.memory_space<vmem>> -> memref<32xi32, #tpu.memory_space<vmem>>
    %dma_wait3A_160 = arith.constant 0 : i32
    %dma_wait3A_161 = arith.constant 0 : i32
    %dma_wait3A_162 = tpu.memref_slice %arg2[%dma_wait3A_160, %dma_wait3A_161] : memref<4096x128xi32, #tpu.memory_space<hbm>> -> memref<4096x128xi32, #tpu.memory_space<hbm>>
    tpu.wait_indirect_dma semaphore(%arg10 : memref<!tpu.dma_semaphore, #tpu.memory_space<semaphore_mem>>) src(%dma_wait3A_162 : memref<4096x128xi32, #tpu.memory_space<hbm>>) dst(%dma_wait3A_156 : memref<32x128xi32, #tpu.memory_space<vmem>>)
    %dma_wait3A_163 = arith.constant 5 : i32
    %dma_wait3A_164 = arith.constant 5 : i32
    %dma_wait3A_165 = arith.constant 0 : i32
    %dma_wait3A_166 = arith.constant 0 : i32
    %dma_wait3A_167 = tpu.memref_slice %arg8[%dma_wait3A_164, %dma_wait3A_165, %dma_wait3A_166] : memref<8x32x128xi32, #tpu.memory_space<vmem>> -> memref<1x32x128xi32, #tpu.memory_space<vmem>>
    %dma_wait3A_168 = tpu.memref_squeeze %dma_wait3A_167 : memref<1x32x128xi32, #tpu.memory_space<vmem>> -> memref<32x128xi32, #tpu.memory_space<vmem>>
    %dma_wait3A_169 = arith.constant 0 : i32
    %dma_wait3A_170 = tpu.memref_slice %arg7[%dma_wait3A_163, %dma_wait3A_169] : memref<32x128xi32, #tpu.memory_space<vmem>> -> memref<1x32xi32, #tpu.memory_space<vmem>>
    %dma_wait3A_171 = tpu.memref_squeeze %dma_wait3A_170 : memref<1x32xi32, #tpu.memory_space<vmem>> -> memref<32xi32, #tpu.memory_space<vmem>>
    %dma_wait3A_172 = arith.constant 0 : i32
    %dma_wait3A_173 = arith.constant 0 : i32
    %dma_wait3A_174 = tpu.memref_slice %arg2[%dma_wait3A_172, %dma_wait3A_173] : memref<4096x128xi32, #tpu.memory_space<hbm>> -> memref<4096x128xi32, #tpu.memory_space<hbm>>
    tpu.wait_indirect_dma semaphore(%arg10 : memref<!tpu.dma_semaphore, #tpu.memory_space<semaphore_mem>>) src(%dma_wait3A_174 : memref<4096x128xi32, #tpu.memory_space<hbm>>) dst(%dma_wait3A_168 : memref<32x128xi32, #tpu.memory_space<vmem>>)
    %dma_wait3A_175 = arith.constant 6 : i32
    %dma_wait3A_176 = arith.constant 6 : i32
    %dma_wait3A_177 = arith.constant 0 : i32
    %dma_wait3A_178 = arith.constant 0 : i32
    %dma_wait3A_179 = tpu.memref_slice %arg8[%dma_wait3A_176, %dma_wait3A_177, %dma_wait3A_178] : memref<8x32x128xi32, #tpu.memory_space<vmem>> -> memref<1x32x128xi32, #tpu.memory_space<vmem>>
    %dma_wait3A_180 = tpu.memref_squeeze %dma_wait3A_179 : memref<1x32x128xi32, #tpu.memory_space<vmem>> -> memref<32x128xi32, #tpu.memory_space<vmem>>
    %dma_wait3A_181 = arith.constant 0 : i32
    %dma_wait3A_182 = tpu.memref_slice %arg7[%dma_wait3A_175, %dma_wait3A_181] : memref<32x128xi32, #tpu.memory_space<vmem>> -> memref<1x32xi32, #tpu.memory_space<vmem>>
    %dma_wait3A_183 = tpu.memref_squeeze %dma_wait3A_182 : memref<1x32xi32, #tpu.memory_space<vmem>> -> memref<32xi32, #tpu.memory_space<vmem>>
    %dma_wait3A_184 = arith.constant 0 : i32
    %dma_wait3A_185 = arith.constant 0 : i32
    %dma_wait3A_186 = tpu.memref_slice %arg2[%dma_wait3A_184, %dma_wait3A_185] : memref<4096x128xi32, #tpu.memory_space<hbm>> -> memref<4096x128xi32, #tpu.memory_space<hbm>>
    tpu.wait_indirect_dma semaphore(%arg10 : memref<!tpu.dma_semaphore, #tpu.memory_space<semaphore_mem>>) src(%dma_wait3A_186 : memref<4096x128xi32, #tpu.memory_space<hbm>>) dst(%dma_wait3A_180 : memref<32x128xi32, #tpu.memory_space<vmem>>)
    %dma_wait3A_187 = arith.constant 7 : i32
    %dma_wait3A_188 = arith.constant 7 : i32
    %dma_wait3A_189 = arith.constant 0 : i32
    %dma_wait3A_190 = arith.constant 0 : i32
    %dma_wait3A_191 = tpu.memref_slice %arg8[%dma_wait3A_188, %dma_wait3A_189, %dma_wait3A_190] : memref<8x32x128xi32, #tpu.memory_space<vmem>> -> memref<1x32x128xi32, #tpu.memory_space<vmem>>
    %dma_wait3A_192 = tpu.memref_squeeze %dma_wait3A_191 : memref<1x32x128xi32, #tpu.memory_space<vmem>> -> memref<32x128xi32, #tpu.memory_space<vmem>>
    %dma_wait3A_193 = arith.constant 0 : i32
    %dma_wait3A_194 = tpu.memref_slice %arg7[%dma_wait3A_187, %dma_wait3A_193] : memref<32x128xi32, #tpu.memory_space<vmem>> -> memref<1x32xi32, #tpu.memory_space<vmem>>
    %dma_wait3A_195 = tpu.memref_squeeze %dma_wait3A_194 : memref<1x32xi32, #tpu.memory_space<vmem>> -> memref<32xi32, #tpu.memory_space<vmem>>
    %dma_wait3A_196 = arith.constant 0 : i32
    %dma_wait3A_197 = arith.constant 0 : i32
    %dma_wait3A_198 = tpu.memref_slice %arg2[%dma_wait3A_196, %dma_wait3A_197] : memref<4096x128xi32, #tpu.memory_space<hbm>> -> memref<4096x128xi32, #tpu.memory_space<hbm>>
    tpu.wait_indirect_dma semaphore(%arg10 : memref<!tpu.dma_semaphore, #tpu.memory_space<semaphore_mem>>) src(%dma_wait3A_198 : memref<4096x128xi32, #tpu.memory_space<hbm>>) dst(%dma_wait3A_192 : memref<32x128xi32, #tpu.memory_space<vmem>>)
    %add3A_199 = arith.constant 0 : i32
    %add3A_200 = arith.addi %mul3A_2, %add3A_199 : i32
    "tpu.region"() ({
      %run_scoped3A = tpu.sem_alloc : memref<!tpu.dma_semaphore, #tpu.memory_space<semaphore_mem>>
      %dma_start3A_783 = arith.constant 0 : i32
      %dma_start3A_784 = arith.constant 0 : i32
      %dma_start3A_785 = tpu.memref_slice %arg5[%add3A_200, %dma_start3A_783, %dma_start3A_784] : memref<1024x32x128xi32, #tpu.memory_space<hbm>> -> memref<8x32x128xi32, #tpu.memory_space<hbm>>
      %dma_start3A_786 = arith.constant 0 : i32
      %dma_start3A_787 = arith.constant 0 : i32
      %dma_start3A_788 = tpu.memref_slice %arg5[%add3A_200, %dma_start3A_786, %dma_start3A_787] : memref<1024x32x128xi32, #tpu.memory_space<hbm>> -> memref<8x32x128xi32, #tpu.memory_space<hbm>>
      tpu.enqueue_dma source(%arg8 : memref<8x32x128xi32, #tpu.memory_space<vmem>>) target(%dma_start3A_788 : memref<8x32x128xi32, #tpu.memory_space<hbm>>) target_semaphore(%run_scoped3A : memref<!tpu.dma_semaphore, #tpu.memory_space<semaphore_mem>>)
      %dma_wait3A_789 = arith.constant 0 : i32
      %dma_wait3A_790 = arith.constant 0 : i32
      %dma_wait3A_791 = tpu.memref_slice %arg5[%add3A_200, %dma_wait3A_789, %dma_wait3A_790] : memref<1024x32x128xi32, #tpu.memory_space<hbm>> -> memref<8x32x128xi32, #tpu.memory_space<hbm>>
      %dma_wait3A_792 = arith.constant 0 : i32
      %dma_wait3A_793 = arith.constant 0 : i32
      %dma_wait3A_794 = tpu.memref_slice %arg5[%add3A_200, %dma_wait3A_792, %dma_wait3A_793] : memref<1024x32x128xi32, #tpu.memory_space<hbm>> -> memref<8x32x128xi32, #tpu.memory_space<hbm>>
      tpu.wait_dma2 semaphore(%run_scoped3A : memref<!tpu.dma_semaphore, #tpu.memory_space<semaphore_mem>>) src(%arg8 : memref<8x32x128xi32, #tpu.memory_space<vmem>>) dst(%dma_wait3A_794 : memref<8x32x128xi32, #tpu.memory_space<hbm>>)
      tpu.yield
    }) : () -> ()
    %dma_start3A_201 = arith.constant 8 : i32
    %dma_start3A_202 = arith.constant 0 : i32
    %dma_start3A_203 = arith.constant 0 : i32
    %dma_start3A_204 = arith.constant 0 : i32
    %dma_start3A_205 = tpu.memref_slice %arg8[%dma_start3A_202, %dma_start3A_203, %dma_start3A_204] : memref<8x32x128xi32, #tpu.memory_space<vmem>> -> memref<1x32x128xi32, #tpu.memory_space<vmem>>
    %dma_start3A_206 = tpu.memref_squeeze %dma_start3A_205 : memref<1x32x128xi32, #tpu.memory_space<vmem>> -> memref<32x128xi32, #tpu.memory_space<vmem>>
    %dma_start3A_207 = arith.constant 0 : i32
    %dma_start3A_208 = tpu.memref_slice %arg7[%dma_start3A_201, %dma_start3A_207] : memref<32x128xi32, #tpu.memory_space<vmem>> -> memref<1x32xi32, #tpu.memory_space<vmem>>
    %dma_start3A_209 = tpu.memref_squeeze %dma_start3A_208 : memref<1x32xi32, #tpu.memory_space<vmem>> -> memref<32xi32, #tpu.memory_space<vmem>>
    %dma_start3A_210 = arith.constant 0 : i32
    %dma_start3A_211 = arith.constant 0 : i32
    %dma_start3A_212 = tpu.memref_slice %arg2[%dma_start3A_210, %dma_start3A_211] : memref<4096x128xi32, #tpu.memory_space<hbm>> -> memref<4096x128xi32, #tpu.memory_space<hbm>>
    tpu.enqueue_indirect_dma source(%dma_start3A_212 : memref<4096x128xi32, #tpu.memory_space<hbm>>) target(%dma_start3A_206 : memref<32x128xi32, #tpu.memory_space<vmem>>) offsets(%dma_start3A_209 : memref<32xi32, #tpu.memory_space<vmem>>) semaphore(%arg10 : memref<!tpu.dma_semaphore, #tpu.memory_space<semaphore_mem>>)
    %dma_start3A_213 = arith.constant 9 : i32
    %dma_start3A_214 = arith.constant 1 : i32
    %dma_start3A_215 = arith.constant 0 : i32
    %dma_start3A_216 = arith.constant 0 : i32
    %dma_start3A_217 = tpu.memref_slice %arg8[%dma_start3A_214, %dma_start3A_215, %dma_start3A_216] : memref<8x32x128xi32, #tpu.memory_space<vmem>> -> memref<1x32x128xi32, #tpu.memory_space<vmem>>
    %dma_start3A_218 = tpu.memref_squeeze %dma_start3A_217 : memref<1x32x128xi32, #tpu.memory_space<vmem>> -> memref<32x128xi32, #tpu.memory_space<vmem>>
    %dma_start3A_219 = arith.constant 0 : i32
    %dma_start3A_220 = tpu.memref_slice %arg7[%dma_start3A_213, %dma_start3A_219] : memref<32x128xi32, #tpu.memory_space<vmem>> -> memref<1x32xi32, #tpu.memory_space<vmem>>
    %dma_start3A_221 = tpu.memref_squeeze %dma_start3A_220 : memref<1x32xi32, #tpu.memory_space<vmem>> -> memref<32xi32, #tpu.memory_space<vmem>>
    %dma_start3A_222 = arith.constant 0 : i32
    %dma_start3A_223 = arith.constant 0 : i32
    %dma_start3A_224 = tpu.memref_slice %arg2[%dma_start3A_222, %dma_start3A_223] : memref<4096x128xi32, #tpu.memory_space<hbm>> -> memref<4096x128xi32, #tpu.memory_space<hbm>>
    tpu.enqueue_indirect_dma source(%dma_start3A_224 : memref<4096x128xi32, #tpu.memory_space<hbm>>) target(%dma_start3A_218 : memref<32x128xi32, #tpu.memory_space<vmem>>) offsets(%dma_start3A_221 : memref<32xi32, #tpu.memory_space<vmem>>) semaphore(%arg10 : memref<!tpu.dma_semaphore, #tpu.memory_space<semaphore_mem>>)
    %dma_start3A_225 = arith.constant 10 : i32
    %dma_start3A_226 = arith.constant 2 : i32
    %dma_start3A_227 = arith.constant 0 : i32
    %dma_start3A_228 = arith.constant 0 : i32
    %dma_start3A_229 = tpu.memref_slice %arg8[%dma_start3A_226, %dma_start3A_227, %dma_start3A_228] : memref<8x32x128xi32, #tpu.memory_space<vmem>> -> memref<1x32x128xi32, #tpu.memory_space<vmem>>
    %dma_start3A_230 = tpu.memref_squeeze %dma_start3A_229 : memref<1x32x128xi32, #tpu.memory_space<vmem>> -> memref<32x128xi32, #tpu.memory_space<vmem>>
    %dma_start3A_231 = arith.constant 0 : i32
    %dma_start3A_232 = tpu.memref_slice %arg7[%dma_start3A_225, %dma_start3A_231] : memref<32x128xi32, #tpu.memory_space<vmem>> -> memref<1x32xi32, #tpu.memory_space<vmem>>
    %dma_start3A_233 = tpu.memref_squeeze %dma_start3A_232 : memref<1x32xi32, #tpu.memory_space<vmem>> -> memref<32xi32, #tpu.memory_space<vmem>>
    %dma_start3A_234 = arith.constant 0 : i32
    %dma_start3A_235 = arith.constant 0 : i32
    %dma_start3A_236 = tpu.memref_slice %arg2[%dma_start3A_234, %dma_start3A_235] : memref<4096x128xi32, #tpu.memory_space<hbm>> -> memref<4096x128xi32, #tpu.memory_space<hbm>>
    tpu.enqueue_indirect_dma source(%dma_start3A_236 : memref<4096x128xi32, #tpu.memory_space<hbm>>) target(%dma_start3A_230 : memref<32x128xi32, #tpu.memory_space<vmem>>) offsets(%dma_start3A_233 : memref<32xi32, #tpu.memory_space<vmem>>) semaphore(%arg10 : memref<!tpu.dma_semaphore, #tpu.memory_space<semaphore_mem>>)
    %dma_start3A_237 = arith.constant 11 : i32
    %dma_start3A_238 = arith.constant 3 : i32
    %dma_start3A_239 = arith.constant 0 : i32
    %dma_start3A_240 = arith.constant 0 : i32
    %dma_start3A_241 = tpu.memref_slice %arg8[%dma_start3A_238, %dma_start3A_239, %dma_start3A_240] : memref<8x32x128xi32, #tpu.memory_space<vmem>> -> memref<1x32x128xi32, #tpu.memory_space<vmem>>
    %dma_start3A_242 = tpu.memref_squeeze %dma_start3A_241 : memref<1x32x128xi32, #tpu.memory_space<vmem>> -> memref<32x128xi32, #tpu.memory_space<vmem>>
    %dma_start3A_243 = arith.constant 0 : i32
    %dma_start3A_244 = tpu.memref_slice %arg7[%dma_start3A_237, %dma_start3A_243] : memref<32x128xi32, #tpu.memory_space<vmem>> -> memref<1x32xi32, #tpu.memory_space<vmem>>
    %dma_start3A_245 = tpu.memref_squeeze %dma_start3A_244 : memref<1x32xi32, #tpu.memory_space<vmem>> -> memref<32xi32, #tpu.memory_space<vmem>>
    %dma_start3A_246 = arith.constant 0 : i32
    %dma_start3A_247 = arith.constant 0 : i32
    %dma_start3A_248 = tpu.memref_slice %arg2[%dma_start3A_246, %dma_start3A_247] : memref<4096x128xi32, #tpu.memory_space<hbm>> -> memref<4096x128xi32, #tpu.memory_space<hbm>>
    tpu.enqueue_indirect_dma source(%dma_start3A_248 : memref<4096x128xi32, #tpu.memory_space<hbm>>) target(%dma_start3A_242 : memref<32x128xi32, #tpu.memory_space<vmem>>) offsets(%dma_start3A_245 : memref<32xi32, #tpu.memory_space<vmem>>) semaphore(%arg10 : memref<!tpu.dma_semaphore, #tpu.memory_space<semaphore_mem>>)
    %dma_start3A_249 = arith.constant 12 : i32
    %dma_start3A_250 = arith.constant 4 : i32
    %dma_start3A_251 = arith.constant 0 : i32
    %dma_start3A_252 = arith.constant 0 : i32
    %dma_start3A_253 = tpu.memref_slice %arg8[%dma_start3A_250, %dma_start3A_251, %dma_start3A_252] : memref<8x32x128xi32, #tpu.memory_space<vmem>> -> memref<1x32x128xi32, #tpu.memory_space<vmem>>
    %dma_start3A_254 = tpu.memref_squeeze %dma_start3A_253 : memref<1x32x128xi32, #tpu.memory_space<vmem>> -> memref<32x128xi32, #tpu.memory_space<vmem>>
    %dma_start3A_255 = arith.constant 0 : i32
    %dma_start3A_256 = tpu.memref_slice %arg7[%dma_start3A_249, %dma_start3A_255] : memref<32x128xi32, #tpu.memory_space<vmem>> -> memref<1x32xi32, #tpu.memory_space<vmem>>
    %dma_start3A_257 = tpu.memref_squeeze %dma_start3A_256 : memref<1x32xi32, #tpu.memory_space<vmem>> -> memref<32xi32, #tpu.memory_space<vmem>>
    %dma_start3A_258 = arith.constant 0 : i32
    %dma_start3A_259 = arith.constant 0 : i32
    %dma_start3A_260 = tpu.memref_slice %arg2[%dma_start3A_258, %dma_start3A_259] : memref<4096x128xi32, #tpu.memory_space<hbm>> -> memref<4096x128xi32, #tpu.memory_space<hbm>>
    tpu.enqueue_indirect_dma source(%dma_start3A_260 : memref<4096x128xi32, #tpu.memory_space<hbm>>) target(%dma_start3A_254 : memref<32x128xi32, #tpu.memory_space<vmem>>) offsets(%dma_start3A_257 : memref<32xi32, #tpu.memory_space<vmem>>) semaphore(%arg10 : memref<!tpu.dma_semaphore, #tpu.memory_space<semaphore_mem>>)
    %dma_start3A_261 = arith.constant 13 : i32
    %dma_start3A_262 = arith.constant 5 : i32
    %dma_start3A_263 = arith.constant 0 : i32
    %dma_start3A_264 = arith.constant 0 : i32
    %dma_start3A_265 = tpu.memref_slice %arg8[%dma_start3A_262, %dma_start3A_263, %dma_start3A_264] : memref<8x32x128xi32, #tpu.memory_space<vmem>> -> memref<1x32x128xi32, #tpu.memory_space<vmem>>
    %dma_start3A_266 = tpu.memref_squeeze %dma_start3A_265 : memref<1x32x128xi32, #tpu.memory_space<vmem>> -> memref<32x128xi32, #tpu.memory_space<vmem>>
    %dma_start3A_267 = arith.constant 0 : i32
    %dma_start3A_268 = tpu.memref_slice %arg7[%dma_start3A_261, %dma_start3A_267] : memref<32x128xi32, #tpu.memory_space<vmem>> -> memref<1x32xi32, #tpu.memory_space<vmem>>
    %dma_start3A_269 = tpu.memref_squeeze %dma_start3A_268 : memref<1x32xi32, #tpu.memory_space<vmem>> -> memref<32xi32, #tpu.memory_space<vmem>>
    %dma_start3A_270 = arith.constant 0 : i32
    %dma_start3A_271 = arith.constant 0 : i32
    %dma_start3A_272 = tpu.memref_slice %arg2[%dma_start3A_270, %dma_start3A_271] : memref<4096x128xi32, #tpu.memory_space<hbm>> -> memref<4096x128xi32, #tpu.memory_space<hbm>>
    tpu.enqueue_indirect_dma source(%dma_start3A_272 : memref<4096x128xi32, #tpu.memory_space<hbm>>) target(%dma_start3A_266 : memref<32x128xi32, #tpu.memory_space<vmem>>) offsets(%dma_start3A_269 : memref<32xi32, #tpu.memory_space<vmem>>) semaphore(%arg10 : memref<!tpu.dma_semaphore, #tpu.memory_space<semaphore_mem>>)
    %dma_start3A_273 = arith.constant 14 : i32
    %dma_start3A_274 = arith.constant 6 : i32
    %dma_start3A_275 = arith.constant 0 : i32
    %dma_start3A_276 = arith.constant 0 : i32
    %dma_start3A_277 = tpu.memref_slice %arg8[%dma_start3A_274, %dma_start3A_275, %dma_start3A_276] : memref<8x32x128xi32, #tpu.memory_space<vmem>> -> memref<1x32x128xi32, #tpu.memory_space<vmem>>
    %dma_start3A_278 = tpu.memref_squeeze %dma_start3A_277 : memref<1x32x128xi32, #tpu.memory_space<vmem>> -> memref<32x128xi32, #tpu.memory_space<vmem>>
    %dma_start3A_279 = arith.constant 0 : i32
    %dma_start3A_280 = tpu.memref_slice %arg7[%dma_start3A_273, %dma_start3A_279] : memref<32x128xi32, #tpu.memory_space<vmem>> -> memref<1x32xi32, #tpu.memory_space<vmem>>
    %dma_start3A_281 = tpu.memref_squeeze %dma_start3A_280 : memref<1x32xi32, #tpu.memory_space<vmem>> -> memref<32xi32, #tpu.memory_space<vmem>>
    %dma_start3A_282 = arith.constant 0 : i32
    %dma_start3A_283 = arith.constant 0 : i32
    %dma_start3A_284 = tpu.memref_slice %arg2[%dma_start3A_282, %dma_start3A_283] : memref<4096x128xi32, #tpu.memory_space<hbm>> -> memref<4096x128xi32, #tpu.memory_space<hbm>>
    tpu.enqueue_indirect_dma source(%dma_start3A_284 : memref<4096x128xi32, #tpu.memory_space<hbm>>) target(%dma_start3A_278 : memref<32x128xi32, #tpu.memory_space<vmem>>) offsets(%dma_start3A_281 : memref<32xi32, #tpu.memory_space<vmem>>) semaphore(%arg10 : memref<!tpu.dma_semaphore, #tpu.memory_space<semaphore_mem>>)
    %dma_start3A_285 = arith.constant 15 : i32
    %dma_start3A_286 = arith.constant 7 : i32
    %dma_start3A_287 = arith.constant 0 : i32
    %dma_start3A_288 = arith.constant 0 : i32
    %dma_start3A_289 = tpu.memref_slice %arg8[%dma_start3A_286, %dma_start3A_287, %dma_start3A_288] : memref<8x32x128xi32, #tpu.memory_space<vmem>> -> memref<1x32x128xi32, #tpu.memory_space<vmem>>
    %dma_start3A_290 = tpu.memref_squeeze %dma_start3A_289 : memref<1x32x128xi32, #tpu.memory_space<vmem>> -> memref<32x128xi32, #tpu.memory_space<vmem>>
    %dma_start3A_291 = arith.constant 0 : i32
    %dma_start3A_292 = tpu.memref_slice %arg7[%dma_start3A_285, %dma_start3A_291] : memref<32x128xi32, #tpu.memory_space<vmem>> -> memref<1x32xi32, #tpu.memory_space<vmem>>
    %dma_start3A_293 = tpu.memref_squeeze %dma_start3A_292 : memref<1x32xi32, #tpu.memory_space<vmem>> -> memref<32xi32, #tpu.memory_space<vmem>>
    %dma_start3A_294 = arith.constant 0 : i32
    %dma_start3A_295 = arith.constant 0 : i32
    %dma_start3A_296 = tpu.memref_slice %arg2[%dma_start3A_294, %dma_start3A_295] : memref<4096x128xi32, #tpu.memory_space<hbm>> -> memref<4096x128xi32, #tpu.memory_space<hbm>>
    tpu.enqueue_indirect_dma source(%dma_start3A_296 : memref<4096x128xi32, #tpu.memory_space<hbm>>) target(%dma_start3A_290 : memref<32x128xi32, #tpu.memory_space<vmem>>) offsets(%dma_start3A_293 : memref<32xi32, #tpu.memory_space<vmem>>) semaphore(%arg10 : memref<!tpu.dma_semaphore, #tpu.memory_space<semaphore_mem>>)
    %dma_wait3A_297 = arith.constant 8 : i32
    %dma_wait3A_298 = arith.constant 0 : i32
    %dma_wait3A_299 = arith.constant 0 : i32
    %dma_wait3A_300 = arith.constant 0 : i32
    %dma_wait3A_301 = tpu.memref_slice %arg8[%dma_wait3A_298, %dma_wait3A_299, %dma_wait3A_300] : memref<8x32x128xi32, #tpu.memory_space<vmem>> -> memref<1x32x128xi32, #tpu.memory_space<vmem>>
    %dma_wait3A_302 = tpu.memref_squeeze %dma_wait3A_301 : memref<1x32x128xi32, #tpu.memory_space<vmem>> -> memref<32x128xi32, #tpu.memory_space<vmem>>
    %dma_wait3A_303 = arith.constant 0 : i32
    %dma_wait3A_304 = tpu.memref_slice %arg7[%dma_wait3A_297, %dma_wait3A_303] : memref<32x128xi32, #tpu.memory_space<vmem>> -> memref<1x32xi32, #tpu.memory_space<vmem>>
    %dma_wait3A_305 = tpu.memref_squeeze %dma_wait3A_304 : memref<1x32xi32, #tpu.memory_space<vmem>> -> memref<32xi32, #tpu.memory_space<vmem>>
    %dma_wait3A_306 = arith.constant 0 : i32
    %dma_wait3A_307 = arith.constant 0 : i32
    %dma_wait3A_308 = tpu.memref_slice %arg2[%dma_wait3A_306, %dma_wait3A_307] : memref<4096x128xi32, #tpu.memory_space<hbm>> -> memref<4096x128xi32, #tpu.memory_space<hbm>>
    tpu.wait_indirect_dma semaphore(%arg10 : memref<!tpu.dma_semaphore, #tpu.memory_space<semaphore_mem>>) src(%dma_wait3A_308 : memref<4096x128xi32, #tpu.memory_space<hbm>>) dst(%dma_wait3A_302 : memref<32x128xi32, #tpu.memory_space<vmem>>)
    %dma_wait3A_309 = arith.constant 9 : i32
    %dma_wait3A_310 = arith.constant 1 : i32
    %dma_wait3A_311 = arith.constant 0 : i32
    %dma_wait3A_312 = arith.constant 0 : i32
    %dma_wait3A_313 = tpu.memref_slice %arg8[%dma_wait3A_310, %dma_wait3A_311, %dma_wait3A_312] : memref<8x32x128xi32, #tpu.memory_space<vmem>> -> memref<1x32x128xi32, #tpu.memory_space<vmem>>
    %dma_wait3A_314 = tpu.memref_squeeze %dma_wait3A_313 : memref<1x32x128xi32, #tpu.memory_space<vmem>> -> memref<32x128xi32, #tpu.memory_space<vmem>>
    %dma_wait3A_315 = arith.constant 0 : i32
    %dma_wait3A_316 = tpu.memref_slice %arg7[%dma_wait3A_309, %dma_wait3A_315] : memref<32x128xi32, #tpu.memory_space<vmem>> -> memref<1x32xi32, #tpu.memory_space<vmem>>
    %dma_wait3A_317 = tpu.memref_squeeze %dma_wait3A_316 : memref<1x32xi32, #tpu.memory_space<vmem>> -> memref<32xi32, #tpu.memory_space<vmem>>
    %dma_wait3A_318 = arith.constant 0 : i32
    %dma_wait3A_319 = arith.constant 0 : i32
    %dma_wait3A_320 = tpu.memref_slice %arg2[%dma_wait3A_318, %dma_wait3A_319] : memref<4096x128xi32, #tpu.memory_space<hbm>> -> memref<4096x128xi32, #tpu.memory_space<hbm>>
    tpu.wait_indirect_dma semaphore(%arg10 : memref<!tpu.dma_semaphore, #tpu.memory_space<semaphore_mem>>) src(%dma_wait3A_320 : memref<4096x128xi32, #tpu.memory_space<hbm>>) dst(%dma_wait3A_314 : memref<32x128xi32, #tpu.memory_space<vmem>>)
    %dma_wait3A_321 = arith.constant 10 : i32
    %dma_wait3A_322 = arith.constant 2 : i32
    %dma_wait3A_323 = arith.constant 0 : i32
    %dma_wait3A_324 = arith.constant 0 : i32
    %dma_wait3A_325 = tpu.memref_slice %arg8[%dma_wait3A_322, %dma_wait3A_323, %dma_wait3A_324] : memref<8x32x128xi32, #tpu.memory_space<vmem>> -> memref<1x32x128xi32, #tpu.memory_space<vmem>>
    %dma_wait3A_326 = tpu.memref_squeeze %dma_wait3A_325 : memref<1x32x128xi32, #tpu.memory_space<vmem>> -> memref<32x128xi32, #tpu.memory_space<vmem>>
    %dma_wait3A_327 = arith.constant 0 : i32
    %dma_wait3A_328 = tpu.memref_slice %arg7[%dma_wait3A_321, %dma_wait3A_327] : memref<32x128xi32, #tpu.memory_space<vmem>> -> memref<1x32xi32, #tpu.memory_space<vmem>>
    %dma_wait3A_329 = tpu.memref_squeeze %dma_wait3A_328 : memref<1x32xi32, #tpu.memory_space<vmem>> -> memref<32xi32, #tpu.memory_space<vmem>>
    %dma_wait3A_330 = arith.constant 0 : i32
    %dma_wait3A_331 = arith.constant 0 : i32
    %dma_wait3A_332 = tpu.memref_slice %arg2[%dma_wait3A_330, %dma_wait3A_331] : memref<4096x128xi32, #tpu.memory_space<hbm>> -> memref<4096x128xi32, #tpu.memory_space<hbm>>
    tpu.wait_indirect_dma semaphore(%arg10 : memref<!tpu.dma_semaphore, #tpu.memory_space<semaphore_mem>>) src(%dma_wait3A_332 : memref<4096x128xi32, #tpu.memory_space<hbm>>) dst(%dma_wait3A_326 : memref<32x128xi32, #tpu.memory_space<vmem>>)
    %dma_wait3A_333 = arith.constant 11 : i32
    %dma_wait3A_334 = arith.constant 3 : i32
    %dma_wait3A_335 = arith.constant 0 : i32
    %dma_wait3A_336 = arith.constant 0 : i32
    %dma_wait3A_337 = tpu.memref_slice %arg8[%dma_wait3A_334, %dma_wait3A_335, %dma_wait3A_336] : memref<8x32x128xi32, #tpu.memory_space<vmem>> -> memref<1x32x128xi32, #tpu.memory_space<vmem>>
    %dma_wait3A_338 = tpu.memref_squeeze %dma_wait3A_337 : memref<1x32x128xi32, #tpu.memory_space<vmem>> -> memref<32x128xi32, #tpu.memory_space<vmem>>
    %dma_wait3A_339 = arith.constant 0 : i32
    %dma_wait3A_340 = tpu.memref_slice %arg7[%dma_wait3A_333, %dma_wait3A_339] : memref<32x128xi32, #tpu.memory_space<vmem>> -> memref<1x32xi32, #tpu.memory_space<vmem>>
    %dma_wait3A_341 = tpu.memref_squeeze %dma_wait3A_340 : memref<1x32xi32, #tpu.memory_space<vmem>> -> memref<32xi32, #tpu.memory_space<vmem>>
    %dma_wait3A_342 = arith.constant 0 : i32
    %dma_wait3A_343 = arith.constant 0 : i32
    %dma_wait3A_344 = tpu.memref_slice %arg2[%dma_wait3A_342, %dma_wait3A_343] : memref<4096x128xi32, #tpu.memory_space<hbm>> -> memref<4096x128xi32, #tpu.memory_space<hbm>>
    tpu.wait_indirect_dma semaphore(%arg10 : memref<!tpu.dma_semaphore, #tpu.memory_space<semaphore_mem>>) src(%dma_wait3A_344 : memref<4096x128xi32, #tpu.memory_space<hbm>>) dst(%dma_wait3A_338 : memref<32x128xi32, #tpu.memory_space<vmem>>)
    %dma_wait3A_345 = arith.constant 12 : i32
    %dma_wait3A_346 = arith.constant 4 : i32
    %dma_wait3A_347 = arith.constant 0 : i32
    %dma_wait3A_348 = arith.constant 0 : i32
    %dma_wait3A_349 = tpu.memref_slice %arg8[%dma_wait3A_346, %dma_wait3A_347, %dma_wait3A_348] : memref<8x32x128xi32, #tpu.memory_space<vmem>> -> memref<1x32x128xi32, #tpu.memory_space<vmem>>
    %dma_wait3A_350 = tpu.memref_squeeze %dma_wait3A_349 : memref<1x32x128xi32, #tpu.memory_space<vmem>> -> memref<32x128xi32, #tpu.memory_space<vmem>>
    %dma_wait3A_351 = arith.constant 0 : i32
    %dma_wait3A_352 = tpu.memref_slice %arg7[%dma_wait3A_345, %dma_wait3A_351] : memref<32x128xi32, #tpu.memory_space<vmem>> -> memref<1x32xi32, #tpu.memory_space<vmem>>
    %dma_wait3A_353 = tpu.memref_squeeze %dma_wait3A_352 : memref<1x32xi32, #tpu.memory_space<vmem>> -> memref<32xi32, #tpu.memory_space<vmem>>
    %dma_wait3A_354 = arith.constant 0 : i32
    %dma_wait3A_355 = arith.constant 0 : i32
    %dma_wait3A_356 = tpu.memref_slice %arg2[%dma_wait3A_354, %dma_wait3A_355] : memref<4096x128xi32, #tpu.memory_space<hbm>> -> memref<4096x128xi32, #tpu.memory_space<hbm>>
    tpu.wait_indirect_dma semaphore(%arg10 : memref<!tpu.dma_semaphore, #tpu.memory_space<semaphore_mem>>) src(%dma_wait3A_356 : memref<4096x128xi32, #tpu.memory_space<hbm>>) dst(%dma_wait3A_350 : memref<32x128xi32, #tpu.memory_space<vmem>>)
    %dma_wait3A_357 = arith.constant 13 : i32
    %dma_wait3A_358 = arith.constant 5 : i32
    %dma_wait3A_359 = arith.constant 0 : i32
    %dma_wait3A_360 = arith.constant 0 : i32
    %dma_wait3A_361 = tpu.memref_slice %arg8[%dma_wait3A_358, %dma_wait3A_359, %dma_wait3A_360] : memref<8x32x128xi32, #tpu.memory_space<vmem>> -> memref<1x32x128xi32, #tpu.memory_space<vmem>>
    %dma_wait3A_362 = tpu.memref_squeeze %dma_wait3A_361 : memref<1x32x128xi32, #tpu.memory_space<vmem>> -> memref<32x128xi32, #tpu.memory_space<vmem>>
    %dma_wait3A_363 = arith.constant 0 : i32
    %dma_wait3A_364 = tpu.memref_slice %arg7[%dma_wait3A_357, %dma_wait3A_363] : memref<32x128xi32, #tpu.memory_space<vmem>> -> memref<1x32xi32, #tpu.memory_space<vmem>>
    %dma_wait3A_365 = tpu.memref_squeeze %dma_wait3A_364 : memref<1x32xi32, #tpu.memory_space<vmem>> -> memref<32xi32, #tpu.memory_space<vmem>>
    %dma_wait3A_366 = arith.constant 0 : i32
    %dma_wait3A_367 = arith.constant 0 : i32
    %dma_wait3A_368 = tpu.memref_slice %arg2[%dma_wait3A_366, %dma_wait3A_367] : memref<4096x128xi32, #tpu.memory_space<hbm>> -> memref<4096x128xi32, #tpu.memory_space<hbm>>
    tpu.wait_indirect_dma semaphore(%arg10 : memref<!tpu.dma_semaphore, #tpu.memory_space<semaphore_mem>>) src(%dma_wait3A_368 : memref<4096x128xi32, #tpu.memory_space<hbm>>) dst(%dma_wait3A_362 : memref<32x128xi32, #tpu.memory_space<vmem>>)
    %dma_wait3A_369 = arith.constant 14 : i32
    %dma_wait3A_370 = arith.constant 6 : i32
    %dma_wait3A_371 = arith.constant 0 : i32
    %dma_wait3A_372 = arith.constant 0 : i32
    %dma_wait3A_373 = tpu.memref_slice %arg8[%dma_wait3A_370, %dma_wait3A_371, %dma_wait3A_372] : memref<8x32x128xi32, #tpu.memory_space<vmem>> -> memref<1x32x128xi32, #tpu.memory_space<vmem>>
    %dma_wait3A_374 = tpu.memref_squeeze %dma_wait3A_373 : memref<1x32x128xi32, #tpu.memory_space<vmem>> -> memref<32x128xi32, #tpu.memory_space<vmem>>
    %dma_wait3A_375 = arith.constant 0 : i32
    %dma_wait3A_376 = tpu.memref_slice %arg7[%dma_wait3A_369, %dma_wait3A_375] : memref<32x128xi32, #tpu.memory_space<vmem>> -> memref<1x32xi32, #tpu.memory_space<vmem>>
    %dma_wait3A_377 = tpu.memref_squeeze %dma_wait3A_376 : memref<1x32xi32, #tpu.memory_space<vmem>> -> memref<32xi32, #tpu.memory_space<vmem>>
    %dma_wait3A_378 = arith.constant 0 : i32
    %dma_wait3A_379 = arith.constant 0 : i32
    %dma_wait3A_380 = tpu.memref_slice %arg2[%dma_wait3A_378, %dma_wait3A_379] : memref<4096x128xi32, #tpu.memory_space<hbm>> -> memref<4096x128xi32, #tpu.memory_space<hbm>>
    tpu.wait_indirect_dma semaphore(%arg10 : memref<!tpu.dma_semaphore, #tpu.memory_space<semaphore_mem>>) src(%dma_wait3A_380 : memref<4096x128xi32, #tpu.memory_space<hbm>>) dst(%dma_wait3A_374 : memref<32x128xi32, #tpu.memory_space<vmem>>)
    %dma_wait3A_381 = arith.constant 15 : i32
    %dma_wait3A_382 = arith.constant 7 : i32
    %dma_wait3A_383 = arith.constant 0 : i32
    %dma_wait3A_384 = arith.constant 0 : i32
    %dma_wait3A_385 = tpu.memref_slice %arg8[%dma_wait3A_382, %dma_wait3A_383, %dma_wait3A_384] : memref<8x32x128xi32, #tpu.memory_space<vmem>> -> memref<1x32x128xi32, #tpu.memory_space<vmem>>
    %dma_wait3A_386 = tpu.memref_squeeze %dma_wait3A_385 : memref<1x32x128xi32, #tpu.memory_space<vmem>> -> memref<32x128xi32, #tpu.memory_space<vmem>>
    %dma_wait3A_387 = arith.constant 0 : i32
    %dma_wait3A_388 = tpu.memref_slice %arg7[%dma_wait3A_381, %dma_wait3A_387] : memref<32x128xi32, #tpu.memory_space<vmem>> -> memref<1x32xi32, #tpu.memory_space<vmem>>
    %dma_wait3A_389 = tpu.memref_squeeze %dma_wait3A_388 : memref<1x32xi32, #tpu.memory_space<vmem>> -> memref<32xi32, #tpu.memory_space<vmem>>
    %dma_wait3A_390 = arith.constant 0 : i32
    %dma_wait3A_391 = arith.constant 0 : i32
    %dma_wait3A_392 = tpu.memref_slice %arg2[%dma_wait3A_390, %dma_wait3A_391] : memref<4096x128xi32, #tpu.memory_space<hbm>> -> memref<4096x128xi32, #tpu.memory_space<hbm>>
    tpu.wait_indirect_dma semaphore(%arg10 : memref<!tpu.dma_semaphore, #tpu.memory_space<semaphore_mem>>) src(%dma_wait3A_392 : memref<4096x128xi32, #tpu.memory_space<hbm>>) dst(%dma_wait3A_386 : memref<32x128xi32, #tpu.memory_space<vmem>>)
    %add3A_393 = arith.constant 8 : i32
    %add3A_394 = arith.addi %mul3A_2, %add3A_393 : i32
    "tpu.region"() ({
      %run_scoped3A = tpu.sem_alloc : memref<!tpu.dma_semaphore, #tpu.memory_space<semaphore_mem>>
      %dma_start3A_783 = arith.constant 0 : i32
      %dma_start3A_784 = arith.constant 0 : i32
      %dma_start3A_785 = tpu.memref_slice %arg5[%add3A_394, %dma_start3A_783, %dma_start3A_784] : memref<1024x32x128xi32, #tpu.memory_space<hbm>> -> memref<8x32x128xi32, #tpu.memory_space<hbm>>
      %dma_start3A_786 = arith.constant 0 : i32
      %dma_start3A_787 = arith.constant 0 : i32
      %dma_start3A_788 = tpu.memref_slice %arg5[%add3A_394, %dma_start3A_786, %dma_start3A_787] : memref<1024x32x128xi32, #tpu.memory_space<hbm>> -> memref<8x32x128xi32, #tpu.memory_space<hbm>>
      tpu.enqueue_dma source(%arg8 : memref<8x32x128xi32, #tpu.memory_space<vmem>>) target(%dma_start3A_788 : memref<8x32x128xi32, #tpu.memory_space<hbm>>) target_semaphore(%run_scoped3A : memref<!tpu.dma_semaphore, #tpu.memory_space<semaphore_mem>>)
      %dma_wait3A_789 = arith.constant 0 : i32
      %dma_wait3A_790 = arith.constant 0 : i32
      %dma_wait3A_791 = tpu.memref_slice %arg5[%add3A_394, %dma_wait3A_789, %dma_wait3A_790] : memref<1024x32x128xi32, #tpu.memory_space<hbm>> -> memref<8x32x128xi32, #tpu.memory_space<hbm>>
      %dma_wait3A_792 = arith.constant 0 : i32
      %dma_wait3A_793 = arith.constant 0 : i32
      %dma_wait3A_794 = tpu.memref_slice %arg5[%add3A_394, %dma_wait3A_792, %dma_wait3A_793] : memref<1024x32x128xi32, #tpu.memory_space<hbm>> -> memref<8x32x128xi32, #tpu.memory_space<hbm>>
      tpu.wait_dma2 semaphore(%run_scoped3A : memref<!tpu.dma_semaphore, #tpu.memory_space<semaphore_mem>>) src(%arg8 : memref<8x32x128xi32, #tpu.memory_space<vmem>>) dst(%dma_wait3A_794 : memref<8x32x128xi32, #tpu.memory_space<hbm>>)
      tpu.yield
    }) : () -> ()
    %dma_start3A_395 = arith.constant 16 : i32
    %dma_start3A_396 = arith.constant 0 : i32
    %dma_start3A_397 = arith.constant 0 : i32
    %dma_start3A_398 = arith.constant 0 : i32
    %dma_start3A_399 = tpu.memref_slice %arg8[%dma_start3A_396, %dma_start3A_397, %dma_start3A_398] : memref<8x32x128xi32, #tpu.memory_space<vmem>> -> memref<1x32x128xi32, #tpu.memory_space<vmem>>
    %dma_start3A_400 = tpu.memref_squeeze %dma_start3A_399 : memref<1x32x128xi32, #tpu.memory_space<vmem>> -> memref<32x128xi32, #tpu.memory_space<vmem>>
    %dma_start3A_401 = arith.constant 0 : i32
    %dma_start3A_402 = tpu.memref_slice %arg7[%dma_start3A_395, %dma_start3A_401] : memref<32x128xi32, #tpu.memory_space<vmem>> -> memref<1x32xi32, #tpu.memory_space<vmem>>
    %dma_start3A_403 = tpu.memref_squeeze %dma_start3A_402 : memref<1x32xi32, #tpu.memory_space<vmem>> -> memref<32xi32, #tpu.memory_space<vmem>>
    %dma_start3A_404 = arith.constant 0 : i32
    %dma_start3A_405 = arith.constant 0 : i32
    %dma_start3A_406 = tpu.memref_slice %arg2[%dma_start3A_404, %dma_start3A_405] : memref<4096x128xi32, #tpu.memory_space<hbm>> -> memref<4096x128xi32, #tpu.memory_space<hbm>>
    tpu.enqueue_indirect_dma source(%dma_start3A_406 : memref<4096x128xi32, #tpu.memory_space<hbm>>) target(%dma_start3A_400 : memref<32x128xi32, #tpu.memory_space<vmem>>) offsets(%dma_start3A_403 : memref<32xi32, #tpu.memory_space<vmem>>) semaphore(%arg10 : memref<!tpu.dma_semaphore, #tpu.memory_space<semaphore_mem>>)
    %dma_start3A_407 = arith.constant 17 : i32
    %dma_start3A_408 = arith.constant 1 : i32
    %dma_start3A_409 = arith.constant 0 : i32
    %dma_start3A_410 = arith.constant 0 : i32
    %dma_start3A_411 = tpu.memref_slice %arg8[%dma_start3A_408, %dma_start3A_409, %dma_start3A_410] : memref<8x32x128xi32, #tpu.memory_space<vmem>> -> memref<1x32x128xi32, #tpu.memory_space<vmem>>
    %dma_start3A_412 = tpu.memref_squeeze %dma_start3A_411 : memref<1x32x128xi32, #tpu.memory_space<vmem>> -> memref<32x128xi32, #tpu.memory_space<vmem>>
    %dma_start3A_413 = arith.constant 0 : i32
    %dma_start3A_414 = tpu.memref_slice %arg7[%dma_start3A_407, %dma_start3A_413] : memref<32x128xi32, #tpu.memory_space<vmem>> -> memref<1x32xi32, #tpu.memory_space<vmem>>
    %dma_start3A_415 = tpu.memref_squeeze %dma_start3A_414 : memref<1x32xi32, #tpu.memory_space<vmem>> -> memref<32xi32, #tpu.memory_space<vmem>>
    %dma_start3A_416 = arith.constant 0 : i32
    %dma_start3A_417 = arith.constant 0 : i32
    %dma_start3A_418 = tpu.memref_slice %arg2[%dma_start3A_416, %dma_start3A_417] : memref<4096x128xi32, #tpu.memory_space<hbm>> -> memref<4096x128xi32, #tpu.memory_space<hbm>>
    tpu.enqueue_indirect_dma source(%dma_start3A_418 : memref<4096x128xi32, #tpu.memory_space<hbm>>) target(%dma_start3A_412 : memref<32x128xi32, #tpu.memory_space<vmem>>) offsets(%dma_start3A_415 : memref<32xi32, #tpu.memory_space<vmem>>) semaphore(%arg10 : memref<!tpu.dma_semaphore, #tpu.memory_space<semaphore_mem>>)
    %dma_start3A_419 = arith.constant 18 : i32
    %dma_start3A_420 = arith.constant 2 : i32
    %dma_start3A_421 = arith.constant 0 : i32
    %dma_start3A_422 = arith.constant 0 : i32
    %dma_start3A_423 = tpu.memref_slice %arg8[%dma_start3A_420, %dma_start3A_421, %dma_start3A_422] : memref<8x32x128xi32, #tpu.memory_space<vmem>> -> memref<1x32x128xi32, #tpu.memory_space<vmem>>
    %dma_start3A_424 = tpu.memref_squeeze %dma_start3A_423 : memref<1x32x128xi32, #tpu.memory_space<vmem>> -> memref<32x128xi32, #tpu.memory_space<vmem>>
    %dma_start3A_425 = arith.constant 0 : i32
    %dma_start3A_426 = tpu.memref_slice %arg7[%dma_start3A_419, %dma_start3A_425] : memref<32x128xi32, #tpu.memory_space<vmem>> -> memref<1x32xi32, #tpu.memory_space<vmem>>
    %dma_start3A_427 = tpu.memref_squeeze %dma_start3A_426 : memref<1x32xi32, #tpu.memory_space<vmem>> -> memref<32xi32, #tpu.memory_space<vmem>>
    %dma_start3A_428 = arith.constant 0 : i32
    %dma_start3A_429 = arith.constant 0 : i32
    %dma_start3A_430 = tpu.memref_slice %arg2[%dma_start3A_428, %dma_start3A_429] : memref<4096x128xi32, #tpu.memory_space<hbm>> -> memref<4096x128xi32, #tpu.memory_space<hbm>>
    tpu.enqueue_indirect_dma source(%dma_start3A_430 : memref<4096x128xi32, #tpu.memory_space<hbm>>) target(%dma_start3A_424 : memref<32x128xi32, #tpu.memory_space<vmem>>) offsets(%dma_start3A_427 : memref<32xi32, #tpu.memory_space<vmem>>) semaphore(%arg10 : memref<!tpu.dma_semaphore, #tpu.memory_space<semaphore_mem>>)
    %dma_start3A_431 = arith.constant 19 : i32
    %dma_start3A_432 = arith.constant 3 : i32
    %dma_start3A_433 = arith.constant 0 : i32
    %dma_start3A_434 = arith.constant 0 : i32
    %dma_start3A_435 = tpu.memref_slice %arg8[%dma_start3A_432, %dma_start3A_433, %dma_start3A_434] : memref<8x32x128xi32, #tpu.memory_space<vmem>> -> memref<1x32x128xi32, #tpu.memory_space<vmem>>
    %dma_start3A_436 = tpu.memref_squeeze %dma_start3A_435 : memref<1x32x128xi32, #tpu.memory_space<vmem>> -> memref<32x128xi32, #tpu.memory_space<vmem>>
    %dma_start3A_437 = arith.constant 0 : i32
    %dma_start3A_438 = tpu.memref_slice %arg7[%dma_start3A_431, %dma_start3A_437] : memref<32x128xi32, #tpu.memory_space<vmem>> -> memref<1x32xi32, #tpu.memory_space<vmem>>
    %dma_start3A_439 = tpu.memref_squeeze %dma_start3A_438 : memref<1x32xi32, #tpu.memory_space<vmem>> -> memref<32xi32, #tpu.memory_space<vmem>>
    %dma_start3A_440 = arith.constant 0 : i32
    %dma_start3A_441 = arith.constant 0 : i32
    %dma_start3A_442 = tpu.memref_slice %arg2[%dma_start3A_440, %dma_start3A_441] : memref<4096x128xi32, #tpu.memory_space<hbm>> -> memref<4096x128xi32, #tpu.memory_space<hbm>>
    tpu.enqueue_indirect_dma source(%dma_start3A_442 : memref<4096x128xi32, #tpu.memory_space<hbm>>) target(%dma_start3A_436 : memref<32x128xi32, #tpu.memory_space<vmem>>) offsets(%dma_start3A_439 : memref<32xi32, #tpu.memory_space<vmem>>) semaphore(%arg10 : memref<!tpu.dma_semaphore, #tpu.memory_space<semaphore_mem>>)
    %dma_start3A_443 = arith.constant 20 : i32
    %dma_start3A_444 = arith.constant 4 : i32
    %dma_start3A_445 = arith.constant 0 : i32
    %dma_start3A_446 = arith.constant 0 : i32
    %dma_start3A_447 = tpu.memref_slice %arg8[%dma_start3A_444, %dma_start3A_445, %dma_start3A_446] : memref<8x32x128xi32, #tpu.memory_space<vmem>> -> memref<1x32x128xi32, #tpu.memory_space<vmem>>
    %dma_start3A_448 = tpu.memref_squeeze %dma_start3A_447 : memref<1x32x128xi32, #tpu.memory_space<vmem>> -> memref<32x128xi32, #tpu.memory_space<vmem>>
    %dma_start3A_449 = arith.constant 0 : i32
    %dma_start3A_450 = tpu.memref_slice %arg7[%dma_start3A_443, %dma_start3A_449] : memref<32x128xi32, #tpu.memory_space<vmem>> -> memref<1x32xi32, #tpu.memory_space<vmem>>
    %dma_start3A_451 = tpu.memref_squeeze %dma_start3A_450 : memref<1x32xi32, #tpu.memory_space<vmem>> -> memref<32xi32, #tpu.memory_space<vmem>>
    %dma_start3A_452 = arith.constant 0 : i32
    %dma_start3A_453 = arith.constant 0 : i32
    %dma_start3A_454 = tpu.memref_slice %arg2[%dma_start3A_452, %dma_start3A_453] : memref<4096x128xi32, #tpu.memory_space<hbm>> -> memref<4096x128xi32, #tpu.memory_space<hbm>>
    tpu.enqueue_indirect_dma source(%dma_start3A_454 : memref<4096x128xi32, #tpu.memory_space<hbm>>) target(%dma_start3A_448 : memref<32x128xi32, #tpu.memory_space<vmem>>) offsets(%dma_start3A_451 : memref<32xi32, #tpu.memory_space<vmem>>) semaphore(%arg10 : memref<!tpu.dma_semaphore, #tpu.memory_space<semaphore_mem>>)
    %dma_start3A_455 = arith.constant 21 : i32
    %dma_start3A_456 = arith.constant 5 : i32
    %dma_start3A_457 = arith.constant 0 : i32
    %dma_start3A_458 = arith.constant 0 : i32
    %dma_start3A_459 = tpu.memref_slice %arg8[%dma_start3A_456, %dma_start3A_457, %dma_start3A_458] : memref<8x32x128xi32, #tpu.memory_space<vmem>> -> memref<1x32x128xi32, #tpu.memory_space<vmem>>
    %dma_start3A_460 = tpu.memref_squeeze %dma_start3A_459 : memref<1x32x128xi32, #tpu.memory_space<vmem>> -> memref<32x128xi32, #tpu.memory_space<vmem>>
    %dma_start3A_461 = arith.constant 0 : i32
    %dma_start3A_462 = tpu.memref_slice %arg7[%dma_start3A_455, %dma_start3A_461] : memref<32x128xi32, #tpu.memory_space<vmem>> -> memref<1x32xi32, #tpu.memory_space<vmem>>
    %dma_start3A_463 = tpu.memref_squeeze %dma_start3A_462 : memref<1x32xi32, #tpu.memory_space<vmem>> -> memref<32xi32, #tpu.memory_space<vmem>>
    %dma_start3A_464 = arith.constant 0 : i32
    %dma_start3A_465 = arith.constant 0 : i32
    %dma_start3A_466 = tpu.memref_slice %arg2[%dma_start3A_464, %dma_start3A_465] : memref<4096x128xi32, #tpu.memory_space<hbm>> -> memref<4096x128xi32, #tpu.memory_space<hbm>>
    tpu.enqueue_indirect_dma source(%dma_start3A_466 : memref<4096x128xi32, #tpu.memory_space<hbm>>) target(%dma_start3A_460 : memref<32x128xi32, #tpu.memory_space<vmem>>) offsets(%dma_start3A_463 : memref<32xi32, #tpu.memory_space<vmem>>) semaphore(%arg10 : memref<!tpu.dma_semaphore, #tpu.memory_space<semaphore_mem>>)
    %dma_start3A_467 = arith.constant 22 : i32
    %dma_start3A_468 = arith.constant 6 : i32
    %dma_start3A_469 = arith.constant 0 : i32
    %dma_start3A_470 = arith.constant 0 : i32
    %dma_start3A_471 = tpu.memref_slice %arg8[%dma_start3A_468, %dma_start3A_469, %dma_start3A_470] : memref<8x32x128xi32, #tpu.memory_space<vmem>> -> memref<1x32x128xi32, #tpu.memory_space<vmem>>
    %dma_start3A_472 = tpu.memref_squeeze %dma_start3A_471 : memref<1x32x128xi32, #tpu.memory_space<vmem>> -> memref<32x128xi32, #tpu.memory_space<vmem>>
    %dma_start3A_473 = arith.constant 0 : i32
    %dma_start3A_474 = tpu.memref_slice %arg7[%dma_start3A_467, %dma_start3A_473] : memref<32x128xi32, #tpu.memory_space<vmem>> -> memref<1x32xi32, #tpu.memory_space<vmem>>
    %dma_start3A_475 = tpu.memref_squeeze %dma_start3A_474 : memref<1x32xi32, #tpu.memory_space<vmem>> -> memref<32xi32, #tpu.memory_space<vmem>>
    %dma_start3A_476 = arith.constant 0 : i32
    %dma_start3A_477 = arith.constant 0 : i32
    %dma_start3A_478 = tpu.memref_slice %arg2[%dma_start3A_476, %dma_start3A_477] : memref<4096x128xi32, #tpu.memory_space<hbm>> -> memref<4096x128xi32, #tpu.memory_space<hbm>>
    tpu.enqueue_indirect_dma source(%dma_start3A_478 : memref<4096x128xi32, #tpu.memory_space<hbm>>) target(%dma_start3A_472 : memref<32x128xi32, #tpu.memory_space<vmem>>) offsets(%dma_start3A_475 : memref<32xi32, #tpu.memory_space<vmem>>) semaphore(%arg10 : memref<!tpu.dma_semaphore, #tpu.memory_space<semaphore_mem>>)
    %dma_start3A_479 = arith.constant 23 : i32
    %dma_start3A_480 = arith.constant 7 : i32
    %dma_start3A_481 = arith.constant 0 : i32
    %dma_start3A_482 = arith.constant 0 : i32
    %dma_start3A_483 = tpu.memref_slice %arg8[%dma_start3A_480, %dma_start3A_481, %dma_start3A_482] : memref<8x32x128xi32, #tpu.memory_space<vmem>> -> memref<1x32x128xi32, #tpu.memory_space<vmem>>
    %dma_start3A_484 = tpu.memref_squeeze %dma_start3A_483 : memref<1x32x128xi32, #tpu.memory_space<vmem>> -> memref<32x128xi32, #tpu.memory_space<vmem>>
    %dma_start3A_485 = arith.constant 0 : i32
    %dma_start3A_486 = tpu.memref_slice %arg7[%dma_start3A_479, %dma_start3A_485] : memref<32x128xi32, #tpu.memory_space<vmem>> -> memref<1x32xi32, #tpu.memory_space<vmem>>
    %dma_start3A_487 = tpu.memref_squeeze %dma_start3A_486 : memref<1x32xi32, #tpu.memory_space<vmem>> -> memref<32xi32, #tpu.memory_space<vmem>>
    %dma_start3A_488 = arith.constant 0 : i32
    %dma_start3A_489 = arith.constant 0 : i32
    %dma_start3A_490 = tpu.memref_slice %arg2[%dma_start3A_488, %dma_start3A_489] : memref<4096x128xi32, #tpu.memory_space<hbm>> -> memref<4096x128xi32, #tpu.memory_space<hbm>>
    tpu.enqueue_indirect_dma source(%dma_start3A_490 : memref<4096x128xi32, #tpu.memory_space<hbm>>) target(%dma_start3A_484 : memref<32x128xi32, #tpu.memory_space<vmem>>) offsets(%dma_start3A_487 : memref<32xi32, #tpu.memory_space<vmem>>) semaphore(%arg10 : memref<!tpu.dma_semaphore, #tpu.memory_space<semaphore_mem>>)
    %dma_wait3A_491 = arith.constant 16 : i32
    %dma_wait3A_492 = arith.constant 0 : i32
    %dma_wait3A_493 = arith.constant 0 : i32
    %dma_wait3A_494 = arith.constant 0 : i32
    %dma_wait3A_495 = tpu.memref_slice %arg8[%dma_wait3A_492, %dma_wait3A_493, %dma_wait3A_494] : memref<8x32x128xi32, #tpu.memory_space<vmem>> -> memref<1x32x128xi32, #tpu.memory_space<vmem>>
    %dma_wait3A_496 = tpu.memref_squeeze %dma_wait3A_495 : memref<1x32x128xi32, #tpu.memory_space<vmem>> -> memref<32x128xi32, #tpu.memory_space<vmem>>
    %dma_wait3A_497 = arith.constant 0 : i32
    %dma_wait3A_498 = tpu.memref_slice %arg7[%dma_wait3A_491, %dma_wait3A_497] : memref<32x128xi32, #tpu.memory_space<vmem>> -> memref<1x32xi32, #tpu.memory_space<vmem>>
    %dma_wait3A_499 = tpu.memref_squeeze %dma_wait3A_498 : memref<1x32xi32, #tpu.memory_space<vmem>> -> memref<32xi32, #tpu.memory_space<vmem>>
    %dma_wait3A_500 = arith.constant 0 : i32
    %dma_wait3A_501 = arith.constant 0 : i32
    %dma_wait3A_502 = tpu.memref_slice %arg2[%dma_wait3A_500, %dma_wait3A_501] : memref<4096x128xi32, #tpu.memory_space<hbm>> -> memref<4096x128xi32, #tpu.memory_space<hbm>>
    tpu.wait_indirect_dma semaphore(%arg10 : memref<!tpu.dma_semaphore, #tpu.memory_space<semaphore_mem>>) src(%dma_wait3A_502 : memref<4096x128xi32, #tpu.memory_space<hbm>>) dst(%dma_wait3A_496 : memref<32x128xi32, #tpu.memory_space<vmem>>)
    %dma_wait3A_503 = arith.constant 17 : i32
    %dma_wait3A_504 = arith.constant 1 : i32
    %dma_wait3A_505 = arith.constant 0 : i32
    %dma_wait3A_506 = arith.constant 0 : i32
    %dma_wait3A_507 = tpu.memref_slice %arg8[%dma_wait3A_504, %dma_wait3A_505, %dma_wait3A_506] : memref<8x32x128xi32, #tpu.memory_space<vmem>> -> memref<1x32x128xi32, #tpu.memory_space<vmem>>
    %dma_wait3A_508 = tpu.memref_squeeze %dma_wait3A_507 : memref<1x32x128xi32, #tpu.memory_space<vmem>> -> memref<32x128xi32, #tpu.memory_space<vmem>>
    %dma_wait3A_509 = arith.constant 0 : i32
    %dma_wait3A_510 = tpu.memref_slice %arg7[%dma_wait3A_503, %dma_wait3A_509] : memref<32x128xi32, #tpu.memory_space<vmem>> -> memref<1x32xi32, #tpu.memory_space<vmem>>
    %dma_wait3A_511 = tpu.memref_squeeze %dma_wait3A_510 : memref<1x32xi32, #tpu.memory_space<vmem>> -> memref<32xi32, #tpu.memory_space<vmem>>
    %dma_wait3A_512 = arith.constant 0 : i32
    %dma_wait3A_513 = arith.constant 0 : i32
    %dma_wait3A_514 = tpu.memref_slice %arg2[%dma_wait3A_512, %dma_wait3A_513] : memref<4096x128xi32, #tpu.memory_space<hbm>> -> memref<4096x128xi32, #tpu.memory_space<hbm>>
    tpu.wait_indirect_dma semaphore(%arg10 : memref<!tpu.dma_semaphore, #tpu.memory_space<semaphore_mem>>) src(%dma_wait3A_514 : memref<4096x128xi32, #tpu.memory_space<hbm>>) dst(%dma_wait3A_508 : memref<32x128xi32, #tpu.memory_space<vmem>>)
    %dma_wait3A_515 = arith.constant 18 : i32
    %dma_wait3A_516 = arith.constant 2 : i32
    %dma_wait3A_517 = arith.constant 0 : i32
    %dma_wait3A_518 = arith.constant 0 : i32
    %dma_wait3A_519 = tpu.memref_slice %arg8[%dma_wait3A_516, %dma_wait3A_517, %dma_wait3A_518] : memref<8x32x128xi32, #tpu.memory_space<vmem>> -> memref<1x32x128xi32, #tpu.memory_space<vmem>>
    %dma_wait3A_520 = tpu.memref_squeeze %dma_wait3A_519 : memref<1x32x128xi32, #tpu.memory_space<vmem>> -> memref<32x128xi32, #tpu.memory_space<vmem>>
    %dma_wait3A_521 = arith.constant 0 : i32
    %dma_wait3A_522 = tpu.memref_slice %arg7[%dma_wait3A_515, %dma_wait3A_521] : memref<32x128xi32, #tpu.memory_space<vmem>> -> memref<1x32xi32, #tpu.memory_space<vmem>>
    %dma_wait3A_523 = tpu.memref_squeeze %dma_wait3A_522 : memref<1x32xi32, #tpu.memory_space<vmem>> -> memref<32xi32, #tpu.memory_space<vmem>>
    %dma_wait3A_524 = arith.constant 0 : i32
    %dma_wait3A_525 = arith.constant 0 : i32
    %dma_wait3A_526 = tpu.memref_slice %arg2[%dma_wait3A_524, %dma_wait3A_525] : memref<4096x128xi32, #tpu.memory_space<hbm>> -> memref<4096x128xi32, #tpu.memory_space<hbm>>
    tpu.wait_indirect_dma semaphore(%arg10 : memref<!tpu.dma_semaphore, #tpu.memory_space<semaphore_mem>>) src(%dma_wait3A_526 : memref<4096x128xi32, #tpu.memory_space<hbm>>) dst(%dma_wait3A_520 : memref<32x128xi32, #tpu.memory_space<vmem>>)
    %dma_wait3A_527 = arith.constant 19 : i32
    %dma_wait3A_528 = arith.constant 3 : i32
    %dma_wait3A_529 = arith.constant 0 : i32
    %dma_wait3A_530 = arith.constant 0 : i32
    %dma_wait3A_531 = tpu.memref_slice %arg8[%dma_wait3A_528, %dma_wait3A_529, %dma_wait3A_530] : memref<8x32x128xi32, #tpu.memory_space<vmem>> -> memref<1x32x128xi32, #tpu.memory_space<vmem>>
    %dma_wait3A_532 = tpu.memref_squeeze %dma_wait3A_531 : memref<1x32x128xi32, #tpu.memory_space<vmem>> -> memref<32x128xi32, #tpu.memory_space<vmem>>
    %dma_wait3A_533 = arith.constant 0 : i32
    %dma_wait3A_534 = tpu.memref_slice %arg7[%dma_wait3A_527, %dma_wait3A_533] : memref<32x128xi32, #tpu.memory_space<vmem>> -> memref<1x32xi32, #tpu.memory_space<vmem>>
    %dma_wait3A_535 = tpu.memref_squeeze %dma_wait3A_534 : memref<1x32xi32, #tpu.memory_space<vmem>> -> memref<32xi32, #tpu.memory_space<vmem>>
    %dma_wait3A_536 = arith.constant 0 : i32
    %dma_wait3A_537 = arith.constant 0 : i32
    %dma_wait3A_538 = tpu.memref_slice %arg2[%dma_wait3A_536, %dma_wait3A_537] : memref<4096x128xi32, #tpu.memory_space<hbm>> -> memref<4096x128xi32, #tpu.memory_space<hbm>>
    tpu.wait_indirect_dma semaphore(%arg10 : memref<!tpu.dma_semaphore, #tpu.memory_space<semaphore_mem>>) src(%dma_wait3A_538 : memref<4096x128xi32, #tpu.memory_space<hbm>>) dst(%dma_wait3A_532 : memref<32x128xi32, #tpu.memory_space<vmem>>)
    %dma_wait3A_539 = arith.constant 20 : i32
    %dma_wait3A_540 = arith.constant 4 : i32
    %dma_wait3A_541 = arith.constant 0 : i32
    %dma_wait3A_542 = arith.constant 0 : i32
    %dma_wait3A_543 = tpu.memref_slice %arg8[%dma_wait3A_540, %dma_wait3A_541, %dma_wait3A_542] : memref<8x32x128xi32, #tpu.memory_space<vmem>> -> memref<1x32x128xi32, #tpu.memory_space<vmem>>
    %dma_wait3A_544 = tpu.memref_squeeze %dma_wait3A_543 : memref<1x32x128xi32, #tpu.memory_space<vmem>> -> memref<32x128xi32, #tpu.memory_space<vmem>>
    %dma_wait3A_545 = arith.constant 0 : i32
    %dma_wait3A_546 = tpu.memref_slice %arg7[%dma_wait3A_539, %dma_wait3A_545] : memref<32x128xi32, #tpu.memory_space<vmem>> -> memref<1x32xi32, #tpu.memory_space<vmem>>
    %dma_wait3A_547 = tpu.memref_squeeze %dma_wait3A_546 : memref<1x32xi32, #tpu.memory_space<vmem>> -> memref<32xi32, #tpu.memory_space<vmem>>
    %dma_wait3A_548 = arith.constant 0 : i32
    %dma_wait3A_549 = arith.constant 0 : i32
    %dma_wait3A_550 = tpu.memref_slice %arg2[%dma_wait3A_548, %dma_wait3A_549] : memref<4096x128xi32, #tpu.memory_space<hbm>> -> memref<4096x128xi32, #tpu.memory_space<hbm>>
    tpu.wait_indirect_dma semaphore(%arg10 : memref<!tpu.dma_semaphore, #tpu.memory_space<semaphore_mem>>) src(%dma_wait3A_550 : memref<4096x128xi32, #tpu.memory_space<hbm>>) dst(%dma_wait3A_544 : memref<32x128xi32, #tpu.memory_space<vmem>>)
    %dma_wait3A_551 = arith.constant 21 : i32
    %dma_wait3A_552 = arith.constant 5 : i32
    %dma_wait3A_553 = arith.constant 0 : i32
    %dma_wait3A_554 = arith.constant 0 : i32
    %dma_wait3A_555 = tpu.memref_slice %arg8[%dma_wait3A_552, %dma_wait3A_553, %dma_wait3A_554] : memref<8x32x128xi32, #tpu.memory_space<vmem>> -> memref<1x32x128xi32, #tpu.memory_space<vmem>>
    %dma_wait3A_556 = tpu.memref_squeeze %dma_wait3A_555 : memref<1x32x128xi32, #tpu.memory_space<vmem>> -> memref<32x128xi32, #tpu.memory_space<vmem>>
    %dma_wait3A_557 = arith.constant 0 : i32
    %dma_wait3A_558 = tpu.memref_slice %arg7[%dma_wait3A_551, %dma_wait3A_557] : memref<32x128xi32, #tpu.memory_space<vmem>> -> memref<1x32xi32, #tpu.memory_space<vmem>>
    %dma_wait3A_559 = tpu.memref_squeeze %dma_wait3A_558 : memref<1x32xi32, #tpu.memory_space<vmem>> -> memref<32xi32, #tpu.memory_space<vmem>>
    %dma_wait3A_560 = arith.constant 0 : i32
    %dma_wait3A_561 = arith.constant 0 : i32
    %dma_wait3A_562 = tpu.memref_slice %arg2[%dma_wait3A_560, %dma_wait3A_561] : memref<4096x128xi32, #tpu.memory_space<hbm>> -> memref<4096x128xi32, #tpu.memory_space<hbm>>
    tpu.wait_indirect_dma semaphore(%arg10 : memref<!tpu.dma_semaphore, #tpu.memory_space<semaphore_mem>>) src(%dma_wait3A_562 : memref<4096x128xi32, #tpu.memory_space<hbm>>) dst(%dma_wait3A_556 : memref<32x128xi32, #tpu.memory_space<vmem>>)
    %dma_wait3A_563 = arith.constant 22 : i32
    %dma_wait3A_564 = arith.constant 6 : i32
    %dma_wait3A_565 = arith.constant 0 : i32
    %dma_wait3A_566 = arith.constant 0 : i32
    %dma_wait3A_567 = tpu.memref_slice %arg8[%dma_wait3A_564, %dma_wait3A_565, %dma_wait3A_566] : memref<8x32x128xi32, #tpu.memory_space<vmem>> -> memref<1x32x128xi32, #tpu.memory_space<vmem>>
    %dma_wait3A_568 = tpu.memref_squeeze %dma_wait3A_567 : memref<1x32x128xi32, #tpu.memory_space<vmem>> -> memref<32x128xi32, #tpu.memory_space<vmem>>
    %dma_wait3A_569 = arith.constant 0 : i32
    %dma_wait3A_570 = tpu.memref_slice %arg7[%dma_wait3A_563, %dma_wait3A_569] : memref<32x128xi32, #tpu.memory_space<vmem>> -> memref<1x32xi32, #tpu.memory_space<vmem>>
    %dma_wait3A_571 = tpu.memref_squeeze %dma_wait3A_570 : memref<1x32xi32, #tpu.memory_space<vmem>> -> memref<32xi32, #tpu.memory_space<vmem>>
    %dma_wait3A_572 = arith.constant 0 : i32
    %dma_wait3A_573 = arith.constant 0 : i32
    %dma_wait3A_574 = tpu.memref_slice %arg2[%dma_wait3A_572, %dma_wait3A_573] : memref<4096x128xi32, #tpu.memory_space<hbm>> -> memref<4096x128xi32, #tpu.memory_space<hbm>>
    tpu.wait_indirect_dma semaphore(%arg10 : memref<!tpu.dma_semaphore, #tpu.memory_space<semaphore_mem>>) src(%dma_wait3A_574 : memref<4096x128xi32, #tpu.memory_space<hbm>>) dst(%dma_wait3A_568 : memref<32x128xi32, #tpu.memory_space<vmem>>)
    %dma_wait3A_575 = arith.constant 23 : i32
    %dma_wait3A_576 = arith.constant 7 : i32
    %dma_wait3A_577 = arith.constant 0 : i32
    %dma_wait3A_578 = arith.constant 0 : i32
    %dma_wait3A_579 = tpu.memref_slice %arg8[%dma_wait3A_576, %dma_wait3A_577, %dma_wait3A_578] : memref<8x32x128xi32, #tpu.memory_space<vmem>> -> memref<1x32x128xi32, #tpu.memory_space<vmem>>
    %dma_wait3A_580 = tpu.memref_squeeze %dma_wait3A_579 : memref<1x32x128xi32, #tpu.memory_space<vmem>> -> memref<32x128xi32, #tpu.memory_space<vmem>>
    %dma_wait3A_581 = arith.constant 0 : i32
    %dma_wait3A_582 = tpu.memref_slice %arg7[%dma_wait3A_575, %dma_wait3A_581] : memref<32x128xi32, #tpu.memory_space<vmem>> -> memref<1x32xi32, #tpu.memory_space<vmem>>
    %dma_wait3A_583 = tpu.memref_squeeze %dma_wait3A_582 : memref<1x32xi32, #tpu.memory_space<vmem>> -> memref<32xi32, #tpu.memory_space<vmem>>
    %dma_wait3A_584 = arith.constant 0 : i32
    %dma_wait3A_585 = arith.constant 0 : i32
    %dma_wait3A_586 = tpu.memref_slice %arg2[%dma_wait3A_584, %dma_wait3A_585] : memref<4096x128xi32, #tpu.memory_space<hbm>> -> memref<4096x128xi32, #tpu.memory_space<hbm>>
    tpu.wait_indirect_dma semaphore(%arg10 : memref<!tpu.dma_semaphore, #tpu.memory_space<semaphore_mem>>) src(%dma_wait3A_586 : memref<4096x128xi32, #tpu.memory_space<hbm>>) dst(%dma_wait3A_580 : memref<32x128xi32, #tpu.memory_space<vmem>>)
    %add3A_587 = arith.constant 16 : i32
    %add3A_588 = arith.addi %mul3A_2, %add3A_587 : i32
    "tpu.region"() ({
      %run_scoped3A = tpu.sem_alloc : memref<!tpu.dma_semaphore, #tpu.memory_space<semaphore_mem>>
      %dma_start3A_783 = arith.constant 0 : i32
      %dma_start3A_784 = arith.constant 0 : i32
      %dma_start3A_785 = tpu.memref_slice %arg5[%add3A_588, %dma_start3A_783, %dma_start3A_784] : memref<1024x32x128xi32, #tpu.memory_space<hbm>> -> memref<8x32x128xi32, #tpu.memory_space<hbm>>
      %dma_start3A_786 = arith.constant 0 : i32
      %dma_start3A_787 = arith.constant 0 : i32
      %dma_start3A_788 = tpu.memref_slice %arg5[%add3A_588, %dma_start3A_786, %dma_start3A_787] : memref<1024x32x128xi32, #tpu.memory_space<hbm>> -> memref<8x32x128xi32, #tpu.memory_space<hbm>>
      tpu.enqueue_dma source(%arg8 : memref<8x32x128xi32, #tpu.memory_space<vmem>>) target(%dma_start3A_788 : memref<8x32x128xi32, #tpu.memory_space<hbm>>) target_semaphore(%run_scoped3A : memref<!tpu.dma_semaphore, #tpu.memory_space<semaphore_mem>>)
      %dma_wait3A_789 = arith.constant 0 : i32
      %dma_wait3A_790 = arith.constant 0 : i32
      %dma_wait3A_791 = tpu.memref_slice %arg5[%add3A_588, %dma_wait3A_789, %dma_wait3A_790] : memref<1024x32x128xi32, #tpu.memory_space<hbm>> -> memref<8x32x128xi32, #tpu.memory_space<hbm>>
      %dma_wait3A_792 = arith.constant 0 : i32
      %dma_wait3A_793 = arith.constant 0 : i32
      %dma_wait3A_794 = tpu.memref_slice %arg5[%add3A_588, %dma_wait3A_792, %dma_wait3A_793] : memref<1024x32x128xi32, #tpu.memory_space<hbm>> -> memref<8x32x128xi32, #tpu.memory_space<hbm>>
      tpu.wait_dma2 semaphore(%run_scoped3A : memref<!tpu.dma_semaphore, #tpu.memory_space<semaphore_mem>>) src(%arg8 : memref<8x32x128xi32, #tpu.memory_space<vmem>>) dst(%dma_wait3A_794 : memref<8x32x128xi32, #tpu.memory_space<hbm>>)
      tpu.yield
    }) : () -> ()
    %dma_start3A_589 = arith.constant 24 : i32
    %dma_start3A_590 = arith.constant 0 : i32
    %dma_start3A_591 = arith.constant 0 : i32
    %dma_start3A_592 = arith.constant 0 : i32
    %dma_start3A_593 = tpu.memref_slice %arg8[%dma_start3A_590, %dma_start3A_591, %dma_start3A_592] : memref<8x32x128xi32, #tpu.memory_space<vmem>> -> memref<1x32x128xi32, #tpu.memory_space<vmem>>
    %dma_start3A_594 = tpu.memref_squeeze %dma_start3A_593 : memref<1x32x128xi32, #tpu.memory_space<vmem>> -> memref<32x128xi32, #tpu.memory_space<vmem>>
    %dma_start3A_595 = arith.constant 0 : i32
    %dma_start3A_596 = tpu.memref_slice %arg7[%dma_start3A_589, %dma_start3A_595] : memref<32x128xi32, #tpu.memory_space<vmem>> -> memref<1x32xi32, #tpu.memory_space<vmem>>
    %dma_start3A_597 = tpu.memref_squeeze %dma_start3A_596 : memref<1x32xi32, #tpu.memory_space<vmem>> -> memref<32xi32, #tpu.memory_space<vmem>>
    %dma_start3A_598 = arith.constant 0 : i32
    %dma_start3A_599 = arith.constant 0 : i32
    %dma_start3A_600 = tpu.memref_slice %arg2[%dma_start3A_598, %dma_start3A_599] : memref<4096x128xi32, #tpu.memory_space<hbm>> -> memref<4096x128xi32, #tpu.memory_space<hbm>>
    tpu.enqueue_indirect_dma source(%dma_start3A_600 : memref<4096x128xi32, #tpu.memory_space<hbm>>) target(%dma_start3A_594 : memref<32x128xi32, #tpu.memory_space<vmem>>) offsets(%dma_start3A_597 : memref<32xi32, #tpu.memory_space<vmem>>) semaphore(%arg10 : memref<!tpu.dma_semaphore, #tpu.memory_space<semaphore_mem>>)
    %dma_start3A_601 = arith.constant 25 : i32
    %dma_start3A_602 = arith.constant 1 : i32
    %dma_start3A_603 = arith.constant 0 : i32
    %dma_start3A_604 = arith.constant 0 : i32
    %dma_start3A_605 = tpu.memref_slice %arg8[%dma_start3A_602, %dma_start3A_603, %dma_start3A_604] : memref<8x32x128xi32, #tpu.memory_space<vmem>> -> memref<1x32x128xi32, #tpu.memory_space<vmem>>
    %dma_start3A_606 = tpu.memref_squeeze %dma_start3A_605 : memref<1x32x128xi32, #tpu.memory_space<vmem>> -> memref<32x128xi32, #tpu.memory_space<vmem>>
    %dma_start3A_607 = arith.constant 0 : i32
    %dma_start3A_608 = tpu.memref_slice %arg7[%dma_start3A_601, %dma_start3A_607] : memref<32x128xi32, #tpu.memory_space<vmem>> -> memref<1x32xi32, #tpu.memory_space<vmem>>
    %dma_start3A_609 = tpu.memref_squeeze %dma_start3A_608 : memref<1x32xi32, #tpu.memory_space<vmem>> -> memref<32xi32, #tpu.memory_space<vmem>>
    %dma_start3A_610 = arith.constant 0 : i32
    %dma_start3A_611 = arith.constant 0 : i32
    %dma_start3A_612 = tpu.memref_slice %arg2[%dma_start3A_610, %dma_start3A_611] : memref<4096x128xi32, #tpu.memory_space<hbm>> -> memref<4096x128xi32, #tpu.memory_space<hbm>>
    tpu.enqueue_indirect_dma source(%dma_start3A_612 : memref<4096x128xi32, #tpu.memory_space<hbm>>) target(%dma_start3A_606 : memref<32x128xi32, #tpu.memory_space<vmem>>) offsets(%dma_start3A_609 : memref<32xi32, #tpu.memory_space<vmem>>) semaphore(%arg10 : memref<!tpu.dma_semaphore, #tpu.memory_space<semaphore_mem>>)
    %dma_start3A_613 = arith.constant 26 : i32
    %dma_start3A_614 = arith.constant 2 : i32
    %dma_start3A_615 = arith.constant 0 : i32
    %dma_start3A_616 = arith.constant 0 : i32
    %dma_start3A_617 = tpu.memref_slice %arg8[%dma_start3A_614, %dma_start3A_615, %dma_start3A_616] : memref<8x32x128xi32, #tpu.memory_space<vmem>> -> memref<1x32x128xi32, #tpu.memory_space<vmem>>
    %dma_start3A_618 = tpu.memref_squeeze %dma_start3A_617 : memref<1x32x128xi32, #tpu.memory_space<vmem>> -> memref<32x128xi32, #tpu.memory_space<vmem>>
    %dma_start3A_619 = arith.constant 0 : i32
    %dma_start3A_620 = tpu.memref_slice %arg7[%dma_start3A_613, %dma_start3A_619] : memref<32x128xi32, #tpu.memory_space<vmem>> -> memref<1x32xi32, #tpu.memory_space<vmem>>
    %dma_start3A_621 = tpu.memref_squeeze %dma_start3A_620 : memref<1x32xi32, #tpu.memory_space<vmem>> -> memref<32xi32, #tpu.memory_space<vmem>>
    %dma_start3A_622 = arith.constant 0 : i32
    %dma_start3A_623 = arith.constant 0 : i32
    %dma_start3A_624 = tpu.memref_slice %arg2[%dma_start3A_622, %dma_start3A_623] : memref<4096x128xi32, #tpu.memory_space<hbm>> -> memref<4096x128xi32, #tpu.memory_space<hbm>>
    tpu.enqueue_indirect_dma source(%dma_start3A_624 : memref<4096x128xi32, #tpu.memory_space<hbm>>) target(%dma_start3A_618 : memref<32x128xi32, #tpu.memory_space<vmem>>) offsets(%dma_start3A_621 : memref<32xi32, #tpu.memory_space<vmem>>) semaphore(%arg10 : memref<!tpu.dma_semaphore, #tpu.memory_space<semaphore_mem>>)
    %dma_start3A_625 = arith.constant 27 : i32
    %dma_start3A_626 = arith.constant 3 : i32
    %dma_start3A_627 = arith.constant 0 : i32
    %dma_start3A_628 = arith.constant 0 : i32
    %dma_start3A_629 = tpu.memref_slice %arg8[%dma_start3A_626, %dma_start3A_627, %dma_start3A_628] : memref<8x32x128xi32, #tpu.memory_space<vmem>> -> memref<1x32x128xi32, #tpu.memory_space<vmem>>
    %dma_start3A_630 = tpu.memref_squeeze %dma_start3A_629 : memref<1x32x128xi32, #tpu.memory_space<vmem>> -> memref<32x128xi32, #tpu.memory_space<vmem>>
    %dma_start3A_631 = arith.constant 0 : i32
    %dma_start3A_632 = tpu.memref_slice %arg7[%dma_start3A_625, %dma_start3A_631] : memref<32x128xi32, #tpu.memory_space<vmem>> -> memref<1x32xi32, #tpu.memory_space<vmem>>
    %dma_start3A_633 = tpu.memref_squeeze %dma_start3A_632 : memref<1x32xi32, #tpu.memory_space<vmem>> -> memref<32xi32, #tpu.memory_space<vmem>>
    %dma_start3A_634 = arith.constant 0 : i32
    %dma_start3A_635 = arith.constant 0 : i32
    %dma_start3A_636 = tpu.memref_slice %arg2[%dma_start3A_634, %dma_start3A_635] : memref<4096x128xi32, #tpu.memory_space<hbm>> -> memref<4096x128xi32, #tpu.memory_space<hbm>>
    tpu.enqueue_indirect_dma source(%dma_start3A_636 : memref<4096x128xi32, #tpu.memory_space<hbm>>) target(%dma_start3A_630 : memref<32x128xi32, #tpu.memory_space<vmem>>) offsets(%dma_start3A_633 : memref<32xi32, #tpu.memory_space<vmem>>) semaphore(%arg10 : memref<!tpu.dma_semaphore, #tpu.memory_space<semaphore_mem>>)
    %dma_start3A_637 = arith.constant 28 : i32
    %dma_start3A_638 = arith.constant 4 : i32
    %dma_start3A_639 = arith.constant 0 : i32
    %dma_start3A_640 = arith.constant 0 : i32
    %dma_start3A_641 = tpu.memref_slice %arg8[%dma_start3A_638, %dma_start3A_639, %dma_start3A_640] : memref<8x32x128xi32, #tpu.memory_space<vmem>> -> memref<1x32x128xi32, #tpu.memory_space<vmem>>
    %dma_start3A_642 = tpu.memref_squeeze %dma_start3A_641 : memref<1x32x128xi32, #tpu.memory_space<vmem>> -> memref<32x128xi32, #tpu.memory_space<vmem>>
    %dma_start3A_643 = arith.constant 0 : i32
    %dma_start3A_644 = tpu.memref_slice %arg7[%dma_start3A_637, %dma_start3A_643] : memref<32x128xi32, #tpu.memory_space<vmem>> -> memref<1x32xi32, #tpu.memory_space<vmem>>
    %dma_start3A_645 = tpu.memref_squeeze %dma_start3A_644 : memref<1x32xi32, #tpu.memory_space<vmem>> -> memref<32xi32, #tpu.memory_space<vmem>>
    %dma_start3A_646 = arith.constant 0 : i32
    %dma_start3A_647 = arith.constant 0 : i32
    %dma_start3A_648 = tpu.memref_slice %arg2[%dma_start3A_646, %dma_start3A_647] : memref<4096x128xi32, #tpu.memory_space<hbm>> -> memref<4096x128xi32, #tpu.memory_space<hbm>>
    tpu.enqueue_indirect_dma source(%dma_start3A_648 : memref<4096x128xi32, #tpu.memory_space<hbm>>) target(%dma_start3A_642 : memref<32x128xi32, #tpu.memory_space<vmem>>) offsets(%dma_start3A_645 : memref<32xi32, #tpu.memory_space<vmem>>) semaphore(%arg10 : memref<!tpu.dma_semaphore, #tpu.memory_space<semaphore_mem>>)
    %dma_start3A_649 = arith.constant 29 : i32
    %dma_start3A_650 = arith.constant 5 : i32
    %dma_start3A_651 = arith.constant 0 : i32
    %dma_start3A_652 = arith.constant 0 : i32
    %dma_start3A_653 = tpu.memref_slice %arg8[%dma_start3A_650, %dma_start3A_651, %dma_start3A_652] : memref<8x32x128xi32, #tpu.memory_space<vmem>> -> memref<1x32x128xi32, #tpu.memory_space<vmem>>
    %dma_start3A_654 = tpu.memref_squeeze %dma_start3A_653 : memref<1x32x128xi32, #tpu.memory_space<vmem>> -> memref<32x128xi32, #tpu.memory_space<vmem>>
    %dma_start3A_655 = arith.constant 0 : i32
    %dma_start3A_656 = tpu.memref_slice %arg7[%dma_start3A_649, %dma_start3A_655] : memref<32x128xi32, #tpu.memory_space<vmem>> -> memref<1x32xi32, #tpu.memory_space<vmem>>
    %dma_start3A_657 = tpu.memref_squeeze %dma_start3A_656 : memref<1x32xi32, #tpu.memory_space<vmem>> -> memref<32xi32, #tpu.memory_space<vmem>>
    %dma_start3A_658 = arith.constant 0 : i32
    %dma_start3A_659 = arith.constant 0 : i32
    %dma_start3A_660 = tpu.memref_slice %arg2[%dma_start3A_658, %dma_start3A_659] : memref<4096x128xi32, #tpu.memory_space<hbm>> -> memref<4096x128xi32, #tpu.memory_space<hbm>>
    tpu.enqueue_indirect_dma source(%dma_start3A_660 : memref<4096x128xi32, #tpu.memory_space<hbm>>) target(%dma_start3A_654 : memref<32x128xi32, #tpu.memory_space<vmem>>) offsets(%dma_start3A_657 : memref<32xi32, #tpu.memory_space<vmem>>) semaphore(%arg10 : memref<!tpu.dma_semaphore, #tpu.memory_space<semaphore_mem>>)
    %dma_start3A_661 = arith.constant 30 : i32
    %dma_start3A_662 = arith.constant 6 : i32
    %dma_start3A_663 = arith.constant 0 : i32
    %dma_start3A_664 = arith.constant 0 : i32
    %dma_start3A_665 = tpu.memref_slice %arg8[%dma_start3A_662, %dma_start3A_663, %dma_start3A_664] : memref<8x32x128xi32, #tpu.memory_space<vmem>> -> memref<1x32x128xi32, #tpu.memory_space<vmem>>
    %dma_start3A_666 = tpu.memref_squeeze %dma_start3A_665 : memref<1x32x128xi32, #tpu.memory_space<vmem>> -> memref<32x128xi32, #tpu.memory_space<vmem>>
    %dma_start3A_667 = arith.constant 0 : i32
    %dma_start3A_668 = tpu.memref_slice %arg7[%dma_start3A_661, %dma_start3A_667] : memref<32x128xi32, #tpu.memory_space<vmem>> -> memref<1x32xi32, #tpu.memory_space<vmem>>
    %dma_start3A_669 = tpu.memref_squeeze %dma_start3A_668 : memref<1x32xi32, #tpu.memory_space<vmem>> -> memref<32xi32, #tpu.memory_space<vmem>>
    %dma_start3A_670 = arith.constant 0 : i32
    %dma_start3A_671 = arith.constant 0 : i32
    %dma_start3A_672 = tpu.memref_slice %arg2[%dma_start3A_670, %dma_start3A_671] : memref<4096x128xi32, #tpu.memory_space<hbm>> -> memref<4096x128xi32, #tpu.memory_space<hbm>>
    tpu.enqueue_indirect_dma source(%dma_start3A_672 : memref<4096x128xi32, #tpu.memory_space<hbm>>) target(%dma_start3A_666 : memref<32x128xi32, #tpu.memory_space<vmem>>) offsets(%dma_start3A_669 : memref<32xi32, #tpu.memory_space<vmem>>) semaphore(%arg10 : memref<!tpu.dma_semaphore, #tpu.memory_space<semaphore_mem>>)
    %dma_start3A_673 = arith.constant 31 : i32
    %dma_start3A_674 = arith.constant 7 : i32
    %dma_start3A_675 = arith.constant 0 : i32
    %dma_start3A_676 = arith.constant 0 : i32
    %dma_start3A_677 = tpu.memref_slice %arg8[%dma_start3A_674, %dma_start3A_675, %dma_start3A_676] : memref<8x32x128xi32, #tpu.memory_space<vmem>> -> memref<1x32x128xi32, #tpu.memory_space<vmem>>
    %dma_start3A_678 = tpu.memref_squeeze %dma_start3A_677 : memref<1x32x128xi32, #tpu.memory_space<vmem>> -> memref<32x128xi32, #tpu.memory_space<vmem>>
    %dma_start3A_679 = arith.constant 0 : i32
    %dma_start3A_680 = tpu.memref_slice %arg7[%dma_start3A_673, %dma_start3A_679] : memref<32x128xi32, #tpu.memory_space<vmem>> -> memref<1x32xi32, #tpu.memory_space<vmem>>
    %dma_start3A_681 = tpu.memref_squeeze %dma_start3A_680 : memref<1x32xi32, #tpu.memory_space<vmem>> -> memref<32xi32, #tpu.memory_space<vmem>>
    %dma_start3A_682 = arith.constant 0 : i32
    %dma_start3A_683 = arith.constant 0 : i32
    %dma_start3A_684 = tpu.memref_slice %arg2[%dma_start3A_682, %dma_start3A_683] : memref<4096x128xi32, #tpu.memory_space<hbm>> -> memref<4096x128xi32, #tpu.memory_space<hbm>>
    tpu.enqueue_indirect_dma source(%dma_start3A_684 : memref<4096x128xi32, #tpu.memory_space<hbm>>) target(%dma_start3A_678 : memref<32x128xi32, #tpu.memory_space<vmem>>) offsets(%dma_start3A_681 : memref<32xi32, #tpu.memory_space<vmem>>) semaphore(%arg10 : memref<!tpu.dma_semaphore, #tpu.memory_space<semaphore_mem>>)
    %dma_wait3A_685 = arith.constant 24 : i32
    %dma_wait3A_686 = arith.constant 0 : i32
    %dma_wait3A_687 = arith.constant 0 : i32
    %dma_wait3A_688 = arith.constant 0 : i32
    %dma_wait3A_689 = tpu.memref_slice %arg8[%dma_wait3A_686, %dma_wait3A_687, %dma_wait3A_688] : memref<8x32x128xi32, #tpu.memory_space<vmem>> -> memref<1x32x128xi32, #tpu.memory_space<vmem>>
    %dma_wait3A_690 = tpu.memref_squeeze %dma_wait3A_689 : memref<1x32x128xi32, #tpu.memory_space<vmem>> -> memref<32x128xi32, #tpu.memory_space<vmem>>
    %dma_wait3A_691 = arith.constant 0 : i32
    %dma_wait3A_692 = tpu.memref_slice %arg7[%dma_wait3A_685, %dma_wait3A_691] : memref<32x128xi32, #tpu.memory_space<vmem>> -> memref<1x32xi32, #tpu.memory_space<vmem>>
    %dma_wait3A_693 = tpu.memref_squeeze %dma_wait3A_692 : memref<1x32xi32, #tpu.memory_space<vmem>> -> memref<32xi32, #tpu.memory_space<vmem>>
    %dma_wait3A_694 = arith.constant 0 : i32
    %dma_wait3A_695 = arith.constant 0 : i32
    %dma_wait3A_696 = tpu.memref_slice %arg2[%dma_wait3A_694, %dma_wait3A_695] : memref<4096x128xi32, #tpu.memory_space<hbm>> -> memref<4096x128xi32, #tpu.memory_space<hbm>>
    tpu.wait_indirect_dma semaphore(%arg10 : memref<!tpu.dma_semaphore, #tpu.memory_space<semaphore_mem>>) src(%dma_wait3A_696 : memref<4096x128xi32, #tpu.memory_space<hbm>>) dst(%dma_wait3A_690 : memref<32x128xi32, #tpu.memory_space<vmem>>)
    %dma_wait3A_697 = arith.constant 25 : i32
    %dma_wait3A_698 = arith.constant 1 : i32
    %dma_wait3A_699 = arith.constant 0 : i32
    %dma_wait3A_700 = arith.constant 0 : i32
    %dma_wait3A_701 = tpu.memref_slice %arg8[%dma_wait3A_698, %dma_wait3A_699, %dma_wait3A_700] : memref<8x32x128xi32, #tpu.memory_space<vmem>> -> memref<1x32x128xi32, #tpu.memory_space<vmem>>
    %dma_wait3A_702 = tpu.memref_squeeze %dma_wait3A_701 : memref<1x32x128xi32, #tpu.memory_space<vmem>> -> memref<32x128xi32, #tpu.memory_space<vmem>>
    %dma_wait3A_703 = arith.constant 0 : i32
    %dma_wait3A_704 = tpu.memref_slice %arg7[%dma_wait3A_697, %dma_wait3A_703] : memref<32x128xi32, #tpu.memory_space<vmem>> -> memref<1x32xi32, #tpu.memory_space<vmem>>
    %dma_wait3A_705 = tpu.memref_squeeze %dma_wait3A_704 : memref<1x32xi32, #tpu.memory_space<vmem>> -> memref<32xi32, #tpu.memory_space<vmem>>
    %dma_wait3A_706 = arith.constant 0 : i32
    %dma_wait3A_707 = arith.constant 0 : i32
    %dma_wait3A_708 = tpu.memref_slice %arg2[%dma_wait3A_706, %dma_wait3A_707] : memref<4096x128xi32, #tpu.memory_space<hbm>> -> memref<4096x128xi32, #tpu.memory_space<hbm>>
    tpu.wait_indirect_dma semaphore(%arg10 : memref<!tpu.dma_semaphore, #tpu.memory_space<semaphore_mem>>) src(%dma_wait3A_708 : memref<4096x128xi32, #tpu.memory_space<hbm>>) dst(%dma_wait3A_702 : memref<32x128xi32, #tpu.memory_space<vmem>>)
    %dma_wait3A_709 = arith.constant 26 : i32
    %dma_wait3A_710 = arith.constant 2 : i32
    %dma_wait3A_711 = arith.constant 0 : i32
    %dma_wait3A_712 = arith.constant 0 : i32
    %dma_wait3A_713 = tpu.memref_slice %arg8[%dma_wait3A_710, %dma_wait3A_711, %dma_wait3A_712] : memref<8x32x128xi32, #tpu.memory_space<vmem>> -> memref<1x32x128xi32, #tpu.memory_space<vmem>>
    %dma_wait3A_714 = tpu.memref_squeeze %dma_wait3A_713 : memref<1x32x128xi32, #tpu.memory_space<vmem>> -> memref<32x128xi32, #tpu.memory_space<vmem>>
    %dma_wait3A_715 = arith.constant 0 : i32
    %dma_wait3A_716 = tpu.memref_slice %arg7[%dma_wait3A_709, %dma_wait3A_715] : memref<32x128xi32, #tpu.memory_space<vmem>> -> memref<1x32xi32, #tpu.memory_space<vmem>>
    %dma_wait3A_717 = tpu.memref_squeeze %dma_wait3A_716 : memref<1x32xi32, #tpu.memory_space<vmem>> -> memref<32xi32, #tpu.memory_space<vmem>>
    %dma_wait3A_718 = arith.constant 0 : i32
    %dma_wait3A_719 = arith.constant 0 : i32
    %dma_wait3A_720 = tpu.memref_slice %arg2[%dma_wait3A_718, %dma_wait3A_719] : memref<4096x128xi32, #tpu.memory_space<hbm>> -> memref<4096x128xi32, #tpu.memory_space<hbm>>
    tpu.wait_indirect_dma semaphore(%arg10 : memref<!tpu.dma_semaphore, #tpu.memory_space<semaphore_mem>>) src(%dma_wait3A_720 : memref<4096x128xi32, #tpu.memory_space<hbm>>) dst(%dma_wait3A_714 : memref<32x128xi32, #tpu.memory_space<vmem>>)
    %dma_wait3A_721 = arith.constant 27 : i32
    %dma_wait3A_722 = arith.constant 3 : i32
    %dma_wait3A_723 = arith.constant 0 : i32
    %dma_wait3A_724 = arith.constant 0 : i32
    %dma_wait3A_725 = tpu.memref_slice %arg8[%dma_wait3A_722, %dma_wait3A_723, %dma_wait3A_724] : memref<8x32x128xi32, #tpu.memory_space<vmem>> -> memref<1x32x128xi32, #tpu.memory_space<vmem>>
    %dma_wait3A_726 = tpu.memref_squeeze %dma_wait3A_725 : memref<1x32x128xi32, #tpu.memory_space<vmem>> -> memref<32x128xi32, #tpu.memory_space<vmem>>
    %dma_wait3A_727 = arith.constant 0 : i32
    %dma_wait3A_728 = tpu.memref_slice %arg7[%dma_wait3A_721, %dma_wait3A_727] : memref<32x128xi32, #tpu.memory_space<vmem>> -> memref<1x32xi32, #tpu.memory_space<vmem>>
    %dma_wait3A_729 = tpu.memref_squeeze %dma_wait3A_728 : memref<1x32xi32, #tpu.memory_space<vmem>> -> memref<32xi32, #tpu.memory_space<vmem>>
    %dma_wait3A_730 = arith.constant 0 : i32
    %dma_wait3A_731 = arith.constant 0 : i32
    %dma_wait3A_732 = tpu.memref_slice %arg2[%dma_wait3A_730, %dma_wait3A_731] : memref<4096x128xi32, #tpu.memory_space<hbm>> -> memref<4096x128xi32, #tpu.memory_space<hbm>>
    tpu.wait_indirect_dma semaphore(%arg10 : memref<!tpu.dma_semaphore, #tpu.memory_space<semaphore_mem>>) src(%dma_wait3A_732 : memref<4096x128xi32, #tpu.memory_space<hbm>>) dst(%dma_wait3A_726 : memref<32x128xi32, #tpu.memory_space<vmem>>)
    %dma_wait3A_733 = arith.constant 28 : i32
    %dma_wait3A_734 = arith.constant 4 : i32
    %dma_wait3A_735 = arith.constant 0 : i32
    %dma_wait3A_736 = arith.constant 0 : i32
    %dma_wait3A_737 = tpu.memref_slice %arg8[%dma_wait3A_734, %dma_wait3A_735, %dma_wait3A_736] : memref<8x32x128xi32, #tpu.memory_space<vmem>> -> memref<1x32x128xi32, #tpu.memory_space<vmem>>
    %dma_wait3A_738 = tpu.memref_squeeze %dma_wait3A_737 : memref<1x32x128xi32, #tpu.memory_space<vmem>> -> memref<32x128xi32, #tpu.memory_space<vmem>>
    %dma_wait3A_739 = arith.constant 0 : i32
    %dma_wait3A_740 = tpu.memref_slice %arg7[%dma_wait3A_733, %dma_wait3A_739] : memref<32x128xi32, #tpu.memory_space<vmem>> -> memref<1x32xi32, #tpu.memory_space<vmem>>
    %dma_wait3A_741 = tpu.memref_squeeze %dma_wait3A_740 : memref<1x32xi32, #tpu.memory_space<vmem>> -> memref<32xi32, #tpu.memory_space<vmem>>
    %dma_wait3A_742 = arith.constant 0 : i32
    %dma_wait3A_743 = arith.constant 0 : i32
    %dma_wait3A_744 = tpu.memref_slice %arg2[%dma_wait3A_742, %dma_wait3A_743] : memref<4096x128xi32, #tpu.memory_space<hbm>> -> memref<4096x128xi32, #tpu.memory_space<hbm>>
    tpu.wait_indirect_dma semaphore(%arg10 : memref<!tpu.dma_semaphore, #tpu.memory_space<semaphore_mem>>) src(%dma_wait3A_744 : memref<4096x128xi32, #tpu.memory_space<hbm>>) dst(%dma_wait3A_738 : memref<32x128xi32, #tpu.memory_space<vmem>>)
    %dma_wait3A_745 = arith.constant 29 : i32
    %dma_wait3A_746 = arith.constant 5 : i32
    %dma_wait3A_747 = arith.constant 0 : i32
    %dma_wait3A_748 = arith.constant 0 : i32
    %dma_wait3A_749 = tpu.memref_slice %arg8[%dma_wait3A_746, %dma_wait3A_747, %dma_wait3A_748] : memref<8x32x128xi32, #tpu.memory_space<vmem>> -> memref<1x32x128xi32, #tpu.memory_space<vmem>>
    %dma_wait3A_750 = tpu.memref_squeeze %dma_wait3A_749 : memref<1x32x128xi32, #tpu.memory_space<vmem>> -> memref<32x128xi32, #tpu.memory_space<vmem>>
    %dma_wait3A_751 = arith.constant 0 : i32
    %dma_wait3A_752 = tpu.memref_slice %arg7[%dma_wait3A_745, %dma_wait3A_751] : memref<32x128xi32, #tpu.memory_space<vmem>> -> memref<1x32xi32, #tpu.memory_space<vmem>>
    %dma_wait3A_753 = tpu.memref_squeeze %dma_wait3A_752 : memref<1x32xi32, #tpu.memory_space<vmem>> -> memref<32xi32, #tpu.memory_space<vmem>>
    %dma_wait3A_754 = arith.constant 0 : i32
    %dma_wait3A_755 = arith.constant 0 : i32
    %dma_wait3A_756 = tpu.memref_slice %arg2[%dma_wait3A_754, %dma_wait3A_755] : memref<4096x128xi32, #tpu.memory_space<hbm>> -> memref<4096x128xi32, #tpu.memory_space<hbm>>
    tpu.wait_indirect_dma semaphore(%arg10 : memref<!tpu.dma_semaphore, #tpu.memory_space<semaphore_mem>>) src(%dma_wait3A_756 : memref<4096x128xi32, #tpu.memory_space<hbm>>) dst(%dma_wait3A_750 : memref<32x128xi32, #tpu.memory_space<vmem>>)
    %dma_wait3A_757 = arith.constant 30 : i32
    %dma_wait3A_758 = arith.constant 6 : i32
    %dma_wait3A_759 = arith.constant 0 : i32
    %dma_wait3A_760 = arith.constant 0 : i32
    %dma_wait3A_761 = tpu.memref_slice %arg8[%dma_wait3A_758, %dma_wait3A_759, %dma_wait3A_760] : memref<8x32x128xi32, #tpu.memory_space<vmem>> -> memref<1x32x128xi32, #tpu.memory_space<vmem>>
    %dma_wait3A_762 = tpu.memref_squeeze %dma_wait3A_761 : memref<1x32x128xi32, #tpu.memory_space<vmem>> -> memref<32x128xi32, #tpu.memory_space<vmem>>
    %dma_wait3A_763 = arith.constant 0 : i32
    %dma_wait3A_764 = tpu.memref_slice %arg7[%dma_wait3A_757, %dma_wait3A_763] : memref<32x128xi32, #tpu.memory_space<vmem>> -> memref<1x32xi32, #tpu.memory_space<vmem>>
    %dma_wait3A_765 = tpu.memref_squeeze %dma_wait3A_764 : memref<1x32xi32, #tpu.memory_space<vmem>> -> memref<32xi32, #tpu.memory_space<vmem>>
    %dma_wait3A_766 = arith.constant 0 : i32
    %dma_wait3A_767 = arith.constant 0 : i32
    %dma_wait3A_768 = tpu.memref_slice %arg2[%dma_wait3A_766, %dma_wait3A_767] : memref<4096x128xi32, #tpu.memory_space<hbm>> -> memref<4096x128xi32, #tpu.memory_space<hbm>>
    tpu.wait_indirect_dma semaphore(%arg10 : memref<!tpu.dma_semaphore, #tpu.memory_space<semaphore_mem>>) src(%dma_wait3A_768 : memref<4096x128xi32, #tpu.memory_space<hbm>>) dst(%dma_wait3A_762 : memref<32x128xi32, #tpu.memory_space<vmem>>)
    %dma_wait3A_769 = arith.constant 31 : i32
    %dma_wait3A_770 = arith.constant 7 : i32
    %dma_wait3A_771 = arith.constant 0 : i32
    %dma_wait3A_772 = arith.constant 0 : i32
    %dma_wait3A_773 = tpu.memref_slice %arg8[%dma_wait3A_770, %dma_wait3A_771, %dma_wait3A_772] : memref<8x32x128xi32, #tpu.memory_space<vmem>> -> memref<1x32x128xi32, #tpu.memory_space<vmem>>
    %dma_wait3A_774 = tpu.memref_squeeze %dma_wait3A_773 : memref<1x32x128xi32, #tpu.memory_space<vmem>> -> memref<32x128xi32, #tpu.memory_space<vmem>>
    %dma_wait3A_775 = arith.constant 0 : i32
    %dma_wait3A_776 = tpu.memref_slice %arg7[%dma_wait3A_769, %dma_wait3A_775] : memref<32x128xi32, #tpu.memory_space<vmem>> -> memref<1x32xi32, #tpu.memory_space<vmem>>
    %dma_wait3A_777 = tpu.memref_squeeze %dma_wait3A_776 : memref<1x32xi32, #tpu.memory_space<vmem>> -> memref<32xi32, #tpu.memory_space<vmem>>
    %dma_wait3A_778 = arith.constant 0 : i32
    %dma_wait3A_779 = arith.constant 0 : i32
    %dma_wait3A_780 = tpu.memref_slice %arg2[%dma_wait3A_778, %dma_wait3A_779] : memref<4096x128xi32, #tpu.memory_space<hbm>> -> memref<4096x128xi32, #tpu.memory_space<hbm>>
    tpu.wait_indirect_dma semaphore(%arg10 : memref<!tpu.dma_semaphore, #tpu.memory_space<semaphore_mem>>) src(%dma_wait3A_780 : memref<4096x128xi32, #tpu.memory_space<hbm>>) dst(%dma_wait3A_774 : memref<32x128xi32, #tpu.memory_space<vmem>>)
    %add3A_781 = arith.constant 24 : i32
    %add3A_782 = arith.addi %mul3A_2, %add3A_781 : i32
    "tpu.region"() ({
      %run_scoped3A = tpu.sem_alloc : memref<!tpu.dma_semaphore, #tpu.memory_space<semaphore_mem>>
      %dma_start3A_783 = arith.constant 0 : i32
      %dma_start3A_784 = arith.constant 0 : i32
      %dma_start3A_785 = tpu.memref_slice %arg5[%add3A_782, %dma_start3A_783, %dma_start3A_784] : memref<1024x32x128xi32, #tpu.memory_space<hbm>> -> memref<8x32x128xi32, #tpu.memory_space<hbm>>
      %dma_start3A_786 = arith.constant 0 : i32
      %dma_start3A_787 = arith.constant 0 : i32
      %dma_start3A_788 = tpu.memref_slice %arg5[%add3A_782, %dma_start3A_786, %dma_start3A_787] : memref<1024x32x128xi32, #tpu.memory_space<hbm>> -> memref<8x32x128xi32, #tpu.memory_space<hbm>>
      tpu.enqueue_dma source(%arg8 : memref<8x32x128xi32, #tpu.memory_space<vmem>>) target(%dma_start3A_788 : memref<8x32x128xi32, #tpu.memory_space<hbm>>) target_semaphore(%run_scoped3A : memref<!tpu.dma_semaphore, #tpu.memory_space<semaphore_mem>>)
      %dma_wait3A_789 = arith.constant 0 : i32
      %dma_wait3A_790 = arith.constant 0 : i32
      %dma_wait3A_791 = tpu.memref_slice %arg5[%add3A_782, %dma_wait3A_789, %dma_wait3A_790] : memref<1024x32x128xi32, #tpu.memory_space<hbm>> -> memref<8x32x128xi32, #tpu.memory_space<hbm>>
      %dma_wait3A_792 = arith.constant 0 : i32
      %dma_wait3A_793 = arith.constant 0 : i32
      %dma_wait3A_794 = tpu.memref_slice %arg5[%add3A_782, %dma_wait3A_792, %dma_wait3A_793] : memref<1024x32x128xi32, #tpu.memory_space<hbm>> -> memref<8x32x128xi32, #tpu.memory_space<hbm>>
      tpu.wait_dma2 semaphore(%run_scoped3A : memref<!tpu.dma_semaphore, #tpu.memory_space<semaphore_mem>>) src(%arg8 : memref<8x32x128xi32, #tpu.memory_space<vmem>>) dst(%dma_wait3A_794 : memref<8x32x128xi32, #tpu.memory_space<hbm>>)
      tpu.yield
    }) : () -> ()
    return
  }
}

module attributes {stable_mosaic.version = 14 : i64} {
  func.func @_knn_body(%arg0: i32, %arg1: memref<256x256xf32, #tpu.memory_space<vmem>>, %arg2: memref<4096x256xf32, #tpu.memory_space<vmem>>, %arg3: memref<256x128xi32, #tpu.memory_space<vmem>>) attributes {dimension_semantics = [#tpu.dimension_semantics<arbitrary>], iteration_bounds = array<i64: 16>, scalar_prefetch = 0 : i64, scratch_operands = 0 : i64, tpu.core_type = #tpu.core_type<tc>, window_params = [{transform_indices = @transform_0, window_bounds = array<i64: 256, 256>}, {pipeline_mode = #tpu.pipeline_mode<synchronous>, transform_indices = @transform_1, window_bounds = array<i64: 4096, 256>}, {transform_indices = @transform_2, window_bounds = array<i64: 256, 128>}]} {
    %get3A = arith.constant 0 : index
    %get3A_0 = arith.constant 0 : index
    %get3A_1 = vector.load %arg1[%get3A, %get3A_0] : memref<256x256xf32, #tpu.memory_space<vmem>>, vector<256x256xf32>
    %get3A_2 = arith.constant 0 : index
    %get3A_3 = arith.constant 0 : index
    %get3A_4 = vector.load %arg2[%get3A_2, %get3A_3] : memref<4096x256xf32, #tpu.memory_space<vmem>>, vector<4096x256xf32>
    %broadcast_in_dim3A = arith.constant 1.000000e+00 : f32
    %broadcast_in_dim3A_5 = vector.broadcast %broadcast_in_dim3A : f32 to vector<1x256xf32>
    %mul3A = arith.mulf %get3A_4, %get3A_4 : vector<4096x256xf32>
    %dot_general3A = arith.constant dense<0.000000e+00> : vector<1x4096xf32>
    %dot_general3A_6 = tpu.matmul %broadcast_in_dim3A_5, %mul3A, %dot_general3A {dimension_numbers = #tpu.dot_dimension_numbers<[1], [1], [0], [0], [0, 0, 1, 0], [], []>, transpose_lhs_hint = false} : vector<1x256xf32>, vector<4096x256xf32>, vector<1x4096xf32> -> vector<1x4096xf32>
    %dot_general3A_7 = arith.constant dense<0.000000e+00> : vector<256x4096xf32>
    %dot_general3A_8 = tpu.matmul %get3A_1, %get3A_4, %dot_general3A_7 {dimension_numbers = #tpu.dot_dimension_numbers<[1], [1], [0], [0], [0, 0, 1, 0], [], []>, transpose_lhs_hint = false} : vector<256x256xf32>, vector<4096x256xf32>, vector<256x4096xf32> -> vector<256x4096xf32>
    %mul3A_9 = arith.constant 2.000000e+00 : f32
    %mul3A_10 = vector.broadcast %mul3A_9 : f32 to vector<256x4096xf32>
    %mul3A_11 = arith.mulf %mul3A_10, %dot_general3A_8 : vector<256x4096xf32>
    %sub3A = vector.broadcast %dot_general3A_6 : vector<1x4096xf32> to vector<256x4096xf32>
    %sub3A_12 = arith.subf %sub3A, %mul3A_11 : vector<256x4096xf32>
    %iota3A = tpu.iota {dimensions = array<i32: 1>} : vector<256x4096xi32>
    %iota3A_13 = tpu.iota {dimensions = array<i32: 0>} : vector<256x4096xi32>
    %mul3A_14 = arith.constant 256 : i32
    %mul3A_15 = arith.muli %arg0, %mul3A_14 : i32
    %add3A = vector.broadcast %mul3A_15 : i32 to vector<256x4096xi32>
    %add3A_16 = arith.addi %iota3A_13, %add3A : vector<256x4096xi32>
    %bitcast_convert_type3A = tpu.bitcast %sub3A_12 : vector<256x4096xf32> -> vector<256x4096xi32>
    %shift_right_arithmetic3A = arith.constant 31 : i32
    %shift_right_arithmetic3A_17 = vector.broadcast %shift_right_arithmetic3A : i32 to vector<256x4096xi32>
    %shift_right_arithmetic3A_18 = arith.shrsi %bitcast_convert_type3A, %shift_right_arithmetic3A_17 : vector<256x4096xi32>
    %and3A = arith.constant 2147483647 : i32
    %and3A_19 = vector.broadcast %and3A : i32 to vector<256x4096xi32>
    %and3A_20 = arith.andi %shift_right_arithmetic3A_18, %and3A_19 : vector<256x4096xi32>
    %xor3A = arith.xori %bitcast_convert_type3A, %and3A_20 : vector<256x4096xi32>
    %and3A_21 = arith.constant -4096 : i32
    %and3A_22 = vector.broadcast %and3A_21 : i32 to vector<256x4096xi32>
    %and3A_23 = arith.andi %xor3A, %and3A_22 : vector<256x4096xi32>
    %or3A = arith.ori %and3A_23, %iota3A : vector<256x4096xi32>
    %eq3A = arith.cmpi eq, %iota3A, %add3A_16 : vector<256x4096xi32>
    %jit3A = arith.constant 2147483647 : i32
    %broadcast_in_dim3A_24 = vector.broadcast %jit3A : i32 to vector<256x4096xi32>
    %select_n3A = arith.select %eq3A, %broadcast_in_dim3A_24, %or3A : vector<256x4096xi1>, vector<256x4096xi32>
    %reduce_min3A = arith.constant dense<2147483647> : vector<256xi32>
    %reduce_min3A_25 = vector.multi_reduction <minsi>, %select_n3A, %reduce_min3A [1] : vector<256x4096xi32> to vector<256xi32>
    %broadcast_in_dim3A_26 = vector.shape_cast %reduce_min3A_25 : vector<256xi32> to vector<256x1xi32>
    %and3A_27 = arith.constant 4095 : i32
    %and3A_28 = vector.broadcast %and3A_27 : i32 to vector<256x1xi32>
    %and3A_29 = arith.andi %broadcast_in_dim3A_26, %and3A_28 : vector<256x1xi32>
    %gt3A = vector.broadcast %broadcast_in_dim3A_26 : vector<256x1xi32> to vector<256x4096xi32>
    %gt3A_30 = arith.cmpi sgt, %select_n3A, %gt3A : vector<256x4096xi32>
    %jit3A_31 = arith.constant 2147483647 : i32
    %broadcast_in_dim3A_32 = vector.broadcast %jit3A_31 : i32 to vector<256x4096xi32>
    %select_n3A_33 = arith.select %gt3A_30, %select_n3A, %broadcast_in_dim3A_32 : vector<256x4096xi1>, vector<256x4096xi32>
    %reduce_min3A_34 = arith.constant dense<2147483647> : vector<256xi32>
    %reduce_min3A_35 = vector.multi_reduction <minsi>, %select_n3A_33, %reduce_min3A_34 [1] : vector<256x4096xi32> to vector<256xi32>
    %broadcast_in_dim3A_36 = vector.shape_cast %reduce_min3A_35 : vector<256xi32> to vector<256x1xi32>
    %and3A_37 = arith.constant 4095 : i32
    %and3A_38 = vector.broadcast %and3A_37 : i32 to vector<256x1xi32>
    %and3A_39 = arith.andi %broadcast_in_dim3A_36, %and3A_38 : vector<256x1xi32>
    %gt3A_40 = vector.broadcast %broadcast_in_dim3A_36 : vector<256x1xi32> to vector<256x4096xi32>
    %gt3A_41 = arith.cmpi sgt, %select_n3A, %gt3A_40 : vector<256x4096xi32>
    %jit3A_42 = arith.constant 2147483647 : i32
    %broadcast_in_dim3A_43 = vector.broadcast %jit3A_42 : i32 to vector<256x4096xi32>
    %select_n3A_44 = arith.select %gt3A_41, %select_n3A, %broadcast_in_dim3A_43 : vector<256x4096xi1>, vector<256x4096xi32>
    %reduce_min3A_45 = arith.constant dense<2147483647> : vector<256xi32>
    %reduce_min3A_46 = vector.multi_reduction <minsi>, %select_n3A_44, %reduce_min3A_45 [1] : vector<256x4096xi32> to vector<256xi32>
    %broadcast_in_dim3A_47 = vector.shape_cast %reduce_min3A_46 : vector<256xi32> to vector<256x1xi32>
    %and3A_48 = arith.constant 4095 : i32
    %and3A_49 = vector.broadcast %and3A_48 : i32 to vector<256x1xi32>
    %and3A_50 = arith.andi %broadcast_in_dim3A_47, %and3A_49 : vector<256x1xi32>
    %gt3A_51 = vector.broadcast %broadcast_in_dim3A_47 : vector<256x1xi32> to vector<256x4096xi32>
    %gt3A_52 = arith.cmpi sgt, %select_n3A, %gt3A_51 : vector<256x4096xi32>
    %jit3A_53 = arith.constant 2147483647 : i32
    %broadcast_in_dim3A_54 = vector.broadcast %jit3A_53 : i32 to vector<256x4096xi32>
    %select_n3A_55 = arith.select %gt3A_52, %select_n3A, %broadcast_in_dim3A_54 : vector<256x4096xi1>, vector<256x4096xi32>
    %reduce_min3A_56 = arith.constant dense<2147483647> : vector<256xi32>
    %reduce_min3A_57 = vector.multi_reduction <minsi>, %select_n3A_55, %reduce_min3A_56 [1] : vector<256x4096xi32> to vector<256xi32>
    %broadcast_in_dim3A_58 = vector.shape_cast %reduce_min3A_57 : vector<256xi32> to vector<256x1xi32>
    %and3A_59 = arith.constant 4095 : i32
    %and3A_60 = vector.broadcast %and3A_59 : i32 to vector<256x1xi32>
    %and3A_61 = arith.andi %broadcast_in_dim3A_58, %and3A_60 : vector<256x1xi32>
    %gt3A_62 = vector.broadcast %broadcast_in_dim3A_58 : vector<256x1xi32> to vector<256x4096xi32>
    %gt3A_63 = arith.cmpi sgt, %select_n3A, %gt3A_62 : vector<256x4096xi32>
    %jit3A_64 = arith.constant 2147483647 : i32
    %broadcast_in_dim3A_65 = vector.broadcast %jit3A_64 : i32 to vector<256x4096xi32>
    %select_n3A_66 = arith.select %gt3A_63, %select_n3A, %broadcast_in_dim3A_65 : vector<256x4096xi1>, vector<256x4096xi32>
    %reduce_min3A_67 = arith.constant dense<2147483647> : vector<256xi32>
    %reduce_min3A_68 = vector.multi_reduction <minsi>, %select_n3A_66, %reduce_min3A_67 [1] : vector<256x4096xi32> to vector<256xi32>
    %broadcast_in_dim3A_69 = vector.shape_cast %reduce_min3A_68 : vector<256xi32> to vector<256x1xi32>
    %and3A_70 = arith.constant 4095 : i32
    %and3A_71 = vector.broadcast %and3A_70 : i32 to vector<256x1xi32>
    %and3A_72 = arith.andi %broadcast_in_dim3A_69, %and3A_71 : vector<256x1xi32>
    %gt3A_73 = vector.broadcast %broadcast_in_dim3A_69 : vector<256x1xi32> to vector<256x4096xi32>
    %gt3A_74 = arith.cmpi sgt, %select_n3A, %gt3A_73 : vector<256x4096xi32>
    %jit3A_75 = arith.constant 2147483647 : i32
    %broadcast_in_dim3A_76 = vector.broadcast %jit3A_75 : i32 to vector<256x4096xi32>
    %select_n3A_77 = arith.select %gt3A_74, %select_n3A, %broadcast_in_dim3A_76 : vector<256x4096xi1>, vector<256x4096xi32>
    %reduce_min3A_78 = arith.constant dense<2147483647> : vector<256xi32>
    %reduce_min3A_79 = vector.multi_reduction <minsi>, %select_n3A_77, %reduce_min3A_78 [1] : vector<256x4096xi32> to vector<256xi32>
    %broadcast_in_dim3A_80 = vector.shape_cast %reduce_min3A_79 : vector<256xi32> to vector<256x1xi32>
    %and3A_81 = arith.constant 4095 : i32
    %and3A_82 = vector.broadcast %and3A_81 : i32 to vector<256x1xi32>
    %and3A_83 = arith.andi %broadcast_in_dim3A_80, %and3A_82 : vector<256x1xi32>
    %gt3A_84 = vector.broadcast %broadcast_in_dim3A_80 : vector<256x1xi32> to vector<256x4096xi32>
    %gt3A_85 = arith.cmpi sgt, %select_n3A, %gt3A_84 : vector<256x4096xi32>
    %jit3A_86 = arith.constant 2147483647 : i32
    %broadcast_in_dim3A_87 = vector.broadcast %jit3A_86 : i32 to vector<256x4096xi32>
    %select_n3A_88 = arith.select %gt3A_85, %select_n3A, %broadcast_in_dim3A_87 : vector<256x4096xi1>, vector<256x4096xi32>
    %reduce_min3A_89 = arith.constant dense<2147483647> : vector<256xi32>
    %reduce_min3A_90 = vector.multi_reduction <minsi>, %select_n3A_88, %reduce_min3A_89 [1] : vector<256x4096xi32> to vector<256xi32>
    %broadcast_in_dim3A_91 = vector.shape_cast %reduce_min3A_90 : vector<256xi32> to vector<256x1xi32>
    %and3A_92 = arith.constant 4095 : i32
    %and3A_93 = vector.broadcast %and3A_92 : i32 to vector<256x1xi32>
    %and3A_94 = arith.andi %broadcast_in_dim3A_91, %and3A_93 : vector<256x1xi32>
    %gt3A_95 = vector.broadcast %broadcast_in_dim3A_91 : vector<256x1xi32> to vector<256x4096xi32>
    %gt3A_96 = arith.cmpi sgt, %select_n3A, %gt3A_95 : vector<256x4096xi32>
    %jit3A_97 = arith.constant 2147483647 : i32
    %broadcast_in_dim3A_98 = vector.broadcast %jit3A_97 : i32 to vector<256x4096xi32>
    %select_n3A_99 = arith.select %gt3A_96, %select_n3A, %broadcast_in_dim3A_98 : vector<256x4096xi1>, vector<256x4096xi32>
    %reduce_min3A_100 = arith.constant dense<2147483647> : vector<256xi32>
    %reduce_min3A_101 = vector.multi_reduction <minsi>, %select_n3A_99, %reduce_min3A_100 [1] : vector<256x4096xi32> to vector<256xi32>
    %broadcast_in_dim3A_102 = vector.shape_cast %reduce_min3A_101 : vector<256xi32> to vector<256x1xi32>
    %and3A_103 = arith.constant 4095 : i32
    %and3A_104 = vector.broadcast %and3A_103 : i32 to vector<256x1xi32>
    %and3A_105 = arith.andi %broadcast_in_dim3A_102, %and3A_104 : vector<256x1xi32>
    %gt3A_106 = vector.broadcast %broadcast_in_dim3A_102 : vector<256x1xi32> to vector<256x4096xi32>
    %gt3A_107 = arith.cmpi sgt, %select_n3A, %gt3A_106 : vector<256x4096xi32>
    %jit3A_108 = arith.constant 2147483647 : i32
    %broadcast_in_dim3A_109 = vector.broadcast %jit3A_108 : i32 to vector<256x4096xi32>
    %select_n3A_110 = arith.select %gt3A_107, %select_n3A, %broadcast_in_dim3A_109 : vector<256x4096xi1>, vector<256x4096xi32>
    %reduce_min3A_111 = arith.constant dense<2147483647> : vector<256xi32>
    %reduce_min3A_112 = vector.multi_reduction <minsi>, %select_n3A_110, %reduce_min3A_111 [1] : vector<256x4096xi32> to vector<256xi32>
    %broadcast_in_dim3A_113 = vector.shape_cast %reduce_min3A_112 : vector<256xi32> to vector<256x1xi32>
    %and3A_114 = arith.constant 4095 : i32
    %and3A_115 = vector.broadcast %and3A_114 : i32 to vector<256x1xi32>
    %and3A_116 = arith.andi %broadcast_in_dim3A_113, %and3A_115 : vector<256x1xi32>
    %gt3A_117 = vector.broadcast %broadcast_in_dim3A_113 : vector<256x1xi32> to vector<256x4096xi32>
    %gt3A_118 = arith.cmpi sgt, %select_n3A, %gt3A_117 : vector<256x4096xi32>
    %jit3A_119 = arith.constant 2147483647 : i32
    %broadcast_in_dim3A_120 = vector.broadcast %jit3A_119 : i32 to vector<256x4096xi32>
    %select_n3A_121 = arith.select %gt3A_118, %select_n3A, %broadcast_in_dim3A_120 : vector<256x4096xi1>, vector<256x4096xi32>
    %reduce_min3A_122 = arith.constant dense<2147483647> : vector<256xi32>
    %reduce_min3A_123 = vector.multi_reduction <minsi>, %select_n3A_121, %reduce_min3A_122 [1] : vector<256x4096xi32> to vector<256xi32>
    %broadcast_in_dim3A_124 = vector.shape_cast %reduce_min3A_123 : vector<256xi32> to vector<256x1xi32>
    %and3A_125 = arith.constant 4095 : i32
    %and3A_126 = vector.broadcast %and3A_125 : i32 to vector<256x1xi32>
    %and3A_127 = arith.andi %broadcast_in_dim3A_124, %and3A_126 : vector<256x1xi32>
    %gt3A_128 = vector.broadcast %broadcast_in_dim3A_124 : vector<256x1xi32> to vector<256x4096xi32>
    %gt3A_129 = arith.cmpi sgt, %select_n3A, %gt3A_128 : vector<256x4096xi32>
    %jit3A_130 = arith.constant 2147483647 : i32
    %broadcast_in_dim3A_131 = vector.broadcast %jit3A_130 : i32 to vector<256x4096xi32>
    %select_n3A_132 = arith.select %gt3A_129, %select_n3A, %broadcast_in_dim3A_131 : vector<256x4096xi1>, vector<256x4096xi32>
    %reduce_min3A_133 = arith.constant dense<2147483647> : vector<256xi32>
    %reduce_min3A_134 = vector.multi_reduction <minsi>, %select_n3A_132, %reduce_min3A_133 [1] : vector<256x4096xi32> to vector<256xi32>
    %broadcast_in_dim3A_135 = vector.shape_cast %reduce_min3A_134 : vector<256xi32> to vector<256x1xi32>
    %and3A_136 = arith.constant 4095 : i32
    %and3A_137 = vector.broadcast %and3A_136 : i32 to vector<256x1xi32>
    %and3A_138 = arith.andi %broadcast_in_dim3A_135, %and3A_137 : vector<256x1xi32>
    %gt3A_139 = vector.broadcast %broadcast_in_dim3A_135 : vector<256x1xi32> to vector<256x4096xi32>
    %gt3A_140 = arith.cmpi sgt, %select_n3A, %gt3A_139 : vector<256x4096xi32>
    %jit3A_141 = arith.constant 2147483647 : i32
    %broadcast_in_dim3A_142 = vector.broadcast %jit3A_141 : i32 to vector<256x4096xi32>
    %select_n3A_143 = arith.select %gt3A_140, %select_n3A, %broadcast_in_dim3A_142 : vector<256x4096xi1>, vector<256x4096xi32>
    %reduce_min3A_144 = arith.constant dense<2147483647> : vector<256xi32>
    %reduce_min3A_145 = vector.multi_reduction <minsi>, %select_n3A_143, %reduce_min3A_144 [1] : vector<256x4096xi32> to vector<256xi32>
    %broadcast_in_dim3A_146 = vector.shape_cast %reduce_min3A_145 : vector<256xi32> to vector<256x1xi32>
    %and3A_147 = arith.constant 4095 : i32
    %and3A_148 = vector.broadcast %and3A_147 : i32 to vector<256x1xi32>
    %and3A_149 = arith.andi %broadcast_in_dim3A_146, %and3A_148 : vector<256x1xi32>
    %gt3A_150 = vector.broadcast %broadcast_in_dim3A_146 : vector<256x1xi32> to vector<256x4096xi32>
    %gt3A_151 = arith.cmpi sgt, %select_n3A, %gt3A_150 : vector<256x4096xi32>
    %jit3A_152 = arith.constant 2147483647 : i32
    %broadcast_in_dim3A_153 = vector.broadcast %jit3A_152 : i32 to vector<256x4096xi32>
    %select_n3A_154 = arith.select %gt3A_151, %select_n3A, %broadcast_in_dim3A_153 : vector<256x4096xi1>, vector<256x4096xi32>
    %reduce_min3A_155 = arith.constant dense<2147483647> : vector<256xi32>
    %reduce_min3A_156 = vector.multi_reduction <minsi>, %select_n3A_154, %reduce_min3A_155 [1] : vector<256x4096xi32> to vector<256xi32>
    %broadcast_in_dim3A_157 = vector.shape_cast %reduce_min3A_156 : vector<256xi32> to vector<256x1xi32>
    %and3A_158 = arith.constant 4095 : i32
    %and3A_159 = vector.broadcast %and3A_158 : i32 to vector<256x1xi32>
    %and3A_160 = arith.andi %broadcast_in_dim3A_157, %and3A_159 : vector<256x1xi32>
    %gt3A_161 = vector.broadcast %broadcast_in_dim3A_157 : vector<256x1xi32> to vector<256x4096xi32>
    %gt3A_162 = arith.cmpi sgt, %select_n3A, %gt3A_161 : vector<256x4096xi32>
    %jit3A_163 = arith.constant 2147483647 : i32
    %broadcast_in_dim3A_164 = vector.broadcast %jit3A_163 : i32 to vector<256x4096xi32>
    %select_n3A_165 = arith.select %gt3A_162, %select_n3A, %broadcast_in_dim3A_164 : vector<256x4096xi1>, vector<256x4096xi32>
    %reduce_min3A_166 = arith.constant dense<2147483647> : vector<256xi32>
    %reduce_min3A_167 = vector.multi_reduction <minsi>, %select_n3A_165, %reduce_min3A_166 [1] : vector<256x4096xi32> to vector<256xi32>
    %broadcast_in_dim3A_168 = vector.shape_cast %reduce_min3A_167 : vector<256xi32> to vector<256x1xi32>
    %and3A_169 = arith.constant 4095 : i32
    %and3A_170 = vector.broadcast %and3A_169 : i32 to vector<256x1xi32>
    %and3A_171 = arith.andi %broadcast_in_dim3A_168, %and3A_170 : vector<256x1xi32>
    %gt3A_172 = vector.broadcast %broadcast_in_dim3A_168 : vector<256x1xi32> to vector<256x4096xi32>
    %gt3A_173 = arith.cmpi sgt, %select_n3A, %gt3A_172 : vector<256x4096xi32>
    %jit3A_174 = arith.constant 2147483647 : i32
    %broadcast_in_dim3A_175 = vector.broadcast %jit3A_174 : i32 to vector<256x4096xi32>
    %select_n3A_176 = arith.select %gt3A_173, %select_n3A, %broadcast_in_dim3A_175 : vector<256x4096xi1>, vector<256x4096xi32>
    %reduce_min3A_177 = arith.constant dense<2147483647> : vector<256xi32>
    %reduce_min3A_178 = vector.multi_reduction <minsi>, %select_n3A_176, %reduce_min3A_177 [1] : vector<256x4096xi32> to vector<256xi32>
    %broadcast_in_dim3A_179 = vector.shape_cast %reduce_min3A_178 : vector<256xi32> to vector<256x1xi32>
    %and3A_180 = arith.constant 4095 : i32
    %and3A_181 = vector.broadcast %and3A_180 : i32 to vector<256x1xi32>
    %and3A_182 = arith.andi %broadcast_in_dim3A_179, %and3A_181 : vector<256x1xi32>
    %gt3A_183 = vector.broadcast %broadcast_in_dim3A_179 : vector<256x1xi32> to vector<256x4096xi32>
    %gt3A_184 = arith.cmpi sgt, %select_n3A, %gt3A_183 : vector<256x4096xi32>
    %jit3A_185 = arith.constant 2147483647 : i32
    %broadcast_in_dim3A_186 = vector.broadcast %jit3A_185 : i32 to vector<256x4096xi32>
    %select_n3A_187 = arith.select %gt3A_184, %select_n3A, %broadcast_in_dim3A_186 : vector<256x4096xi1>, vector<256x4096xi32>
    %reduce_min3A_188 = arith.constant dense<2147483647> : vector<256xi32>
    %reduce_min3A_189 = vector.multi_reduction <minsi>, %select_n3A_187, %reduce_min3A_188 [1] : vector<256x4096xi32> to vector<256xi32>
    %broadcast_in_dim3A_190 = vector.shape_cast %reduce_min3A_189 : vector<256xi32> to vector<256x1xi32>
    %and3A_191 = arith.constant 4095 : i32
    %and3A_192 = vector.broadcast %and3A_191 : i32 to vector<256x1xi32>
    %and3A_193 = arith.andi %broadcast_in_dim3A_190, %and3A_192 : vector<256x1xi32>
    %gt3A_194 = vector.broadcast %broadcast_in_dim3A_190 : vector<256x1xi32> to vector<256x4096xi32>
    %gt3A_195 = arith.cmpi sgt, %select_n3A, %gt3A_194 : vector<256x4096xi32>
    %jit3A_196 = arith.constant 2147483647 : i32
    %broadcast_in_dim3A_197 = vector.broadcast %jit3A_196 : i32 to vector<256x4096xi32>
    %select_n3A_198 = arith.select %gt3A_195, %select_n3A, %broadcast_in_dim3A_197 : vector<256x4096xi1>, vector<256x4096xi32>
    %reduce_min3A_199 = arith.constant dense<2147483647> : vector<256xi32>
    %reduce_min3A_200 = vector.multi_reduction <minsi>, %select_n3A_198, %reduce_min3A_199 [1] : vector<256x4096xi32> to vector<256xi32>
    %broadcast_in_dim3A_201 = vector.shape_cast %reduce_min3A_200 : vector<256xi32> to vector<256x1xi32>
    %and3A_202 = arith.constant 4095 : i32
    %and3A_203 = vector.broadcast %and3A_202 : i32 to vector<256x1xi32>
    %and3A_204 = arith.andi %broadcast_in_dim3A_201, %and3A_203 : vector<256x1xi32>
    %gt3A_205 = vector.broadcast %broadcast_in_dim3A_201 : vector<256x1xi32> to vector<256x4096xi32>
    %gt3A_206 = arith.cmpi sgt, %select_n3A, %gt3A_205 : vector<256x4096xi32>
    %jit3A_207 = arith.constant 2147483647 : i32
    %broadcast_in_dim3A_208 = vector.broadcast %jit3A_207 : i32 to vector<256x4096xi32>
    %select_n3A_209 = arith.select %gt3A_206, %select_n3A, %broadcast_in_dim3A_208 : vector<256x4096xi1>, vector<256x4096xi32>
    %reduce_min3A_210 = arith.constant dense<2147483647> : vector<256xi32>
    %reduce_min3A_211 = vector.multi_reduction <minsi>, %select_n3A_209, %reduce_min3A_210 [1] : vector<256x4096xi32> to vector<256xi32>
    %broadcast_in_dim3A_212 = vector.shape_cast %reduce_min3A_211 : vector<256xi32> to vector<256x1xi32>
    %and3A_213 = arith.constant 4095 : i32
    %and3A_214 = vector.broadcast %and3A_213 : i32 to vector<256x1xi32>
    %and3A_215 = arith.andi %broadcast_in_dim3A_212, %and3A_214 : vector<256x1xi32>
    %gt3A_216 = vector.broadcast %broadcast_in_dim3A_212 : vector<256x1xi32> to vector<256x4096xi32>
    %gt3A_217 = arith.cmpi sgt, %select_n3A, %gt3A_216 : vector<256x4096xi32>
    %jit3A_218 = arith.constant 2147483647 : i32
    %broadcast_in_dim3A_219 = vector.broadcast %jit3A_218 : i32 to vector<256x4096xi32>
    %select_n3A_220 = arith.select %gt3A_217, %select_n3A, %broadcast_in_dim3A_219 : vector<256x4096xi1>, vector<256x4096xi32>
    %reduce_min3A_221 = arith.constant dense<2147483647> : vector<256xi32>
    %reduce_min3A_222 = vector.multi_reduction <minsi>, %select_n3A_220, %reduce_min3A_221 [1] : vector<256x4096xi32> to vector<256xi32>
    %broadcast_in_dim3A_223 = vector.shape_cast %reduce_min3A_222 : vector<256xi32> to vector<256x1xi32>
    %and3A_224 = arith.constant 4095 : i32
    %and3A_225 = vector.broadcast %and3A_224 : i32 to vector<256x1xi32>
    %and3A_226 = arith.andi %broadcast_in_dim3A_223, %and3A_225 : vector<256x1xi32>
    %gt3A_227 = vector.broadcast %broadcast_in_dim3A_223 : vector<256x1xi32> to vector<256x4096xi32>
    %gt3A_228 = arith.cmpi sgt, %select_n3A, %gt3A_227 : vector<256x4096xi32>
    %jit3A_229 = arith.constant 2147483647 : i32
    %broadcast_in_dim3A_230 = vector.broadcast %jit3A_229 : i32 to vector<256x4096xi32>
    %select_n3A_231 = arith.select %gt3A_228, %select_n3A, %broadcast_in_dim3A_230 : vector<256x4096xi1>, vector<256x4096xi32>
    %reduce_min3A_232 = arith.constant dense<2147483647> : vector<256xi32>
    %reduce_min3A_233 = vector.multi_reduction <minsi>, %select_n3A_231, %reduce_min3A_232 [1] : vector<256x4096xi32> to vector<256xi32>
    %broadcast_in_dim3A_234 = vector.shape_cast %reduce_min3A_233 : vector<256xi32> to vector<256x1xi32>
    %and3A_235 = arith.constant 4095 : i32
    %and3A_236 = vector.broadcast %and3A_235 : i32 to vector<256x1xi32>
    %and3A_237 = arith.andi %broadcast_in_dim3A_234, %and3A_236 : vector<256x1xi32>
    %gt3A_238 = vector.broadcast %broadcast_in_dim3A_234 : vector<256x1xi32> to vector<256x4096xi32>
    %gt3A_239 = arith.cmpi sgt, %select_n3A, %gt3A_238 : vector<256x4096xi32>
    %jit3A_240 = arith.constant 2147483647 : i32
    %broadcast_in_dim3A_241 = vector.broadcast %jit3A_240 : i32 to vector<256x4096xi32>
    %select_n3A_242 = arith.select %gt3A_239, %select_n3A, %broadcast_in_dim3A_241 : vector<256x4096xi1>, vector<256x4096xi32>
    %reduce_min3A_243 = arith.constant dense<2147483647> : vector<256xi32>
    %reduce_min3A_244 = vector.multi_reduction <minsi>, %select_n3A_242, %reduce_min3A_243 [1] : vector<256x4096xi32> to vector<256xi32>
    %broadcast_in_dim3A_245 = vector.shape_cast %reduce_min3A_244 : vector<256xi32> to vector<256x1xi32>
    %and3A_246 = arith.constant 4095 : i32
    %and3A_247 = vector.broadcast %and3A_246 : i32 to vector<256x1xi32>
    %and3A_248 = arith.andi %broadcast_in_dim3A_245, %and3A_247 : vector<256x1xi32>
    %gt3A_249 = vector.broadcast %broadcast_in_dim3A_245 : vector<256x1xi32> to vector<256x4096xi32>
    %gt3A_250 = arith.cmpi sgt, %select_n3A, %gt3A_249 : vector<256x4096xi32>
    %jit3A_251 = arith.constant 2147483647 : i32
    %broadcast_in_dim3A_252 = vector.broadcast %jit3A_251 : i32 to vector<256x4096xi32>
    %select_n3A_253 = arith.select %gt3A_250, %select_n3A, %broadcast_in_dim3A_252 : vector<256x4096xi1>, vector<256x4096xi32>
    %reduce_min3A_254 = arith.constant dense<2147483647> : vector<256xi32>
    %reduce_min3A_255 = vector.multi_reduction <minsi>, %select_n3A_253, %reduce_min3A_254 [1] : vector<256x4096xi32> to vector<256xi32>
    %broadcast_in_dim3A_256 = vector.shape_cast %reduce_min3A_255 : vector<256xi32> to vector<256x1xi32>
    %and3A_257 = arith.constant 4095 : i32
    %and3A_258 = vector.broadcast %and3A_257 : i32 to vector<256x1xi32>
    %and3A_259 = arith.andi %broadcast_in_dim3A_256, %and3A_258 : vector<256x1xi32>
    %gt3A_260 = vector.broadcast %broadcast_in_dim3A_256 : vector<256x1xi32> to vector<256x4096xi32>
    %gt3A_261 = arith.cmpi sgt, %select_n3A, %gt3A_260 : vector<256x4096xi32>
    %jit3A_262 = arith.constant 2147483647 : i32
    %broadcast_in_dim3A_263 = vector.broadcast %jit3A_262 : i32 to vector<256x4096xi32>
    %select_n3A_264 = arith.select %gt3A_261, %select_n3A, %broadcast_in_dim3A_263 : vector<256x4096xi1>, vector<256x4096xi32>
    %reduce_min3A_265 = arith.constant dense<2147483647> : vector<256xi32>
    %reduce_min3A_266 = vector.multi_reduction <minsi>, %select_n3A_264, %reduce_min3A_265 [1] : vector<256x4096xi32> to vector<256xi32>
    %broadcast_in_dim3A_267 = vector.shape_cast %reduce_min3A_266 : vector<256xi32> to vector<256x1xi32>
    %and3A_268 = arith.constant 4095 : i32
    %and3A_269 = vector.broadcast %and3A_268 : i32 to vector<256x1xi32>
    %and3A_270 = arith.andi %broadcast_in_dim3A_267, %and3A_269 : vector<256x1xi32>
    %gt3A_271 = vector.broadcast %broadcast_in_dim3A_267 : vector<256x1xi32> to vector<256x4096xi32>
    %gt3A_272 = arith.cmpi sgt, %select_n3A, %gt3A_271 : vector<256x4096xi32>
    %jit3A_273 = arith.constant 2147483647 : i32
    %broadcast_in_dim3A_274 = vector.broadcast %jit3A_273 : i32 to vector<256x4096xi32>
    %select_n3A_275 = arith.select %gt3A_272, %select_n3A, %broadcast_in_dim3A_274 : vector<256x4096xi1>, vector<256x4096xi32>
    %reduce_min3A_276 = arith.constant dense<2147483647> : vector<256xi32>
    %reduce_min3A_277 = vector.multi_reduction <minsi>, %select_n3A_275, %reduce_min3A_276 [1] : vector<256x4096xi32> to vector<256xi32>
    %broadcast_in_dim3A_278 = vector.shape_cast %reduce_min3A_277 : vector<256xi32> to vector<256x1xi32>
    %and3A_279 = arith.constant 4095 : i32
    %and3A_280 = vector.broadcast %and3A_279 : i32 to vector<256x1xi32>
    %and3A_281 = arith.andi %broadcast_in_dim3A_278, %and3A_280 : vector<256x1xi32>
    %gt3A_282 = vector.broadcast %broadcast_in_dim3A_278 : vector<256x1xi32> to vector<256x4096xi32>
    %gt3A_283 = arith.cmpi sgt, %select_n3A, %gt3A_282 : vector<256x4096xi32>
    %jit3A_284 = arith.constant 2147483647 : i32
    %broadcast_in_dim3A_285 = vector.broadcast %jit3A_284 : i32 to vector<256x4096xi32>
    %select_n3A_286 = arith.select %gt3A_283, %select_n3A, %broadcast_in_dim3A_285 : vector<256x4096xi1>, vector<256x4096xi32>
    %reduce_min3A_287 = arith.constant dense<2147483647> : vector<256xi32>
    %reduce_min3A_288 = vector.multi_reduction <minsi>, %select_n3A_286, %reduce_min3A_287 [1] : vector<256x4096xi32> to vector<256xi32>
    %broadcast_in_dim3A_289 = vector.shape_cast %reduce_min3A_288 : vector<256xi32> to vector<256x1xi32>
    %and3A_290 = arith.constant 4095 : i32
    %and3A_291 = vector.broadcast %and3A_290 : i32 to vector<256x1xi32>
    %and3A_292 = arith.andi %broadcast_in_dim3A_289, %and3A_291 : vector<256x1xi32>
    %gt3A_293 = vector.broadcast %broadcast_in_dim3A_289 : vector<256x1xi32> to vector<256x4096xi32>
    %gt3A_294 = arith.cmpi sgt, %select_n3A, %gt3A_293 : vector<256x4096xi32>
    %jit3A_295 = arith.constant 2147483647 : i32
    %broadcast_in_dim3A_296 = vector.broadcast %jit3A_295 : i32 to vector<256x4096xi32>
    %select_n3A_297 = arith.select %gt3A_294, %select_n3A, %broadcast_in_dim3A_296 : vector<256x4096xi1>, vector<256x4096xi32>
    %reduce_min3A_298 = arith.constant dense<2147483647> : vector<256xi32>
    %reduce_min3A_299 = vector.multi_reduction <minsi>, %select_n3A_297, %reduce_min3A_298 [1] : vector<256x4096xi32> to vector<256xi32>
    %broadcast_in_dim3A_300 = vector.shape_cast %reduce_min3A_299 : vector<256xi32> to vector<256x1xi32>
    %and3A_301 = arith.constant 4095 : i32
    %and3A_302 = vector.broadcast %and3A_301 : i32 to vector<256x1xi32>
    %and3A_303 = arith.andi %broadcast_in_dim3A_300, %and3A_302 : vector<256x1xi32>
    %gt3A_304 = vector.broadcast %broadcast_in_dim3A_300 : vector<256x1xi32> to vector<256x4096xi32>
    %gt3A_305 = arith.cmpi sgt, %select_n3A, %gt3A_304 : vector<256x4096xi32>
    %jit3A_306 = arith.constant 2147483647 : i32
    %broadcast_in_dim3A_307 = vector.broadcast %jit3A_306 : i32 to vector<256x4096xi32>
    %select_n3A_308 = arith.select %gt3A_305, %select_n3A, %broadcast_in_dim3A_307 : vector<256x4096xi1>, vector<256x4096xi32>
    %reduce_min3A_309 = arith.constant dense<2147483647> : vector<256xi32>
    %reduce_min3A_310 = vector.multi_reduction <minsi>, %select_n3A_308, %reduce_min3A_309 [1] : vector<256x4096xi32> to vector<256xi32>
    %broadcast_in_dim3A_311 = vector.shape_cast %reduce_min3A_310 : vector<256xi32> to vector<256x1xi32>
    %and3A_312 = arith.constant 4095 : i32
    %and3A_313 = vector.broadcast %and3A_312 : i32 to vector<256x1xi32>
    %and3A_314 = arith.andi %broadcast_in_dim3A_311, %and3A_313 : vector<256x1xi32>
    %gt3A_315 = vector.broadcast %broadcast_in_dim3A_311 : vector<256x1xi32> to vector<256x4096xi32>
    %gt3A_316 = arith.cmpi sgt, %select_n3A, %gt3A_315 : vector<256x4096xi32>
    %jit3A_317 = arith.constant 2147483647 : i32
    %broadcast_in_dim3A_318 = vector.broadcast %jit3A_317 : i32 to vector<256x4096xi32>
    %select_n3A_319 = arith.select %gt3A_316, %select_n3A, %broadcast_in_dim3A_318 : vector<256x4096xi1>, vector<256x4096xi32>
    %reduce_min3A_320 = arith.constant dense<2147483647> : vector<256xi32>
    %reduce_min3A_321 = vector.multi_reduction <minsi>, %select_n3A_319, %reduce_min3A_320 [1] : vector<256x4096xi32> to vector<256xi32>
    %broadcast_in_dim3A_322 = vector.shape_cast %reduce_min3A_321 : vector<256xi32> to vector<256x1xi32>
    %and3A_323 = arith.constant 4095 : i32
    %and3A_324 = vector.broadcast %and3A_323 : i32 to vector<256x1xi32>
    %and3A_325 = arith.andi %broadcast_in_dim3A_322, %and3A_324 : vector<256x1xi32>
    %gt3A_326 = vector.broadcast %broadcast_in_dim3A_322 : vector<256x1xi32> to vector<256x4096xi32>
    %gt3A_327 = arith.cmpi sgt, %select_n3A, %gt3A_326 : vector<256x4096xi32>
    %jit3A_328 = arith.constant 2147483647 : i32
    %broadcast_in_dim3A_329 = vector.broadcast %jit3A_328 : i32 to vector<256x4096xi32>
    %select_n3A_330 = arith.select %gt3A_327, %select_n3A, %broadcast_in_dim3A_329 : vector<256x4096xi1>, vector<256x4096xi32>
    %reduce_min3A_331 = arith.constant dense<2147483647> : vector<256xi32>
    %reduce_min3A_332 = vector.multi_reduction <minsi>, %select_n3A_330, %reduce_min3A_331 [1] : vector<256x4096xi32> to vector<256xi32>
    %broadcast_in_dim3A_333 = vector.shape_cast %reduce_min3A_332 : vector<256xi32> to vector<256x1xi32>
    %and3A_334 = arith.constant 4095 : i32
    %and3A_335 = vector.broadcast %and3A_334 : i32 to vector<256x1xi32>
    %and3A_336 = arith.andi %broadcast_in_dim3A_333, %and3A_335 : vector<256x1xi32>
    %gt3A_337 = vector.broadcast %broadcast_in_dim3A_333 : vector<256x1xi32> to vector<256x4096xi32>
    %gt3A_338 = arith.cmpi sgt, %select_n3A, %gt3A_337 : vector<256x4096xi32>
    %jit3A_339 = arith.constant 2147483647 : i32
    %broadcast_in_dim3A_340 = vector.broadcast %jit3A_339 : i32 to vector<256x4096xi32>
    %select_n3A_341 = arith.select %gt3A_338, %select_n3A, %broadcast_in_dim3A_340 : vector<256x4096xi1>, vector<256x4096xi32>
    %reduce_min3A_342 = arith.constant dense<2147483647> : vector<256xi32>
    %reduce_min3A_343 = vector.multi_reduction <minsi>, %select_n3A_341, %reduce_min3A_342 [1] : vector<256x4096xi32> to vector<256xi32>
    %broadcast_in_dim3A_344 = vector.shape_cast %reduce_min3A_343 : vector<256xi32> to vector<256x1xi32>
    %and3A_345 = arith.constant 4095 : i32
    %and3A_346 = vector.broadcast %and3A_345 : i32 to vector<256x1xi32>
    %and3A_347 = arith.andi %broadcast_in_dim3A_344, %and3A_346 : vector<256x1xi32>
    %gt3A_348 = vector.broadcast %broadcast_in_dim3A_344 : vector<256x1xi32> to vector<256x4096xi32>
    %gt3A_349 = arith.cmpi sgt, %select_n3A, %gt3A_348 : vector<256x4096xi32>
    %jit3A_350 = arith.constant 2147483647 : i32
    %broadcast_in_dim3A_351 = vector.broadcast %jit3A_350 : i32 to vector<256x4096xi32>
    %select_n3A_352 = arith.select %gt3A_349, %select_n3A, %broadcast_in_dim3A_351 : vector<256x4096xi1>, vector<256x4096xi32>
    %reduce_min3A_353 = arith.constant dense<2147483647> : vector<256xi32>
    %reduce_min3A_354 = vector.multi_reduction <minsi>, %select_n3A_352, %reduce_min3A_353 [1] : vector<256x4096xi32> to vector<256xi32>
    %broadcast_in_dim3A_355 = vector.shape_cast %reduce_min3A_354 : vector<256xi32> to vector<256x1xi32>
    %and3A_356 = arith.constant 4095 : i32
    %and3A_357 = vector.broadcast %and3A_356 : i32 to vector<256x1xi32>
    %and3A_358 = arith.andi %broadcast_in_dim3A_355, %and3A_357 : vector<256x1xi32>
    %gt3A_359 = vector.broadcast %broadcast_in_dim3A_355 : vector<256x1xi32> to vector<256x4096xi32>
    %gt3A_360 = arith.cmpi sgt, %select_n3A, %gt3A_359 : vector<256x4096xi32>
    %jit3A_361 = arith.constant 2147483647 : i32
    %broadcast_in_dim3A_362 = vector.broadcast %jit3A_361 : i32 to vector<256x4096xi32>
    %select_n3A_363 = arith.select %gt3A_360, %select_n3A, %broadcast_in_dim3A_362 : vector<256x4096xi1>, vector<256x4096xi32>
    %reduce_min3A_364 = arith.constant dense<2147483647> : vector<256xi32>
    %reduce_min3A_365 = vector.multi_reduction <minsi>, %select_n3A_363, %reduce_min3A_364 [1] : vector<256x4096xi32> to vector<256xi32>
    %broadcast_in_dim3A_366 = vector.shape_cast %reduce_min3A_365 : vector<256xi32> to vector<256x1xi32>
    %and3A_367 = arith.constant 4095 : i32
    %and3A_368 = vector.broadcast %and3A_367 : i32 to vector<256x1xi32>
    %and3A_369 = arith.andi %broadcast_in_dim3A_366, %and3A_368 : vector<256x1xi32>
    %broadcast_in_dim3A_370 = arith.constant -1 : i32
    %broadcast_in_dim3A_371 = vector.broadcast %broadcast_in_dim3A_370 : i32 to vector<256x96xi32>
    %concatenate3A = tpu.concatenate %and3A_29, %and3A_39, %and3A_50, %and3A_61, %and3A_72, %and3A_83, %and3A_94, %and3A_105, %and3A_116, %and3A_127, %and3A_138, %and3A_149, %and3A_160, %and3A_171, %and3A_182, %and3A_193, %and3A_204, %and3A_215, %and3A_226, %and3A_237, %and3A_248, %and3A_259, %and3A_270, %and3A_281, %and3A_292, %and3A_303, %and3A_314, %and3A_325, %and3A_336, %and3A_347, %and3A_358, %and3A_369, %broadcast_in_dim3A_371 in 1 : vector<256x1xi32>, vector<256x1xi32>, vector<256x1xi32>, vector<256x1xi32>, vector<256x1xi32>, vector<256x1xi32>, vector<256x1xi32>, vector<256x1xi32>, vector<256x1xi32>, vector<256x1xi32>, vector<256x1xi32>, vector<256x1xi32>, vector<256x1xi32>, vector<256x1xi32>, vector<256x1xi32>, vector<256x1xi32>, vector<256x1xi32>, vector<256x1xi32>, vector<256x1xi32>, vector<256x1xi32>, vector<256x1xi32>, vector<256x1xi32>, vector<256x1xi32>, vector<256x1xi32>, vector<256x1xi32>, vector<256x1xi32>, vector<256x1xi32>, vector<256x1xi32>, vector<256x1xi32>, vector<256x1xi32>, vector<256x1xi32>, vector<256x1xi32>, vector<256x96xi32> -> vector<256x128xi32>
    %swap3A = arith.constant 0 : index
    %swap3A_372 = arith.constant 0 : index
    %swap3A_373 = vector.load %arg3[%swap3A, %swap3A_372] : memref<256x128xi32, #tpu.memory_space<vmem>>, vector<256x128xi32>
    tpu.vector_store %arg3[%swap3A, %swap3A_372], %concatenate3A {strides = array<i32>} : memref<256x128xi32, #tpu.memory_space<vmem>>, vector<256x128xi32>,
    return
  }
  func.func @transform_0(%arg0: i32) -> (i32, i32) {
    %c0_i32 = arith.constant 0 : i32
    %c0_i32_0 = arith.constant 0 : i32
    return %arg0, %c0_i32 : i32, i32
  }
  func.func @transform_1(%arg0: i32) -> (i32, i32) {
    %c0_i32 = arith.constant 0 : i32
    %c0_i32_0 = arith.constant 0 : i32
    %c0_i32_1 = arith.constant 0 : i32
    return %c0_i32, %c0_i32_0 : i32, i32
  }
  func.func @transform_2(%arg0: i32) -> (i32, i32) {
    %c0_i32 = arith.constant 0 : i32
    %c0_i32_0 = arith.constant 0 : i32
    return %arg0, %c0_i32 : i32, i32
  }
}

module attributes {stable_mosaic.version = 14 : i64} {
  func.func @_loss_body(%arg0: i32, %arg1: memref<256x128xi32, #tpu.memory_space<vmem>>, %arg2: memref<256x32x128xi32, #tpu.memory_space<vmem>>, %arg3: memref<256x32xf32, #tpu.memory_space<vmem>>, %arg4: memref<1x1xf32, #tpu.memory_space<smem>>) attributes {dimension_semantics = [#tpu.dimension_semantics<arbitrary>], iteration_bounds = array<i64: 4>, scalar_prefetch = 0 : i64, scratch_operands = 0 : i64, tpu.core_type = #tpu.core_type<tc>, window_params = [{transform_indices = @transform_0, window_bounds = array<i64: 256, 128>}, {transform_indices = @transform_1, window_bounds = array<i64: 256, 32, 128>}, {transform_indices = @transform_2, window_bounds = array<i64: 256, 32>}, {transform_indices = @transform_3, window_bounds = array<i64: 1, 1>}]} {
    %get3A = arith.constant 0 : index
    %get3A_0 = arith.constant 0 : index
    %get3A_1 = vector.load %arg1[%get3A, %get3A_0] : memref<256x128xi32, #tpu.memory_space<vmem>>, vector<256x128xi32>
    %get3A_2 = arith.constant 0 : index
    %get3A_3 = arith.constant 0 : index
    %get3A_4 = arith.constant 0 : index
    %get3A_5 = vector.load %arg2[%get3A_2, %get3A_3, %get3A_4] : memref<256x32x128xi32, #tpu.memory_space<vmem>>, vector<256x32x128xi32>
    %broadcast_in_dim3A = arith.constant 0.000000e+00 : f32
    %broadcast_in_dim3A_6 = vector.broadcast %broadcast_in_dim3A : f32 to vector<256x32xf32>
    %slice3A = vector.extract_strided_slice %get3A_1 {offsets = [0, 0], sizes = [256, 1], strides = [1, 1]} : vector<256x128xi32> to vector<256x1xi32>
    %squeeze3A = vector.shape_cast %slice3A : vector<256x1xi32> to vector<256xi32>
    %reshape3A = vector.shape_cast %squeeze3A : vector<256xi32> to vector<256x1x1xi32>
    %eq3A = vector.broadcast %reshape3A : vector<256x1x1xi32> to vector<256x32x128xi32>
    %eq3A_7 = arith.cmpi eq, %get3A_5, %eq3A : vector<256x32x128xi32>
    %convert_element_type3A = arith.extui %eq3A_7 : vector<256x32x128xi1> to vector<256x32x128xi32>
    %convert_element_type3A_8 = arith.sitofp %convert_element_type3A : vector<256x32x128xi32> to vector<256x32x128xf32>
    %reduce_sum3A = arith.constant dense<0.000000e+00> : vector<256x32xf32>
    %reduce_sum3A_9 = vector.multi_reduction <add>, %convert_element_type3A_8, %reduce_sum3A [2] : vector<256x32x128xf32> to vector<256x32xf32>
    %add3A = arith.addf %broadcast_in_dim3A_6, %reduce_sum3A_9 : vector<256x32xf32>
    %slice3A_10 = vector.extract_strided_slice %get3A_1 {offsets = [0, 1], sizes = [256, 1], strides = [1, 1]} : vector<256x128xi32> to vector<256x1xi32>
    %squeeze3A_11 = vector.shape_cast %slice3A_10 : vector<256x1xi32> to vector<256xi32>
    %reshape3A_12 = vector.shape_cast %squeeze3A_11 : vector<256xi32> to vector<256x1x1xi32>
    %eq3A_13 = vector.broadcast %reshape3A_12 : vector<256x1x1xi32> to vector<256x32x128xi32>
    %eq3A_14 = arith.cmpi eq, %get3A_5, %eq3A_13 : vector<256x32x128xi32>
    %convert_element_type3A_15 = arith.extui %eq3A_14 : vector<256x32x128xi1> to vector<256x32x128xi32>
    %convert_element_type3A_16 = arith.sitofp %convert_element_type3A_15 : vector<256x32x128xi32> to vector<256x32x128xf32>
    %reduce_sum3A_17 = arith.constant dense<0.000000e+00> : vector<256x32xf32>
    %reduce_sum3A_18 = vector.multi_reduction <add>, %convert_element_type3A_16, %reduce_sum3A_17 [2] : vector<256x32x128xf32> to vector<256x32xf32>
    %add3A_19 = arith.addf %add3A, %reduce_sum3A_18 : vector<256x32xf32>
    %slice3A_20 = vector.extract_strided_slice %get3A_1 {offsets = [0, 2], sizes = [256, 1], strides = [1, 1]} : vector<256x128xi32> to vector<256x1xi32>
    %squeeze3A_21 = vector.shape_cast %slice3A_20 : vector<256x1xi32> to vector<256xi32>
    %reshape3A_22 = vector.shape_cast %squeeze3A_21 : vector<256xi32> to vector<256x1x1xi32>
    %eq3A_23 = vector.broadcast %reshape3A_22 : vector<256x1x1xi32> to vector<256x32x128xi32>
    %eq3A_24 = arith.cmpi eq, %get3A_5, %eq3A_23 : vector<256x32x128xi32>
    %convert_element_type3A_25 = arith.extui %eq3A_24 : vector<256x32x128xi1> to vector<256x32x128xi32>
    %convert_element_type3A_26 = arith.sitofp %convert_element_type3A_25 : vector<256x32x128xi32> to vector<256x32x128xf32>
    %reduce_sum3A_27 = arith.constant dense<0.000000e+00> : vector<256x32xf32>
    %reduce_sum3A_28 = vector.multi_reduction <add>, %convert_element_type3A_26, %reduce_sum3A_27 [2] : vector<256x32x128xf32> to vector<256x32xf32>
    %add3A_29 = arith.addf %add3A_19, %reduce_sum3A_28 : vector<256x32xf32>
    %slice3A_30 = vector.extract_strided_slice %get3A_1 {offsets = [0, 3], sizes = [256, 1], strides = [1, 1]} : vector<256x128xi32> to vector<256x1xi32>
    %squeeze3A_31 = vector.shape_cast %slice3A_30 : vector<256x1xi32> to vector<256xi32>
    %reshape3A_32 = vector.shape_cast %squeeze3A_31 : vector<256xi32> to vector<256x1x1xi32>
    %eq3A_33 = vector.broadcast %reshape3A_32 : vector<256x1x1xi32> to vector<256x32x128xi32>
    %eq3A_34 = arith.cmpi eq, %get3A_5, %eq3A_33 : vector<256x32x128xi32>
    %convert_element_type3A_35 = arith.extui %eq3A_34 : vector<256x32x128xi1> to vector<256x32x128xi32>
    %convert_element_type3A_36 = arith.sitofp %convert_element_type3A_35 : vector<256x32x128xi32> to vector<256x32x128xf32>
    %reduce_sum3A_37 = arith.constant dense<0.000000e+00> : vector<256x32xf32>
    %reduce_sum3A_38 = vector.multi_reduction <add>, %convert_element_type3A_36, %reduce_sum3A_37 [2] : vector<256x32x128xf32> to vector<256x32xf32>
    %add3A_39 = arith.addf %add3A_29, %reduce_sum3A_38 : vector<256x32xf32>
    %slice3A_40 = vector.extract_strided_slice %get3A_1 {offsets = [0, 4], sizes = [256, 1], strides = [1, 1]} : vector<256x128xi32> to vector<256x1xi32>
    %squeeze3A_41 = vector.shape_cast %slice3A_40 : vector<256x1xi32> to vector<256xi32>
    %reshape3A_42 = vector.shape_cast %squeeze3A_41 : vector<256xi32> to vector<256x1x1xi32>
    %eq3A_43 = vector.broadcast %reshape3A_42 : vector<256x1x1xi32> to vector<256x32x128xi32>
    %eq3A_44 = arith.cmpi eq, %get3A_5, %eq3A_43 : vector<256x32x128xi32>
    %convert_element_type3A_45 = arith.extui %eq3A_44 : vector<256x32x128xi1> to vector<256x32x128xi32>
    %convert_element_type3A_46 = arith.sitofp %convert_element_type3A_45 : vector<256x32x128xi32> to vector<256x32x128xf32>
    %reduce_sum3A_47 = arith.constant dense<0.000000e+00> : vector<256x32xf32>
    %reduce_sum3A_48 = vector.multi_reduction <add>, %convert_element_type3A_46, %reduce_sum3A_47 [2] : vector<256x32x128xf32> to vector<256x32xf32>
    %add3A_49 = arith.addf %add3A_39, %reduce_sum3A_48 : vector<256x32xf32>
    %slice3A_50 = vector.extract_strided_slice %get3A_1 {offsets = [0, 5], sizes = [256, 1], strides = [1, 1]} : vector<256x128xi32> to vector<256x1xi32>
    %squeeze3A_51 = vector.shape_cast %slice3A_50 : vector<256x1xi32> to vector<256xi32>
    %reshape3A_52 = vector.shape_cast %squeeze3A_51 : vector<256xi32> to vector<256x1x1xi32>
    %eq3A_53 = vector.broadcast %reshape3A_52 : vector<256x1x1xi32> to vector<256x32x128xi32>
    %eq3A_54 = arith.cmpi eq, %get3A_5, %eq3A_53 : vector<256x32x128xi32>
    %convert_element_type3A_55 = arith.extui %eq3A_54 : vector<256x32x128xi1> to vector<256x32x128xi32>
    %convert_element_type3A_56 = arith.sitofp %convert_element_type3A_55 : vector<256x32x128xi32> to vector<256x32x128xf32>
    %reduce_sum3A_57 = arith.constant dense<0.000000e+00> : vector<256x32xf32>
    %reduce_sum3A_58 = vector.multi_reduction <add>, %convert_element_type3A_56, %reduce_sum3A_57 [2] : vector<256x32x128xf32> to vector<256x32xf32>
    %add3A_59 = arith.addf %add3A_49, %reduce_sum3A_58 : vector<256x32xf32>
    %slice3A_60 = vector.extract_strided_slice %get3A_1 {offsets = [0, 6], sizes = [256, 1], strides = [1, 1]} : vector<256x128xi32> to vector<256x1xi32>
    %squeeze3A_61 = vector.shape_cast %slice3A_60 : vector<256x1xi32> to vector<256xi32>
    %reshape3A_62 = vector.shape_cast %squeeze3A_61 : vector<256xi32> to vector<256x1x1xi32>
    %eq3A_63 = vector.broadcast %reshape3A_62 : vector<256x1x1xi32> to vector<256x32x128xi32>
    %eq3A_64 = arith.cmpi eq, %get3A_5, %eq3A_63 : vector<256x32x128xi32>
    %convert_element_type3A_65 = arith.extui %eq3A_64 : vector<256x32x128xi1> to vector<256x32x128xi32>
    %convert_element_type3A_66 = arith.sitofp %convert_element_type3A_65 : vector<256x32x128xi32> to vector<256x32x128xf32>
    %reduce_sum3A_67 = arith.constant dense<0.000000e+00> : vector<256x32xf32>
    %reduce_sum3A_68 = vector.multi_reduction <add>, %convert_element_type3A_66, %reduce_sum3A_67 [2] : vector<256x32x128xf32> to vector<256x32xf32>
    %add3A_69 = arith.addf %add3A_59, %reduce_sum3A_68 : vector<256x32xf32>
    %slice3A_70 = vector.extract_strided_slice %get3A_1 {offsets = [0, 7], sizes = [256, 1], strides = [1, 1]} : vector<256x128xi32> to vector<256x1xi32>
    %squeeze3A_71 = vector.shape_cast %slice3A_70 : vector<256x1xi32> to vector<256xi32>
    %reshape3A_72 = vector.shape_cast %squeeze3A_71 : vector<256xi32> to vector<256x1x1xi32>
    %eq3A_73 = vector.broadcast %reshape3A_72 : vector<256x1x1xi32> to vector<256x32x128xi32>
    %eq3A_74 = arith.cmpi eq, %get3A_5, %eq3A_73 : vector<256x32x128xi32>
    %convert_element_type3A_75 = arith.extui %eq3A_74 : vector<256x32x128xi1> to vector<256x32x128xi32>
    %convert_element_type3A_76 = arith.sitofp %convert_element_type3A_75 : vector<256x32x128xi32> to vector<256x32x128xf32>
    %reduce_sum3A_77 = arith.constant dense<0.000000e+00> : vector<256x32xf32>
    %reduce_sum3A_78 = vector.multi_reduction <add>, %convert_element_type3A_76, %reduce_sum3A_77 [2] : vector<256x32x128xf32> to vector<256x32xf32>
    %add3A_79 = arith.addf %add3A_69, %reduce_sum3A_78 : vector<256x32xf32>
    %slice3A_80 = vector.extract_strided_slice %get3A_1 {offsets = [0, 8], sizes = [256, 1], strides = [1, 1]} : vector<256x128xi32> to vector<256x1xi32>
    %squeeze3A_81 = vector.shape_cast %slice3A_80 : vector<256x1xi32> to vector<256xi32>
    %reshape3A_82 = vector.shape_cast %squeeze3A_81 : vector<256xi32> to vector<256x1x1xi32>
    %eq3A_83 = vector.broadcast %reshape3A_82 : vector<256x1x1xi32> to vector<256x32x128xi32>
    %eq3A_84 = arith.cmpi eq, %get3A_5, %eq3A_83 : vector<256x32x128xi32>
    %convert_element_type3A_85 = arith.extui %eq3A_84 : vector<256x32x128xi1> to vector<256x32x128xi32>
    %convert_element_type3A_86 = arith.sitofp %convert_element_type3A_85 : vector<256x32x128xi32> to vector<256x32x128xf32>
    %reduce_sum3A_87 = arith.constant dense<0.000000e+00> : vector<256x32xf32>
    %reduce_sum3A_88 = vector.multi_reduction <add>, %convert_element_type3A_86, %reduce_sum3A_87 [2] : vector<256x32x128xf32> to vector<256x32xf32>
    %add3A_89 = arith.addf %add3A_79, %reduce_sum3A_88 : vector<256x32xf32>
    %slice3A_90 = vector.extract_strided_slice %get3A_1 {offsets = [0, 9], sizes = [256, 1], strides = [1, 1]} : vector<256x128xi32> to vector<256x1xi32>
    %squeeze3A_91 = vector.shape_cast %slice3A_90 : vector<256x1xi32> to vector<256xi32>
    %reshape3A_92 = vector.shape_cast %squeeze3A_91 : vector<256xi32> to vector<256x1x1xi32>
    %eq3A_93 = vector.broadcast %reshape3A_92 : vector<256x1x1xi32> to vector<256x32x128xi32>
    %eq3A_94 = arith.cmpi eq, %get3A_5, %eq3A_93 : vector<256x32x128xi32>
    %convert_element_type3A_95 = arith.extui %eq3A_94 : vector<256x32x128xi1> to vector<256x32x128xi32>
    %convert_element_type3A_96 = arith.sitofp %convert_element_type3A_95 : vector<256x32x128xi32> to vector<256x32x128xf32>
    %reduce_sum3A_97 = arith.constant dense<0.000000e+00> : vector<256x32xf32>
    %reduce_sum3A_98 = vector.multi_reduction <add>, %convert_element_type3A_96, %reduce_sum3A_97 [2] : vector<256x32x128xf32> to vector<256x32xf32>
    %add3A_99 = arith.addf %add3A_89, %reduce_sum3A_98 : vector<256x32xf32>
    %slice3A_100 = vector.extract_strided_slice %get3A_1 {offsets = [0, 10], sizes = [256, 1], strides = [1, 1]} : vector<256x128xi32> to vector<256x1xi32>
    %squeeze3A_101 = vector.shape_cast %slice3A_100 : vector<256x1xi32> to vector<256xi32>
    %reshape3A_102 = vector.shape_cast %squeeze3A_101 : vector<256xi32> to vector<256x1x1xi32>
    %eq3A_103 = vector.broadcast %reshape3A_102 : vector<256x1x1xi32> to vector<256x32x128xi32>
    %eq3A_104 = arith.cmpi eq, %get3A_5, %eq3A_103 : vector<256x32x128xi32>
    %convert_element_type3A_105 = arith.extui %eq3A_104 : vector<256x32x128xi1> to vector<256x32x128xi32>
    %convert_element_type3A_106 = arith.sitofp %convert_element_type3A_105 : vector<256x32x128xi32> to vector<256x32x128xf32>
    %reduce_sum3A_107 = arith.constant dense<0.000000e+00> : vector<256x32xf32>
    %reduce_sum3A_108 = vector.multi_reduction <add>, %convert_element_type3A_106, %reduce_sum3A_107 [2] : vector<256x32x128xf32> to vector<256x32xf32>
    %add3A_109 = arith.addf %add3A_99, %reduce_sum3A_108 : vector<256x32xf32>
    %slice3A_110 = vector.extract_strided_slice %get3A_1 {offsets = [0, 11], sizes = [256, 1], strides = [1, 1]} : vector<256x128xi32> to vector<256x1xi32>
    %squeeze3A_111 = vector.shape_cast %slice3A_110 : vector<256x1xi32> to vector<256xi32>
    %reshape3A_112 = vector.shape_cast %squeeze3A_111 : vector<256xi32> to vector<256x1x1xi32>
    %eq3A_113 = vector.broadcast %reshape3A_112 : vector<256x1x1xi32> to vector<256x32x128xi32>
    %eq3A_114 = arith.cmpi eq, %get3A_5, %eq3A_113 : vector<256x32x128xi32>
    %convert_element_type3A_115 = arith.extui %eq3A_114 : vector<256x32x128xi1> to vector<256x32x128xi32>
    %convert_element_type3A_116 = arith.sitofp %convert_element_type3A_115 : vector<256x32x128xi32> to vector<256x32x128xf32>
    %reduce_sum3A_117 = arith.constant dense<0.000000e+00> : vector<256x32xf32>
    %reduce_sum3A_118 = vector.multi_reduction <add>, %convert_element_type3A_116, %reduce_sum3A_117 [2] : vector<256x32x128xf32> to vector<256x32xf32>
    %add3A_119 = arith.addf %add3A_109, %reduce_sum3A_118 : vector<256x32xf32>
    %slice3A_120 = vector.extract_strided_slice %get3A_1 {offsets = [0, 12], sizes = [256, 1], strides = [1, 1]} : vector<256x128xi32> to vector<256x1xi32>
    %squeeze3A_121 = vector.shape_cast %slice3A_120 : vector<256x1xi32> to vector<256xi32>
    %reshape3A_122 = vector.shape_cast %squeeze3A_121 : vector<256xi32> to vector<256x1x1xi32>
    %eq3A_123 = vector.broadcast %reshape3A_122 : vector<256x1x1xi32> to vector<256x32x128xi32>
    %eq3A_124 = arith.cmpi eq, %get3A_5, %eq3A_123 : vector<256x32x128xi32>
    %convert_element_type3A_125 = arith.extui %eq3A_124 : vector<256x32x128xi1> to vector<256x32x128xi32>
    %convert_element_type3A_126 = arith.sitofp %convert_element_type3A_125 : vector<256x32x128xi32> to vector<256x32x128xf32>
    %reduce_sum3A_127 = arith.constant dense<0.000000e+00> : vector<256x32xf32>
    %reduce_sum3A_128 = vector.multi_reduction <add>, %convert_element_type3A_126, %reduce_sum3A_127 [2] : vector<256x32x128xf32> to vector<256x32xf32>
    %add3A_129 = arith.addf %add3A_119, %reduce_sum3A_128 : vector<256x32xf32>
    %slice3A_130 = vector.extract_strided_slice %get3A_1 {offsets = [0, 13], sizes = [256, 1], strides = [1, 1]} : vector<256x128xi32> to vector<256x1xi32>
    %squeeze3A_131 = vector.shape_cast %slice3A_130 : vector<256x1xi32> to vector<256xi32>
    %reshape3A_132 = vector.shape_cast %squeeze3A_131 : vector<256xi32> to vector<256x1x1xi32>
    %eq3A_133 = vector.broadcast %reshape3A_132 : vector<256x1x1xi32> to vector<256x32x128xi32>
    %eq3A_134 = arith.cmpi eq, %get3A_5, %eq3A_133 : vector<256x32x128xi32>
    %convert_element_type3A_135 = arith.extui %eq3A_134 : vector<256x32x128xi1> to vector<256x32x128xi32>
    %convert_element_type3A_136 = arith.sitofp %convert_element_type3A_135 : vector<256x32x128xi32> to vector<256x32x128xf32>
    %reduce_sum3A_137 = arith.constant dense<0.000000e+00> : vector<256x32xf32>
    %reduce_sum3A_138 = vector.multi_reduction <add>, %convert_element_type3A_136, %reduce_sum3A_137 [2] : vector<256x32x128xf32> to vector<256x32xf32>
    %add3A_139 = arith.addf %add3A_129, %reduce_sum3A_138 : vector<256x32xf32>
    %slice3A_140 = vector.extract_strided_slice %get3A_1 {offsets = [0, 14], sizes = [256, 1], strides = [1, 1]} : vector<256x128xi32> to vector<256x1xi32>
    %squeeze3A_141 = vector.shape_cast %slice3A_140 : vector<256x1xi32> to vector<256xi32>
    %reshape3A_142 = vector.shape_cast %squeeze3A_141 : vector<256xi32> to vector<256x1x1xi32>
    %eq3A_143 = vector.broadcast %reshape3A_142 : vector<256x1x1xi32> to vector<256x32x128xi32>
    %eq3A_144 = arith.cmpi eq, %get3A_5, %eq3A_143 : vector<256x32x128xi32>
    %convert_element_type3A_145 = arith.extui %eq3A_144 : vector<256x32x128xi1> to vector<256x32x128xi32>
    %convert_element_type3A_146 = arith.sitofp %convert_element_type3A_145 : vector<256x32x128xi32> to vector<256x32x128xf32>
    %reduce_sum3A_147 = arith.constant dense<0.000000e+00> : vector<256x32xf32>
    %reduce_sum3A_148 = vector.multi_reduction <add>, %convert_element_type3A_146, %reduce_sum3A_147 [2] : vector<256x32x128xf32> to vector<256x32xf32>
    %add3A_149 = arith.addf %add3A_139, %reduce_sum3A_148 : vector<256x32xf32>
    %slice3A_150 = vector.extract_strided_slice %get3A_1 {offsets = [0, 15], sizes = [256, 1], strides = [1, 1]} : vector<256x128xi32> to vector<256x1xi32>
    %squeeze3A_151 = vector.shape_cast %slice3A_150 : vector<256x1xi32> to vector<256xi32>
    %reshape3A_152 = vector.shape_cast %squeeze3A_151 : vector<256xi32> to vector<256x1x1xi32>
    %eq3A_153 = vector.broadcast %reshape3A_152 : vector<256x1x1xi32> to vector<256x32x128xi32>
    %eq3A_154 = arith.cmpi eq, %get3A_5, %eq3A_153 : vector<256x32x128xi32>
    %convert_element_type3A_155 = arith.extui %eq3A_154 : vector<256x32x128xi1> to vector<256x32x128xi32>
    %convert_element_type3A_156 = arith.sitofp %convert_element_type3A_155 : vector<256x32x128xi32> to vector<256x32x128xf32>
    %reduce_sum3A_157 = arith.constant dense<0.000000e+00> : vector<256x32xf32>
    %reduce_sum3A_158 = vector.multi_reduction <add>, %convert_element_type3A_156, %reduce_sum3A_157 [2] : vector<256x32x128xf32> to vector<256x32xf32>
    %add3A_159 = arith.addf %add3A_149, %reduce_sum3A_158 : vector<256x32xf32>
    %slice3A_160 = vector.extract_strided_slice %get3A_1 {offsets = [0, 16], sizes = [256, 1], strides = [1, 1]} : vector<256x128xi32> to vector<256x1xi32>
    %squeeze3A_161 = vector.shape_cast %slice3A_160 : vector<256x1xi32> to vector<256xi32>
    %reshape3A_162 = vector.shape_cast %squeeze3A_161 : vector<256xi32> to vector<256x1x1xi32>
    %eq3A_163 = vector.broadcast %reshape3A_162 : vector<256x1x1xi32> to vector<256x32x128xi32>
    %eq3A_164 = arith.cmpi eq, %get3A_5, %eq3A_163 : vector<256x32x128xi32>
    %convert_element_type3A_165 = arith.extui %eq3A_164 : vector<256x32x128xi1> to vector<256x32x128xi32>
    %convert_element_type3A_166 = arith.sitofp %convert_element_type3A_165 : vector<256x32x128xi32> to vector<256x32x128xf32>
    %reduce_sum3A_167 = arith.constant dense<0.000000e+00> : vector<256x32xf32>
    %reduce_sum3A_168 = vector.multi_reduction <add>, %convert_element_type3A_166, %reduce_sum3A_167 [2] : vector<256x32x128xf32> to vector<256x32xf32>
    %add3A_169 = arith.addf %add3A_159, %reduce_sum3A_168 : vector<256x32xf32>
    %slice3A_170 = vector.extract_strided_slice %get3A_1 {offsets = [0, 17], sizes = [256, 1], strides = [1, 1]} : vector<256x128xi32> to vector<256x1xi32>
    %squeeze3A_171 = vector.shape_cast %slice3A_170 : vector<256x1xi32> to vector<256xi32>
    %reshape3A_172 = vector.shape_cast %squeeze3A_171 : vector<256xi32> to vector<256x1x1xi32>
    %eq3A_173 = vector.broadcast %reshape3A_172 : vector<256x1x1xi32> to vector<256x32x128xi32>
    %eq3A_174 = arith.cmpi eq, %get3A_5, %eq3A_173 : vector<256x32x128xi32>
    %convert_element_type3A_175 = arith.extui %eq3A_174 : vector<256x32x128xi1> to vector<256x32x128xi32>
    %convert_element_type3A_176 = arith.sitofp %convert_element_type3A_175 : vector<256x32x128xi32> to vector<256x32x128xf32>
    %reduce_sum3A_177 = arith.constant dense<0.000000e+00> : vector<256x32xf32>
    %reduce_sum3A_178 = vector.multi_reduction <add>, %convert_element_type3A_176, %reduce_sum3A_177 [2] : vector<256x32x128xf32> to vector<256x32xf32>
    %add3A_179 = arith.addf %add3A_169, %reduce_sum3A_178 : vector<256x32xf32>
    %slice3A_180 = vector.extract_strided_slice %get3A_1 {offsets = [0, 18], sizes = [256, 1], strides = [1, 1]} : vector<256x128xi32> to vector<256x1xi32>
    %squeeze3A_181 = vector.shape_cast %slice3A_180 : vector<256x1xi32> to vector<256xi32>
    %reshape3A_182 = vector.shape_cast %squeeze3A_181 : vector<256xi32> to vector<256x1x1xi32>
    %eq3A_183 = vector.broadcast %reshape3A_182 : vector<256x1x1xi32> to vector<256x32x128xi32>
    %eq3A_184 = arith.cmpi eq, %get3A_5, %eq3A_183 : vector<256x32x128xi32>
    %convert_element_type3A_185 = arith.extui %eq3A_184 : vector<256x32x128xi1> to vector<256x32x128xi32>
    %convert_element_type3A_186 = arith.sitofp %convert_element_type3A_185 : vector<256x32x128xi32> to vector<256x32x128xf32>
    %reduce_sum3A_187 = arith.constant dense<0.000000e+00> : vector<256x32xf32>
    %reduce_sum3A_188 = vector.multi_reduction <add>, %convert_element_type3A_186, %reduce_sum3A_187 [2] : vector<256x32x128xf32> to vector<256x32xf32>
    %add3A_189 = arith.addf %add3A_179, %reduce_sum3A_188 : vector<256x32xf32>
    %slice3A_190 = vector.extract_strided_slice %get3A_1 {offsets = [0, 19], sizes = [256, 1], strides = [1, 1]} : vector<256x128xi32> to vector<256x1xi32>
    %squeeze3A_191 = vector.shape_cast %slice3A_190 : vector<256x1xi32> to vector<256xi32>
    %reshape3A_192 = vector.shape_cast %squeeze3A_191 : vector<256xi32> to vector<256x1x1xi32>
    %eq3A_193 = vector.broadcast %reshape3A_192 : vector<256x1x1xi32> to vector<256x32x128xi32>
    %eq3A_194 = arith.cmpi eq, %get3A_5, %eq3A_193 : vector<256x32x128xi32>
    %convert_element_type3A_195 = arith.extui %eq3A_194 : vector<256x32x128xi1> to vector<256x32x128xi32>
    %convert_element_type3A_196 = arith.sitofp %convert_element_type3A_195 : vector<256x32x128xi32> to vector<256x32x128xf32>
    %reduce_sum3A_197 = arith.constant dense<0.000000e+00> : vector<256x32xf32>
    %reduce_sum3A_198 = vector.multi_reduction <add>, %convert_element_type3A_196, %reduce_sum3A_197 [2] : vector<256x32x128xf32> to vector<256x32xf32>
    %add3A_199 = arith.addf %add3A_189, %reduce_sum3A_198 : vector<256x32xf32>
    %slice3A_200 = vector.extract_strided_slice %get3A_1 {offsets = [0, 20], sizes = [256, 1], strides = [1, 1]} : vector<256x128xi32> to vector<256x1xi32>
    %squeeze3A_201 = vector.shape_cast %slice3A_200 : vector<256x1xi32> to vector<256xi32>
    %reshape3A_202 = vector.shape_cast %squeeze3A_201 : vector<256xi32> to vector<256x1x1xi32>
    %eq3A_203 = vector.broadcast %reshape3A_202 : vector<256x1x1xi32> to vector<256x32x128xi32>
    %eq3A_204 = arith.cmpi eq, %get3A_5, %eq3A_203 : vector<256x32x128xi32>
    %convert_element_type3A_205 = arith.extui %eq3A_204 : vector<256x32x128xi1> to vector<256x32x128xi32>
    %convert_element_type3A_206 = arith.sitofp %convert_element_type3A_205 : vector<256x32x128xi32> to vector<256x32x128xf32>
    %reduce_sum3A_207 = arith.constant dense<0.000000e+00> : vector<256x32xf32>
    %reduce_sum3A_208 = vector.multi_reduction <add>, %convert_element_type3A_206, %reduce_sum3A_207 [2] : vector<256x32x128xf32> to vector<256x32xf32>
    %add3A_209 = arith.addf %add3A_199, %reduce_sum3A_208 : vector<256x32xf32>
    %slice3A_210 = vector.extract_strided_slice %get3A_1 {offsets = [0, 21], sizes = [256, 1], strides = [1, 1]} : vector<256x128xi32> to vector<256x1xi32>
    %squeeze3A_211 = vector.shape_cast %slice3A_210 : vector<256x1xi32> to vector<256xi32>
    %reshape3A_212 = vector.shape_cast %squeeze3A_211 : vector<256xi32> to vector<256x1x1xi32>
    %eq3A_213 = vector.broadcast %reshape3A_212 : vector<256x1x1xi32> to vector<256x32x128xi32>
    %eq3A_214 = arith.cmpi eq, %get3A_5, %eq3A_213 : vector<256x32x128xi32>
    %convert_element_type3A_215 = arith.extui %eq3A_214 : vector<256x32x128xi1> to vector<256x32x128xi32>
    %convert_element_type3A_216 = arith.sitofp %convert_element_type3A_215 : vector<256x32x128xi32> to vector<256x32x128xf32>
    %reduce_sum3A_217 = arith.constant dense<0.000000e+00> : vector<256x32xf32>
    %reduce_sum3A_218 = vector.multi_reduction <add>, %convert_element_type3A_216, %reduce_sum3A_217 [2] : vector<256x32x128xf32> to vector<256x32xf32>
    %add3A_219 = arith.addf %add3A_209, %reduce_sum3A_218 : vector<256x32xf32>
    %slice3A_220 = vector.extract_strided_slice %get3A_1 {offsets = [0, 22], sizes = [256, 1], strides = [1, 1]} : vector<256x128xi32> to vector<256x1xi32>
    %squeeze3A_221 = vector.shape_cast %slice3A_220 : vector<256x1xi32> to vector<256xi32>
    %reshape3A_222 = vector.shape_cast %squeeze3A_221 : vector<256xi32> to vector<256x1x1xi32>
    %eq3A_223 = vector.broadcast %reshape3A_222 : vector<256x1x1xi32> to vector<256x32x128xi32>
    %eq3A_224 = arith.cmpi eq, %get3A_5, %eq3A_223 : vector<256x32x128xi32>
    %convert_element_type3A_225 = arith.extui %eq3A_224 : vector<256x32x128xi1> to vector<256x32x128xi32>
    %convert_element_type3A_226 = arith.sitofp %convert_element_type3A_225 : vector<256x32x128xi32> to vector<256x32x128xf32>
    %reduce_sum3A_227 = arith.constant dense<0.000000e+00> : vector<256x32xf32>
    %reduce_sum3A_228 = vector.multi_reduction <add>, %convert_element_type3A_226, %reduce_sum3A_227 [2] : vector<256x32x128xf32> to vector<256x32xf32>
    %add3A_229 = arith.addf %add3A_219, %reduce_sum3A_228 : vector<256x32xf32>
    %slice3A_230 = vector.extract_strided_slice %get3A_1 {offsets = [0, 23], sizes = [256, 1], strides = [1, 1]} : vector<256x128xi32> to vector<256x1xi32>
    %squeeze3A_231 = vector.shape_cast %slice3A_230 : vector<256x1xi32> to vector<256xi32>
    %reshape3A_232 = vector.shape_cast %squeeze3A_231 : vector<256xi32> to vector<256x1x1xi32>
    %eq3A_233 = vector.broadcast %reshape3A_232 : vector<256x1x1xi32> to vector<256x32x128xi32>
    %eq3A_234 = arith.cmpi eq, %get3A_5, %eq3A_233 : vector<256x32x128xi32>
    %convert_element_type3A_235 = arith.extui %eq3A_234 : vector<256x32x128xi1> to vector<256x32x128xi32>
    %convert_element_type3A_236 = arith.sitofp %convert_element_type3A_235 : vector<256x32x128xi32> to vector<256x32x128xf32>
    %reduce_sum3A_237 = arith.constant dense<0.000000e+00> : vector<256x32xf32>
    %reduce_sum3A_238 = vector.multi_reduction <add>, %convert_element_type3A_236, %reduce_sum3A_237 [2] : vector<256x32x128xf32> to vector<256x32xf32>
    %add3A_239 = arith.addf %add3A_229, %reduce_sum3A_238 : vector<256x32xf32>
    %slice3A_240 = vector.extract_strided_slice %get3A_1 {offsets = [0, 24], sizes = [256, 1], strides = [1, 1]} : vector<256x128xi32> to vector<256x1xi32>
    %squeeze3A_241 = vector.shape_cast %slice3A_240 : vector<256x1xi32> to vector<256xi32>
    %reshape3A_242 = vector.shape_cast %squeeze3A_241 : vector<256xi32> to vector<256x1x1xi32>
    %eq3A_243 = vector.broadcast %reshape3A_242 : vector<256x1x1xi32> to vector<256x32x128xi32>
    %eq3A_244 = arith.cmpi eq, %get3A_5, %eq3A_243 : vector<256x32x128xi32>
    %convert_element_type3A_245 = arith.extui %eq3A_244 : vector<256x32x128xi1> to vector<256x32x128xi32>
    %convert_element_type3A_246 = arith.sitofp %convert_element_type3A_245 : vector<256x32x128xi32> to vector<256x32x128xf32>
    %reduce_sum3A_247 = arith.constant dense<0.000000e+00> : vector<256x32xf32>
    %reduce_sum3A_248 = vector.multi_reduction <add>, %convert_element_type3A_246, %reduce_sum3A_247 [2] : vector<256x32x128xf32> to vector<256x32xf32>
    %add3A_249 = arith.addf %add3A_239, %reduce_sum3A_248 : vector<256x32xf32>
    %slice3A_250 = vector.extract_strided_slice %get3A_1 {offsets = [0, 25], sizes = [256, 1], strides = [1, 1]} : vector<256x128xi32> to vector<256x1xi32>
    %squeeze3A_251 = vector.shape_cast %slice3A_250 : vector<256x1xi32> to vector<256xi32>
    %reshape3A_252 = vector.shape_cast %squeeze3A_251 : vector<256xi32> to vector<256x1x1xi32>
    %eq3A_253 = vector.broadcast %reshape3A_252 : vector<256x1x1xi32> to vector<256x32x128xi32>
    %eq3A_254 = arith.cmpi eq, %get3A_5, %eq3A_253 : vector<256x32x128xi32>
    %convert_element_type3A_255 = arith.extui %eq3A_254 : vector<256x32x128xi1> to vector<256x32x128xi32>
    %convert_element_type3A_256 = arith.sitofp %convert_element_type3A_255 : vector<256x32x128xi32> to vector<256x32x128xf32>
    %reduce_sum3A_257 = arith.constant dense<0.000000e+00> : vector<256x32xf32>
    %reduce_sum3A_258 = vector.multi_reduction <add>, %convert_element_type3A_256, %reduce_sum3A_257 [2] : vector<256x32x128xf32> to vector<256x32xf32>
    %add3A_259 = arith.addf %add3A_249, %reduce_sum3A_258 : vector<256x32xf32>
    %slice3A_260 = vector.extract_strided_slice %get3A_1 {offsets = [0, 26], sizes = [256, 1], strides = [1, 1]} : vector<256x128xi32> to vector<256x1xi32>
    %squeeze3A_261 = vector.shape_cast %slice3A_260 : vector<256x1xi32> to vector<256xi32>
    %reshape3A_262 = vector.shape_cast %squeeze3A_261 : vector<256xi32> to vector<256x1x1xi32>
    %eq3A_263 = vector.broadcast %reshape3A_262 : vector<256x1x1xi32> to vector<256x32x128xi32>
    %eq3A_264 = arith.cmpi eq, %get3A_5, %eq3A_263 : vector<256x32x128xi32>
    %convert_element_type3A_265 = arith.extui %eq3A_264 : vector<256x32x128xi1> to vector<256x32x128xi32>
    %convert_element_type3A_266 = arith.sitofp %convert_element_type3A_265 : vector<256x32x128xi32> to vector<256x32x128xf32>
    %reduce_sum3A_267 = arith.constant dense<0.000000e+00> : vector<256x32xf32>
    %reduce_sum3A_268 = vector.multi_reduction <add>, %convert_element_type3A_266, %reduce_sum3A_267 [2] : vector<256x32x128xf32> to vector<256x32xf32>
    %add3A_269 = arith.addf %add3A_259, %reduce_sum3A_268 : vector<256x32xf32>
    %slice3A_270 = vector.extract_strided_slice %get3A_1 {offsets = [0, 27], sizes = [256, 1], strides = [1, 1]} : vector<256x128xi32> to vector<256x1xi32>
    %squeeze3A_271 = vector.shape_cast %slice3A_270 : vector<256x1xi32> to vector<256xi32>
    %reshape3A_272 = vector.shape_cast %squeeze3A_271 : vector<256xi32> to vector<256x1x1xi32>
    %eq3A_273 = vector.broadcast %reshape3A_272 : vector<256x1x1xi32> to vector<256x32x128xi32>
    %eq3A_274 = arith.cmpi eq, %get3A_5, %eq3A_273 : vector<256x32x128xi32>
    %convert_element_type3A_275 = arith.extui %eq3A_274 : vector<256x32x128xi1> to vector<256x32x128xi32>
    %convert_element_type3A_276 = arith.sitofp %convert_element_type3A_275 : vector<256x32x128xi32> to vector<256x32x128xf32>
    %reduce_sum3A_277 = arith.constant dense<0.000000e+00> : vector<256x32xf32>
    %reduce_sum3A_278 = vector.multi_reduction <add>, %convert_element_type3A_276, %reduce_sum3A_277 [2] : vector<256x32x128xf32> to vector<256x32xf32>
    %add3A_279 = arith.addf %add3A_269, %reduce_sum3A_278 : vector<256x32xf32>
    %slice3A_280 = vector.extract_strided_slice %get3A_1 {offsets = [0, 28], sizes = [256, 1], strides = [1, 1]} : vector<256x128xi32> to vector<256x1xi32>
    %squeeze3A_281 = vector.shape_cast %slice3A_280 : vector<256x1xi32> to vector<256xi32>
    %reshape3A_282 = vector.shape_cast %squeeze3A_281 : vector<256xi32> to vector<256x1x1xi32>
    %eq3A_283 = vector.broadcast %reshape3A_282 : vector<256x1x1xi32> to vector<256x32x128xi32>
    %eq3A_284 = arith.cmpi eq, %get3A_5, %eq3A_283 : vector<256x32x128xi32>
    %convert_element_type3A_285 = arith.extui %eq3A_284 : vector<256x32x128xi1> to vector<256x32x128xi32>
    %convert_element_type3A_286 = arith.sitofp %convert_element_type3A_285 : vector<256x32x128xi32> to vector<256x32x128xf32>
    %reduce_sum3A_287 = arith.constant dense<0.000000e+00> : vector<256x32xf32>
    %reduce_sum3A_288 = vector.multi_reduction <add>, %convert_element_type3A_286, %reduce_sum3A_287 [2] : vector<256x32x128xf32> to vector<256x32xf32>
    %add3A_289 = arith.addf %add3A_279, %reduce_sum3A_288 : vector<256x32xf32>
    %slice3A_290 = vector.extract_strided_slice %get3A_1 {offsets = [0, 29], sizes = [256, 1], strides = [1, 1]} : vector<256x128xi32> to vector<256x1xi32>
    %squeeze3A_291 = vector.shape_cast %slice3A_290 : vector<256x1xi32> to vector<256xi32>
    %reshape3A_292 = vector.shape_cast %squeeze3A_291 : vector<256xi32> to vector<256x1x1xi32>
    %eq3A_293 = vector.broadcast %reshape3A_292 : vector<256x1x1xi32> to vector<256x32x128xi32>
    %eq3A_294 = arith.cmpi eq, %get3A_5, %eq3A_293 : vector<256x32x128xi32>
    %convert_element_type3A_295 = arith.extui %eq3A_294 : vector<256x32x128xi1> to vector<256x32x128xi32>
    %convert_element_type3A_296 = arith.sitofp %convert_element_type3A_295 : vector<256x32x128xi32> to vector<256x32x128xf32>
    %reduce_sum3A_297 = arith.constant dense<0.000000e+00> : vector<256x32xf32>
    %reduce_sum3A_298 = vector.multi_reduction <add>, %convert_element_type3A_296, %reduce_sum3A_297 [2] : vector<256x32x128xf32> to vector<256x32xf32>
    %add3A_299 = arith.addf %add3A_289, %reduce_sum3A_298 : vector<256x32xf32>
    %slice3A_300 = vector.extract_strided_slice %get3A_1 {offsets = [0, 30], sizes = [256, 1], strides = [1, 1]} : vector<256x128xi32> to vector<256x1xi32>
    %squeeze3A_301 = vector.shape_cast %slice3A_300 : vector<256x1xi32> to vector<256xi32>
    %reshape3A_302 = vector.shape_cast %squeeze3A_301 : vector<256xi32> to vector<256x1x1xi32>
    %eq3A_303 = vector.broadcast %reshape3A_302 : vector<256x1x1xi32> to vector<256x32x128xi32>
    %eq3A_304 = arith.cmpi eq, %get3A_5, %eq3A_303 : vector<256x32x128xi32>
    %convert_element_type3A_305 = arith.extui %eq3A_304 : vector<256x32x128xi1> to vector<256x32x128xi32>
    %convert_element_type3A_306 = arith.sitofp %convert_element_type3A_305 : vector<256x32x128xi32> to vector<256x32x128xf32>
    %reduce_sum3A_307 = arith.constant dense<0.000000e+00> : vector<256x32xf32>
    %reduce_sum3A_308 = vector.multi_reduction <add>, %convert_element_type3A_306, %reduce_sum3A_307 [2] : vector<256x32x128xf32> to vector<256x32xf32>
    %add3A_309 = arith.addf %add3A_299, %reduce_sum3A_308 : vector<256x32xf32>
    %slice3A_310 = vector.extract_strided_slice %get3A_1 {offsets = [0, 31], sizes = [256, 1], strides = [1, 1]} : vector<256x128xi32> to vector<256x1xi32>
    %squeeze3A_311 = vector.shape_cast %slice3A_310 : vector<256x1xi32> to vector<256xi32>
    %reshape3A_312 = vector.shape_cast %squeeze3A_311 : vector<256xi32> to vector<256x1x1xi32>
    %eq3A_313 = vector.broadcast %reshape3A_312 : vector<256x1x1xi32> to vector<256x32x128xi32>
    %eq3A_314 = arith.cmpi eq, %get3A_5, %eq3A_313 : vector<256x32x128xi32>
    %convert_element_type3A_315 = arith.extui %eq3A_314 : vector<256x32x128xi1> to vector<256x32x128xi32>
    %convert_element_type3A_316 = arith.sitofp %convert_element_type3A_315 : vector<256x32x128xi32> to vector<256x32x128xf32>
    %reduce_sum3A_317 = arith.constant dense<0.000000e+00> : vector<256x32xf32>
    %reduce_sum3A_318 = vector.multi_reduction <add>, %convert_element_type3A_316, %reduce_sum3A_317 [2] : vector<256x32x128xf32> to vector<256x32xf32>
    %add3A_319 = arith.addf %add3A_309, %reduce_sum3A_318 : vector<256x32xf32>
    %le3A = arith.constant 0.000000e+00 : f32
    %le3A_320 = vector.broadcast %le3A : f32 to vector<256x32xf32>
    %le3A_321 = arith.cmpf ole, %add3A_319, %le3A_320 : vector<256x32xf32>
    %convert_element_type3A_322 = arith.extui %le3A_321 : vector<256x32xi1> to vector<256x32xi32>
    %convert_element_type3A_323 = arith.sitofp %convert_element_type3A_322 : vector<256x32xi32> to vector<256x32xf32>
    %reduce_sum3A_324 = arith.constant dense<0.000000e+00> : vector<256xf32>
    %reduce_sum3A_325 = vector.multi_reduction <add>, %convert_element_type3A_323, %reduce_sum3A_324 [1] : vector<256x32xf32> to vector<256xf32>
    %broadcast_in_dim3A_326 = vector.shape_cast %reduce_sum3A_325 : vector<256xf32> to vector<256x1xf32>
    %le3A_327 = arith.constant 1.000000e+00 : f32
    %le3A_328 = vector.broadcast %le3A_327 : f32 to vector<256x32xf32>
    %le3A_329 = arith.cmpf ole, %add3A_319, %le3A_328 : vector<256x32xf32>
    %convert_element_type3A_330 = arith.extui %le3A_329 : vector<256x32xi1> to vector<256x32xi32>
    %convert_element_type3A_331 = arith.sitofp %convert_element_type3A_330 : vector<256x32xi32> to vector<256x32xf32>
    %reduce_sum3A_332 = arith.constant dense<0.000000e+00> : vector<256xf32>
    %reduce_sum3A_333 = vector.multi_reduction <add>, %convert_element_type3A_331, %reduce_sum3A_332 [1] : vector<256x32xf32> to vector<256xf32>
    %broadcast_in_dim3A_334 = vector.shape_cast %reduce_sum3A_333 : vector<256xf32> to vector<256x1xf32>
    %le3A_335 = arith.constant 2.000000e+00 : f32
    %le3A_336 = vector.broadcast %le3A_335 : f32 to vector<256x32xf32>
    %le3A_337 = arith.cmpf ole, %add3A_319, %le3A_336 : vector<256x32xf32>
    %convert_element_type3A_338 = arith.extui %le3A_337 : vector<256x32xi1> to vector<256x32xi32>
    %convert_element_type3A_339 = arith.sitofp %convert_element_type3A_338 : vector<256x32xi32> to vector<256x32xf32>
    %reduce_sum3A_340 = arith.constant dense<0.000000e+00> : vector<256xf32>
    %reduce_sum3A_341 = vector.multi_reduction <add>, %convert_element_type3A_339, %reduce_sum3A_340 [1] : vector<256x32xf32> to vector<256xf32>
    %broadcast_in_dim3A_342 = vector.shape_cast %reduce_sum3A_341 : vector<256xf32> to vector<256x1xf32>
    %le3A_343 = arith.constant 3.000000e+00 : f32
    %le3A_344 = vector.broadcast %le3A_343 : f32 to vector<256x32xf32>
    %le3A_345 = arith.cmpf ole, %add3A_319, %le3A_344 : vector<256x32xf32>
    %convert_element_type3A_346 = arith.extui %le3A_345 : vector<256x32xi1> to vector<256x32xi32>
    %convert_element_type3A_347 = arith.sitofp %convert_element_type3A_346 : vector<256x32xi32> to vector<256x32xf32>
    %reduce_sum3A_348 = arith.constant dense<0.000000e+00> : vector<256xf32>
    %reduce_sum3A_349 = vector.multi_reduction <add>, %convert_element_type3A_347, %reduce_sum3A_348 [1] : vector<256x32xf32> to vector<256xf32>
    %broadcast_in_dim3A_350 = vector.shape_cast %reduce_sum3A_349 : vector<256xf32> to vector<256x1xf32>
    %le3A_351 = arith.constant 4.000000e+00 : f32
    %le3A_352 = vector.broadcast %le3A_351 : f32 to vector<256x32xf32>
    %le3A_353 = arith.cmpf ole, %add3A_319, %le3A_352 : vector<256x32xf32>
    %convert_element_type3A_354 = arith.extui %le3A_353 : vector<256x32xi1> to vector<256x32xi32>
    %convert_element_type3A_355 = arith.sitofp %convert_element_type3A_354 : vector<256x32xi32> to vector<256x32xf32>
    %reduce_sum3A_356 = arith.constant dense<0.000000e+00> : vector<256xf32>
    %reduce_sum3A_357 = vector.multi_reduction <add>, %convert_element_type3A_355, %reduce_sum3A_356 [1] : vector<256x32xf32> to vector<256xf32>
    %broadcast_in_dim3A_358 = vector.shape_cast %reduce_sum3A_357 : vector<256xf32> to vector<256x1xf32>
    %le3A_359 = arith.constant 5.000000e+00 : f32
    %le3A_360 = vector.broadcast %le3A_359 : f32 to vector<256x32xf32>
    %le3A_361 = arith.cmpf ole, %add3A_319, %le3A_360 : vector<256x32xf32>
    %convert_element_type3A_362 = arith.extui %le3A_361 : vector<256x32xi1> to vector<256x32xi32>
    %convert_element_type3A_363 = arith.sitofp %convert_element_type3A_362 : vector<256x32xi32> to vector<256x32xf32>
    %reduce_sum3A_364 = arith.constant dense<0.000000e+00> : vector<256xf32>
    %reduce_sum3A_365 = vector.multi_reduction <add>, %convert_element_type3A_363, %reduce_sum3A_364 [1] : vector<256x32xf32> to vector<256xf32>
    %broadcast_in_dim3A_366 = vector.shape_cast %reduce_sum3A_365 : vector<256xf32> to vector<256x1xf32>
    %le3A_367 = arith.constant 6.000000e+00 : f32
    %le3A_368 = vector.broadcast %le3A_367 : f32 to vector<256x32xf32>
    %le3A_369 = arith.cmpf ole, %add3A_319, %le3A_368 : vector<256x32xf32>
    %convert_element_type3A_370 = arith.extui %le3A_369 : vector<256x32xi1> to vector<256x32xi32>
    %convert_element_type3A_371 = arith.sitofp %convert_element_type3A_370 : vector<256x32xi32> to vector<256x32xf32>
    %reduce_sum3A_372 = arith.constant dense<0.000000e+00> : vector<256xf32>
    %reduce_sum3A_373 = vector.multi_reduction <add>, %convert_element_type3A_371, %reduce_sum3A_372 [1] : vector<256x32xf32> to vector<256xf32>
    %broadcast_in_dim3A_374 = vector.shape_cast %reduce_sum3A_373 : vector<256xf32> to vector<256x1xf32>
    %le3A_375 = arith.constant 7.000000e+00 : f32
    %le3A_376 = vector.broadcast %le3A_375 : f32 to vector<256x32xf32>
    %le3A_377 = arith.cmpf ole, %add3A_319, %le3A_376 : vector<256x32xf32>
    %convert_element_type3A_378 = arith.extui %le3A_377 : vector<256x32xi1> to vector<256x32xi32>
    %convert_element_type3A_379 = arith.sitofp %convert_element_type3A_378 : vector<256x32xi32> to vector<256x32xf32>
    %reduce_sum3A_380 = arith.constant dense<0.000000e+00> : vector<256xf32>
    %reduce_sum3A_381 = vector.multi_reduction <add>, %convert_element_type3A_379, %reduce_sum3A_380 [1] : vector<256x32xf32> to vector<256xf32>
    %broadcast_in_dim3A_382 = vector.shape_cast %reduce_sum3A_381 : vector<256xf32> to vector<256x1xf32>
    %le3A_383 = arith.constant 8.000000e+00 : f32
    %le3A_384 = vector.broadcast %le3A_383 : f32 to vector<256x32xf32>
    %le3A_385 = arith.cmpf ole, %add3A_319, %le3A_384 : vector<256x32xf32>
    %convert_element_type3A_386 = arith.extui %le3A_385 : vector<256x32xi1> to vector<256x32xi32>
    %convert_element_type3A_387 = arith.sitofp %convert_element_type3A_386 : vector<256x32xi32> to vector<256x32xf32>
    %reduce_sum3A_388 = arith.constant dense<0.000000e+00> : vector<256xf32>
    %reduce_sum3A_389 = vector.multi_reduction <add>, %convert_element_type3A_387, %reduce_sum3A_388 [1] : vector<256x32xf32> to vector<256xf32>
    %broadcast_in_dim3A_390 = vector.shape_cast %reduce_sum3A_389 : vector<256xf32> to vector<256x1xf32>
    %le3A_391 = arith.constant 9.000000e+00 : f32
    %le3A_392 = vector.broadcast %le3A_391 : f32 to vector<256x32xf32>
    %le3A_393 = arith.cmpf ole, %add3A_319, %le3A_392 : vector<256x32xf32>
    %convert_element_type3A_394 = arith.extui %le3A_393 : vector<256x32xi1> to vector<256x32xi32>
    %convert_element_type3A_395 = arith.sitofp %convert_element_type3A_394 : vector<256x32xi32> to vector<256x32xf32>
    %reduce_sum3A_396 = arith.constant dense<0.000000e+00> : vector<256xf32>
    %reduce_sum3A_397 = vector.multi_reduction <add>, %convert_element_type3A_395, %reduce_sum3A_396 [1] : vector<256x32xf32> to vector<256xf32>
    %broadcast_in_dim3A_398 = vector.shape_cast %reduce_sum3A_397 : vector<256xf32> to vector<256x1xf32>
    %le3A_399 = arith.constant 1.000000e+01 : f32
    %le3A_400 = vector.broadcast %le3A_399 : f32 to vector<256x32xf32>
    %le3A_401 = arith.cmpf ole, %add3A_319, %le3A_400 : vector<256x32xf32>
    %convert_element_type3A_402 = arith.extui %le3A_401 : vector<256x32xi1> to vector<256x32xi32>
    %convert_element_type3A_403 = arith.sitofp %convert_element_type3A_402 : vector<256x32xi32> to vector<256x32xf32>
    %reduce_sum3A_404 = arith.constant dense<0.000000e+00> : vector<256xf32>
    %reduce_sum3A_405 = vector.multi_reduction <add>, %convert_element_type3A_403, %reduce_sum3A_404 [1] : vector<256x32xf32> to vector<256xf32>
    %broadcast_in_dim3A_406 = vector.shape_cast %reduce_sum3A_405 : vector<256xf32> to vector<256x1xf32>
    %le3A_407 = arith.constant 1.100000e+01 : f32
    %le3A_408 = vector.broadcast %le3A_407 : f32 to vector<256x32xf32>
    %le3A_409 = arith.cmpf ole, %add3A_319, %le3A_408 : vector<256x32xf32>
    %convert_element_type3A_410 = arith.extui %le3A_409 : vector<256x32xi1> to vector<256x32xi32>
    %convert_element_type3A_411 = arith.sitofp %convert_element_type3A_410 : vector<256x32xi32> to vector<256x32xf32>
    %reduce_sum3A_412 = arith.constant dense<0.000000e+00> : vector<256xf32>
    %reduce_sum3A_413 = vector.multi_reduction <add>, %convert_element_type3A_411, %reduce_sum3A_412 [1] : vector<256x32xf32> to vector<256xf32>
    %broadcast_in_dim3A_414 = vector.shape_cast %reduce_sum3A_413 : vector<256xf32> to vector<256x1xf32>
    %le3A_415 = arith.constant 1.200000e+01 : f32
    %le3A_416 = vector.broadcast %le3A_415 : f32 to vector<256x32xf32>
    %le3A_417 = arith.cmpf ole, %add3A_319, %le3A_416 : vector<256x32xf32>
    %convert_element_type3A_418 = arith.extui %le3A_417 : vector<256x32xi1> to vector<256x32xi32>
    %convert_element_type3A_419 = arith.sitofp %convert_element_type3A_418 : vector<256x32xi32> to vector<256x32xf32>
    %reduce_sum3A_420 = arith.constant dense<0.000000e+00> : vector<256xf32>
    %reduce_sum3A_421 = vector.multi_reduction <add>, %convert_element_type3A_419, %reduce_sum3A_420 [1] : vector<256x32xf32> to vector<256xf32>
    %broadcast_in_dim3A_422 = vector.shape_cast %reduce_sum3A_421 : vector<256xf32> to vector<256x1xf32>
    %le3A_423 = arith.constant 1.300000e+01 : f32
    %le3A_424 = vector.broadcast %le3A_423 : f32 to vector<256x32xf32>
    %le3A_425 = arith.cmpf ole, %add3A_319, %le3A_424 : vector<256x32xf32>
    %convert_element_type3A_426 = arith.extui %le3A_425 : vector<256x32xi1> to vector<256x32xi32>
    %convert_element_type3A_427 = arith.sitofp %convert_element_type3A_426 : vector<256x32xi32> to vector<256x32xf32>
    %reduce_sum3A_428 = arith.constant dense<0.000000e+00> : vector<256xf32>
    %reduce_sum3A_429 = vector.multi_reduction <add>, %convert_element_type3A_427, %reduce_sum3A_428 [1] : vector<256x32xf32> to vector<256xf32>
    %broadcast_in_dim3A_430 = vector.shape_cast %reduce_sum3A_429 : vector<256xf32> to vector<256x1xf32>
    %le3A_431 = arith.constant 1.400000e+01 : f32
    %le3A_432 = vector.broadcast %le3A_431 : f32 to vector<256x32xf32>
    %le3A_433 = arith.cmpf ole, %add3A_319, %le3A_432 : vector<256x32xf32>
    %convert_element_type3A_434 = arith.extui %le3A_433 : vector<256x32xi1> to vector<256x32xi32>
    %convert_element_type3A_435 = arith.sitofp %convert_element_type3A_434 : vector<256x32xi32> to vector<256x32xf32>
    %reduce_sum3A_436 = arith.constant dense<0.000000e+00> : vector<256xf32>
    %reduce_sum3A_437 = vector.multi_reduction <add>, %convert_element_type3A_435, %reduce_sum3A_436 [1] : vector<256x32xf32> to vector<256xf32>
    %broadcast_in_dim3A_438 = vector.shape_cast %reduce_sum3A_437 : vector<256xf32> to vector<256x1xf32>
    %le3A_439 = arith.constant 1.500000e+01 : f32
    %le3A_440 = vector.broadcast %le3A_439 : f32 to vector<256x32xf32>
    %le3A_441 = arith.cmpf ole, %add3A_319, %le3A_440 : vector<256x32xf32>
    %convert_element_type3A_442 = arith.extui %le3A_441 : vector<256x32xi1> to vector<256x32xi32>
    %convert_element_type3A_443 = arith.sitofp %convert_element_type3A_442 : vector<256x32xi32> to vector<256x32xf32>
    %reduce_sum3A_444 = arith.constant dense<0.000000e+00> : vector<256xf32>
    %reduce_sum3A_445 = vector.multi_reduction <add>, %convert_element_type3A_443, %reduce_sum3A_444 [1] : vector<256x32xf32> to vector<256xf32>
    %broadcast_in_dim3A_446 = vector.shape_cast %reduce_sum3A_445 : vector<256xf32> to vector<256x1xf32>
    %le3A_447 = arith.constant 1.600000e+01 : f32
    %le3A_448 = vector.broadcast %le3A_447 : f32 to vector<256x32xf32>
    %le3A_449 = arith.cmpf ole, %add3A_319, %le3A_448 : vector<256x32xf32>
    %convert_element_type3A_450 = arith.extui %le3A_449 : vector<256x32xi1> to vector<256x32xi32>
    %convert_element_type3A_451 = arith.sitofp %convert_element_type3A_450 : vector<256x32xi32> to vector<256x32xf32>
    %reduce_sum3A_452 = arith.constant dense<0.000000e+00> : vector<256xf32>
    %reduce_sum3A_453 = vector.multi_reduction <add>, %convert_element_type3A_451, %reduce_sum3A_452 [1] : vector<256x32xf32> to vector<256xf32>
    %broadcast_in_dim3A_454 = vector.shape_cast %reduce_sum3A_453 : vector<256xf32> to vector<256x1xf32>
    %le3A_455 = arith.constant 1.700000e+01 : f32
    %le3A_456 = vector.broadcast %le3A_455 : f32 to vector<256x32xf32>
    %le3A_457 = arith.cmpf ole, %add3A_319, %le3A_456 : vector<256x32xf32>
    %convert_element_type3A_458 = arith.extui %le3A_457 : vector<256x32xi1> to vector<256x32xi32>
    %convert_element_type3A_459 = arith.sitofp %convert_element_type3A_458 : vector<256x32xi32> to vector<256x32xf32>
    %reduce_sum3A_460 = arith.constant dense<0.000000e+00> : vector<256xf32>
    %reduce_sum3A_461 = vector.multi_reduction <add>, %convert_element_type3A_459, %reduce_sum3A_460 [1] : vector<256x32xf32> to vector<256xf32>
    %broadcast_in_dim3A_462 = vector.shape_cast %reduce_sum3A_461 : vector<256xf32> to vector<256x1xf32>
    %le3A_463 = arith.constant 1.800000e+01 : f32
    %le3A_464 = vector.broadcast %le3A_463 : f32 to vector<256x32xf32>
    %le3A_465 = arith.cmpf ole, %add3A_319, %le3A_464 : vector<256x32xf32>
    %convert_element_type3A_466 = arith.extui %le3A_465 : vector<256x32xi1> to vector<256x32xi32>
    %convert_element_type3A_467 = arith.sitofp %convert_element_type3A_466 : vector<256x32xi32> to vector<256x32xf32>
    %reduce_sum3A_468 = arith.constant dense<0.000000e+00> : vector<256xf32>
    %reduce_sum3A_469 = vector.multi_reduction <add>, %convert_element_type3A_467, %reduce_sum3A_468 [1] : vector<256x32xf32> to vector<256xf32>
    %broadcast_in_dim3A_470 = vector.shape_cast %reduce_sum3A_469 : vector<256xf32> to vector<256x1xf32>
    %le3A_471 = arith.constant 1.900000e+01 : f32
    %le3A_472 = vector.broadcast %le3A_471 : f32 to vector<256x32xf32>
    %le3A_473 = arith.cmpf ole, %add3A_319, %le3A_472 : vector<256x32xf32>
    %convert_element_type3A_474 = arith.extui %le3A_473 : vector<256x32xi1> to vector<256x32xi32>
    %convert_element_type3A_475 = arith.sitofp %convert_element_type3A_474 : vector<256x32xi32> to vector<256x32xf32>
    %reduce_sum3A_476 = arith.constant dense<0.000000e+00> : vector<256xf32>
    %reduce_sum3A_477 = vector.multi_reduction <add>, %convert_element_type3A_475, %reduce_sum3A_476 [1] : vector<256x32xf32> to vector<256xf32>
    %broadcast_in_dim3A_478 = vector.shape_cast %reduce_sum3A_477 : vector<256xf32> to vector<256x1xf32>
    %le3A_479 = arith.constant 2.000000e+01 : f32
    %le3A_480 = vector.broadcast %le3A_479 : f32 to vector<256x32xf32>
    %le3A_481 = arith.cmpf ole, %add3A_319, %le3A_480 : vector<256x32xf32>
    %convert_element_type3A_482 = arith.extui %le3A_481 : vector<256x32xi1> to vector<256x32xi32>
    %convert_element_type3A_483 = arith.sitofp %convert_element_type3A_482 : vector<256x32xi32> to vector<256x32xf32>
    %reduce_sum3A_484 = arith.constant dense<0.000000e+00> : vector<256xf32>
    %reduce_sum3A_485 = vector.multi_reduction <add>, %convert_element_type3A_483, %reduce_sum3A_484 [1] : vector<256x32xf32> to vector<256xf32>
    %broadcast_in_dim3A_486 = vector.shape_cast %reduce_sum3A_485 : vector<256xf32> to vector<256x1xf32>
    %le3A_487 = arith.constant 2.100000e+01 : f32
    %le3A_488 = vector.broadcast %le3A_487 : f32 to vector<256x32xf32>
    %le3A_489 = arith.cmpf ole, %add3A_319, %le3A_488 : vector<256x32xf32>
    %convert_element_type3A_490 = arith.extui %le3A_489 : vector<256x32xi1> to vector<256x32xi32>
    %convert_element_type3A_491 = arith.sitofp %convert_element_type3A_490 : vector<256x32xi32> to vector<256x32xf32>
    %reduce_sum3A_492 = arith.constant dense<0.000000e+00> : vector<256xf32>
    %reduce_sum3A_493 = vector.multi_reduction <add>, %convert_element_type3A_491, %reduce_sum3A_492 [1] : vector<256x32xf32> to vector<256xf32>
    %broadcast_in_dim3A_494 = vector.shape_cast %reduce_sum3A_493 : vector<256xf32> to vector<256x1xf32>
    %le3A_495 = arith.constant 2.200000e+01 : f32
    %le3A_496 = vector.broadcast %le3A_495 : f32 to vector<256x32xf32>
    %le3A_497 = arith.cmpf ole, %add3A_319, %le3A_496 : vector<256x32xf32>
    %convert_element_type3A_498 = arith.extui %le3A_497 : vector<256x32xi1> to vector<256x32xi32>
    %convert_element_type3A_499 = arith.sitofp %convert_element_type3A_498 : vector<256x32xi32> to vector<256x32xf32>
    %reduce_sum3A_500 = arith.constant dense<0.000000e+00> : vector<256xf32>
    %reduce_sum3A_501 = vector.multi_reduction <add>, %convert_element_type3A_499, %reduce_sum3A_500 [1] : vector<256x32xf32> to vector<256xf32>
    %broadcast_in_dim3A_502 = vector.shape_cast %reduce_sum3A_501 : vector<256xf32> to vector<256x1xf32>
    %le3A_503 = arith.constant 2.300000e+01 : f32
    %le3A_504 = vector.broadcast %le3A_503 : f32 to vector<256x32xf32>
    %le3A_505 = arith.cmpf ole, %add3A_319, %le3A_504 : vector<256x32xf32>
    %convert_element_type3A_506 = arith.extui %le3A_505 : vector<256x32xi1> to vector<256x32xi32>
    %convert_element_type3A_507 = arith.sitofp %convert_element_type3A_506 : vector<256x32xi32> to vector<256x32xf32>
    %reduce_sum3A_508 = arith.constant dense<0.000000e+00> : vector<256xf32>
    %reduce_sum3A_509 = vector.multi_reduction <add>, %convert_element_type3A_507, %reduce_sum3A_508 [1] : vector<256x32xf32> to vector<256xf32>
    %broadcast_in_dim3A_510 = vector.shape_cast %reduce_sum3A_509 : vector<256xf32> to vector<256x1xf32>
    %le3A_511 = arith.constant 2.400000e+01 : f32
    %le3A_512 = vector.broadcast %le3A_511 : f32 to vector<256x32xf32>
    %le3A_513 = arith.cmpf ole, %add3A_319, %le3A_512 : vector<256x32xf32>
    %convert_element_type3A_514 = arith.extui %le3A_513 : vector<256x32xi1> to vector<256x32xi32>
    %convert_element_type3A_515 = arith.sitofp %convert_element_type3A_514 : vector<256x32xi32> to vector<256x32xf32>
    %reduce_sum3A_516 = arith.constant dense<0.000000e+00> : vector<256xf32>
    %reduce_sum3A_517 = vector.multi_reduction <add>, %convert_element_type3A_515, %reduce_sum3A_516 [1] : vector<256x32xf32> to vector<256xf32>
    %broadcast_in_dim3A_518 = vector.shape_cast %reduce_sum3A_517 : vector<256xf32> to vector<256x1xf32>
    %le3A_519 = arith.constant 2.500000e+01 : f32
    %le3A_520 = vector.broadcast %le3A_519 : f32 to vector<256x32xf32>
    %le3A_521 = arith.cmpf ole, %add3A_319, %le3A_520 : vector<256x32xf32>
    %convert_element_type3A_522 = arith.extui %le3A_521 : vector<256x32xi1> to vector<256x32xi32>
    %convert_element_type3A_523 = arith.sitofp %convert_element_type3A_522 : vector<256x32xi32> to vector<256x32xf32>
    %reduce_sum3A_524 = arith.constant dense<0.000000e+00> : vector<256xf32>
    %reduce_sum3A_525 = vector.multi_reduction <add>, %convert_element_type3A_523, %reduce_sum3A_524 [1] : vector<256x32xf32> to vector<256xf32>
    %broadcast_in_dim3A_526 = vector.shape_cast %reduce_sum3A_525 : vector<256xf32> to vector<256x1xf32>
    %le3A_527 = arith.constant 2.600000e+01 : f32
    %le3A_528 = vector.broadcast %le3A_527 : f32 to vector<256x32xf32>
    %le3A_529 = arith.cmpf ole, %add3A_319, %le3A_528 : vector<256x32xf32>
    %convert_element_type3A_530 = arith.extui %le3A_529 : vector<256x32xi1> to vector<256x32xi32>
    %convert_element_type3A_531 = arith.sitofp %convert_element_type3A_530 : vector<256x32xi32> to vector<256x32xf32>
    %reduce_sum3A_532 = arith.constant dense<0.000000e+00> : vector<256xf32>
    %reduce_sum3A_533 = vector.multi_reduction <add>, %convert_element_type3A_531, %reduce_sum3A_532 [1] : vector<256x32xf32> to vector<256xf32>
    %broadcast_in_dim3A_534 = vector.shape_cast %reduce_sum3A_533 : vector<256xf32> to vector<256x1xf32>
    %le3A_535 = arith.constant 2.700000e+01 : f32
    %le3A_536 = vector.broadcast %le3A_535 : f32 to vector<256x32xf32>
    %le3A_537 = arith.cmpf ole, %add3A_319, %le3A_536 : vector<256x32xf32>
    %convert_element_type3A_538 = arith.extui %le3A_537 : vector<256x32xi1> to vector<256x32xi32>
    %convert_element_type3A_539 = arith.sitofp %convert_element_type3A_538 : vector<256x32xi32> to vector<256x32xf32>
    %reduce_sum3A_540 = arith.constant dense<0.000000e+00> : vector<256xf32>
    %reduce_sum3A_541 = vector.multi_reduction <add>, %convert_element_type3A_539, %reduce_sum3A_540 [1] : vector<256x32xf32> to vector<256xf32>
    %broadcast_in_dim3A_542 = vector.shape_cast %reduce_sum3A_541 : vector<256xf32> to vector<256x1xf32>
    %le3A_543 = arith.constant 2.800000e+01 : f32
    %le3A_544 = vector.broadcast %le3A_543 : f32 to vector<256x32xf32>
    %le3A_545 = arith.cmpf ole, %add3A_319, %le3A_544 : vector<256x32xf32>
    %convert_element_type3A_546 = arith.extui %le3A_545 : vector<256x32xi1> to vector<256x32xi32>
    %convert_element_type3A_547 = arith.sitofp %convert_element_type3A_546 : vector<256x32xi32> to vector<256x32xf32>
    %reduce_sum3A_548 = arith.constant dense<0.000000e+00> : vector<256xf32>
    %reduce_sum3A_549 = vector.multi_reduction <add>, %convert_element_type3A_547, %reduce_sum3A_548 [1] : vector<256x32xf32> to vector<256xf32>
    %broadcast_in_dim3A_550 = vector.shape_cast %reduce_sum3A_549 : vector<256xf32> to vector<256x1xf32>
    %le3A_551 = arith.constant 2.900000e+01 : f32
    %le3A_552 = vector.broadcast %le3A_551 : f32 to vector<256x32xf32>
    %le3A_553 = arith.cmpf ole, %add3A_319, %le3A_552 : vector<256x32xf32>
    %convert_element_type3A_554 = arith.extui %le3A_553 : vector<256x32xi1> to vector<256x32xi32>
    %convert_element_type3A_555 = arith.sitofp %convert_element_type3A_554 : vector<256x32xi32> to vector<256x32xf32>
    %reduce_sum3A_556 = arith.constant dense<0.000000e+00> : vector<256xf32>
    %reduce_sum3A_557 = vector.multi_reduction <add>, %convert_element_type3A_555, %reduce_sum3A_556 [1] : vector<256x32xf32> to vector<256xf32>
    %broadcast_in_dim3A_558 = vector.shape_cast %reduce_sum3A_557 : vector<256xf32> to vector<256x1xf32>
    %le3A_559 = arith.constant 3.000000e+01 : f32
    %le3A_560 = vector.broadcast %le3A_559 : f32 to vector<256x32xf32>
    %le3A_561 = arith.cmpf ole, %add3A_319, %le3A_560 : vector<256x32xf32>
    %convert_element_type3A_562 = arith.extui %le3A_561 : vector<256x32xi1> to vector<256x32xi32>
    %convert_element_type3A_563 = arith.sitofp %convert_element_type3A_562 : vector<256x32xi32> to vector<256x32xf32>
    %reduce_sum3A_564 = arith.constant dense<0.000000e+00> : vector<256xf32>
    %reduce_sum3A_565 = vector.multi_reduction <add>, %convert_element_type3A_563, %reduce_sum3A_564 [1] : vector<256x32xf32> to vector<256xf32>
    %broadcast_in_dim3A_566 = vector.shape_cast %reduce_sum3A_565 : vector<256xf32> to vector<256x1xf32>
    %le3A_567 = arith.constant 3.100000e+01 : f32
    %le3A_568 = vector.broadcast %le3A_567 : f32 to vector<256x32xf32>
    %le3A_569 = arith.cmpf ole, %add3A_319, %le3A_568 : vector<256x32xf32>
    %convert_element_type3A_570 = arith.extui %le3A_569 : vector<256x32xi1> to vector<256x32xi32>
    %convert_element_type3A_571 = arith.sitofp %convert_element_type3A_570 : vector<256x32xi32> to vector<256x32xf32>
    %reduce_sum3A_572 = arith.constant dense<0.000000e+00> : vector<256xf32>
    %reduce_sum3A_573 = vector.multi_reduction <add>, %convert_element_type3A_571, %reduce_sum3A_572 [1] : vector<256x32xf32> to vector<256xf32>
    %broadcast_in_dim3A_574 = vector.shape_cast %reduce_sum3A_573 : vector<256xf32> to vector<256x1xf32>
    %le3A_575 = arith.constant 3.200000e+01 : f32
    %le3A_576 = vector.broadcast %le3A_575 : f32 to vector<256x32xf32>
    %le3A_577 = arith.cmpf ole, %add3A_319, %le3A_576 : vector<256x32xf32>
    %convert_element_type3A_578 = arith.extui %le3A_577 : vector<256x32xi1> to vector<256x32xi32>
    %convert_element_type3A_579 = arith.sitofp %convert_element_type3A_578 : vector<256x32xi32> to vector<256x32xf32>
    %reduce_sum3A_580 = arith.constant dense<0.000000e+00> : vector<256xf32>
    %reduce_sum3A_581 = vector.multi_reduction <add>, %convert_element_type3A_579, %reduce_sum3A_580 [1] : vector<256x32xf32> to vector<256xf32>
    %broadcast_in_dim3A_582 = vector.shape_cast %reduce_sum3A_581 : vector<256xf32> to vector<256x1xf32>
    %concatenate3A = tpu.concatenate %broadcast_in_dim3A_326, %broadcast_in_dim3A_334, %broadcast_in_dim3A_342, %broadcast_in_dim3A_350, %broadcast_in_dim3A_358, %broadcast_in_dim3A_366, %broadcast_in_dim3A_374, %broadcast_in_dim3A_382, %broadcast_in_dim3A_390, %broadcast_in_dim3A_398, %broadcast_in_dim3A_406, %broadcast_in_dim3A_414, %broadcast_in_dim3A_422, %broadcast_in_dim3A_430, %broadcast_in_dim3A_438, %broadcast_in_dim3A_446, %broadcast_in_dim3A_454, %broadcast_in_dim3A_462, %broadcast_in_dim3A_470, %broadcast_in_dim3A_478, %broadcast_in_dim3A_486, %broadcast_in_dim3A_494, %broadcast_in_dim3A_502, %broadcast_in_dim3A_510, %broadcast_in_dim3A_518, %broadcast_in_dim3A_526, %broadcast_in_dim3A_534, %broadcast_in_dim3A_542, %broadcast_in_dim3A_550, %broadcast_in_dim3A_558, %broadcast_in_dim3A_566, %broadcast_in_dim3A_574, %broadcast_in_dim3A_582 in 1 : vector<256x1xf32>, vector<256x1xf32>, vector<256x1xf32>, vector<256x1xf32>, vector<256x1xf32>, vector<256x1xf32>, vector<256x1xf32>, vector<256x1xf32>, vector<256x1xf32>, vector<256x1xf32>, vector<256x1xf32>, vector<256x1xf32>, vector<256x1xf32>, vector<256x1xf32>, vector<256x1xf32>, vector<256x1xf32>, vector<256x1xf32>, vector<256x1xf32>, vector<256x1xf32>, vector<256x1xf32>, vector<256x1xf32>, vector<256x1xf32>, vector<256x1xf32>, vector<256x1xf32>, vector<256x1xf32>, vector<256x1xf32>, vector<256x1xf32>, vector<256x1xf32>, vector<256x1xf32>, vector<256x1xf32>, vector<256x1xf32>, vector<256x1xf32>, vector<256x1xf32> -> vector<256x33xf32>
    %le3A_583 = arith.constant 0.000000e+00 : f32
    %le3A_584 = vector.broadcast %le3A_583 : f32 to vector<256x33xf32>
    %le3A_585 = arith.cmpf ole, %concatenate3A, %le3A_584 : vector<256x33xf32>
    %convert_element_type3A_586 = arith.extui %le3A_585 : vector<256x33xi1> to vector<256x33xi32>
    %convert_element_type3A_587 = arith.sitofp %convert_element_type3A_586 : vector<256x33xi32> to vector<256x33xf32>
    %reduce_sum3A_588 = arith.constant dense<0.000000e+00> : vector<256xf32>
    %reduce_sum3A_589 = vector.multi_reduction <add>, %convert_element_type3A_587, %reduce_sum3A_588 [1] : vector<256x33xf32> to vector<256xf32>
    %broadcast_in_dim3A_590 = vector.shape_cast %reduce_sum3A_589 : vector<256xf32> to vector<256x1xf32>
    %le3A_591 = arith.constant 1.000000e+00 : f32
    %le3A_592 = vector.broadcast %le3A_591 : f32 to vector<256x33xf32>
    %le3A_593 = arith.cmpf ole, %concatenate3A, %le3A_592 : vector<256x33xf32>
    %convert_element_type3A_594 = arith.extui %le3A_593 : vector<256x33xi1> to vector<256x33xi32>
    %convert_element_type3A_595 = arith.sitofp %convert_element_type3A_594 : vector<256x33xi32> to vector<256x33xf32>
    %reduce_sum3A_596 = arith.constant dense<0.000000e+00> : vector<256xf32>
    %reduce_sum3A_597 = vector.multi_reduction <add>, %convert_element_type3A_595, %reduce_sum3A_596 [1] : vector<256x33xf32> to vector<256xf32>
    %broadcast_in_dim3A_598 = vector.shape_cast %reduce_sum3A_597 : vector<256xf32> to vector<256x1xf32>
    %le3A_599 = arith.constant 2.000000e+00 : f32
    %le3A_600 = vector.broadcast %le3A_599 : f32 to vector<256x33xf32>
    %le3A_601 = arith.cmpf ole, %concatenate3A, %le3A_600 : vector<256x33xf32>
    %convert_element_type3A_602 = arith.extui %le3A_601 : vector<256x33xi1> to vector<256x33xi32>
    %convert_element_type3A_603 = arith.sitofp %convert_element_type3A_602 : vector<256x33xi32> to vector<256x33xf32>
    %reduce_sum3A_604 = arith.constant dense<0.000000e+00> : vector<256xf32>
    %reduce_sum3A_605 = vector.multi_reduction <add>, %convert_element_type3A_603, %reduce_sum3A_604 [1] : vector<256x33xf32> to vector<256xf32>
    %broadcast_in_dim3A_606 = vector.shape_cast %reduce_sum3A_605 : vector<256xf32> to vector<256x1xf32>
    %le3A_607 = arith.constant 3.000000e+00 : f32
    %le3A_608 = vector.broadcast %le3A_607 : f32 to vector<256x33xf32>
    %le3A_609 = arith.cmpf ole, %concatenate3A, %le3A_608 : vector<256x33xf32>
    %convert_element_type3A_610 = arith.extui %le3A_609 : vector<256x33xi1> to vector<256x33xi32>
    %convert_element_type3A_611 = arith.sitofp %convert_element_type3A_610 : vector<256x33xi32> to vector<256x33xf32>
    %reduce_sum3A_612 = arith.constant dense<0.000000e+00> : vector<256xf32>
    %reduce_sum3A_613 = vector.multi_reduction <add>, %convert_element_type3A_611, %reduce_sum3A_612 [1] : vector<256x33xf32> to vector<256xf32>
    %broadcast_in_dim3A_614 = vector.shape_cast %reduce_sum3A_613 : vector<256xf32> to vector<256x1xf32>
    %le3A_615 = arith.constant 4.000000e+00 : f32
    %le3A_616 = vector.broadcast %le3A_615 : f32 to vector<256x33xf32>
    %le3A_617 = arith.cmpf ole, %concatenate3A, %le3A_616 : vector<256x33xf32>
    %convert_element_type3A_618 = arith.extui %le3A_617 : vector<256x33xi1> to vector<256x33xi32>
    %convert_element_type3A_619 = arith.sitofp %convert_element_type3A_618 : vector<256x33xi32> to vector<256x33xf32>
    %reduce_sum3A_620 = arith.constant dense<0.000000e+00> : vector<256xf32>
    %reduce_sum3A_621 = vector.multi_reduction <add>, %convert_element_type3A_619, %reduce_sum3A_620 [1] : vector<256x33xf32> to vector<256xf32>
    %broadcast_in_dim3A_622 = vector.shape_cast %reduce_sum3A_621 : vector<256xf32> to vector<256x1xf32>
    %le3A_623 = arith.constant 5.000000e+00 : f32
    %le3A_624 = vector.broadcast %le3A_623 : f32 to vector<256x33xf32>
    %le3A_625 = arith.cmpf ole, %concatenate3A, %le3A_624 : vector<256x33xf32>
    %convert_element_type3A_626 = arith.extui %le3A_625 : vector<256x33xi1> to vector<256x33xi32>
    %convert_element_type3A_627 = arith.sitofp %convert_element_type3A_626 : vector<256x33xi32> to vector<256x33xf32>
    %reduce_sum3A_628 = arith.constant dense<0.000000e+00> : vector<256xf32>
    %reduce_sum3A_629 = vector.multi_reduction <add>, %convert_element_type3A_627, %reduce_sum3A_628 [1] : vector<256x33xf32> to vector<256xf32>
    %broadcast_in_dim3A_630 = vector.shape_cast %reduce_sum3A_629 : vector<256xf32> to vector<256x1xf32>
    %le3A_631 = arith.constant 6.000000e+00 : f32
    %le3A_632 = vector.broadcast %le3A_631 : f32 to vector<256x33xf32>
    %le3A_633 = arith.cmpf ole, %concatenate3A, %le3A_632 : vector<256x33xf32>
    %convert_element_type3A_634 = arith.extui %le3A_633 : vector<256x33xi1> to vector<256x33xi32>
    %convert_element_type3A_635 = arith.sitofp %convert_element_type3A_634 : vector<256x33xi32> to vector<256x33xf32>
    %reduce_sum3A_636 = arith.constant dense<0.000000e+00> : vector<256xf32>
    %reduce_sum3A_637 = vector.multi_reduction <add>, %convert_element_type3A_635, %reduce_sum3A_636 [1] : vector<256x33xf32> to vector<256xf32>
    %broadcast_in_dim3A_638 = vector.shape_cast %reduce_sum3A_637 : vector<256xf32> to vector<256x1xf32>
    %le3A_639 = arith.constant 7.000000e+00 : f32
    %le3A_640 = vector.broadcast %le3A_639 : f32 to vector<256x33xf32>
    %le3A_641 = arith.cmpf ole, %concatenate3A, %le3A_640 : vector<256x33xf32>
    %convert_element_type3A_642 = arith.extui %le3A_641 : vector<256x33xi1> to vector<256x33xi32>
    %convert_element_type3A_643 = arith.sitofp %convert_element_type3A_642 : vector<256x33xi32> to vector<256x33xf32>
    %reduce_sum3A_644 = arith.constant dense<0.000000e+00> : vector<256xf32>
    %reduce_sum3A_645 = vector.multi_reduction <add>, %convert_element_type3A_643, %reduce_sum3A_644 [1] : vector<256x33xf32> to vector<256xf32>
    %broadcast_in_dim3A_646 = vector.shape_cast %reduce_sum3A_645 : vector<256xf32> to vector<256x1xf32>
    %le3A_647 = arith.constant 8.000000e+00 : f32
    %le3A_648 = vector.broadcast %le3A_647 : f32 to vector<256x33xf32>
    %le3A_649 = arith.cmpf ole, %concatenate3A, %le3A_648 : vector<256x33xf32>
    %convert_element_type3A_650 = arith.extui %le3A_649 : vector<256x33xi1> to vector<256x33xi32>
    %convert_element_type3A_651 = arith.sitofp %convert_element_type3A_650 : vector<256x33xi32> to vector<256x33xf32>
    %reduce_sum3A_652 = arith.constant dense<0.000000e+00> : vector<256xf32>
    %reduce_sum3A_653 = vector.multi_reduction <add>, %convert_element_type3A_651, %reduce_sum3A_652 [1] : vector<256x33xf32> to vector<256xf32>
    %broadcast_in_dim3A_654 = vector.shape_cast %reduce_sum3A_653 : vector<256xf32> to vector<256x1xf32>
    %le3A_655 = arith.constant 9.000000e+00 : f32
    %le3A_656 = vector.broadcast %le3A_655 : f32 to vector<256x33xf32>
    %le3A_657 = arith.cmpf ole, %concatenate3A, %le3A_656 : vector<256x33xf32>
    %convert_element_type3A_658 = arith.extui %le3A_657 : vector<256x33xi1> to vector<256x33xi32>
    %convert_element_type3A_659 = arith.sitofp %convert_element_type3A_658 : vector<256x33xi32> to vector<256x33xf32>
    %reduce_sum3A_660 = arith.constant dense<0.000000e+00> : vector<256xf32>
    %reduce_sum3A_661 = vector.multi_reduction <add>, %convert_element_type3A_659, %reduce_sum3A_660 [1] : vector<256x33xf32> to vector<256xf32>
    %broadcast_in_dim3A_662 = vector.shape_cast %reduce_sum3A_661 : vector<256xf32> to vector<256x1xf32>
    %le3A_663 = arith.constant 1.000000e+01 : f32
    %le3A_664 = vector.broadcast %le3A_663 : f32 to vector<256x33xf32>
    %le3A_665 = arith.cmpf ole, %concatenate3A, %le3A_664 : vector<256x33xf32>
    %convert_element_type3A_666 = arith.extui %le3A_665 : vector<256x33xi1> to vector<256x33xi32>
    %convert_element_type3A_667 = arith.sitofp %convert_element_type3A_666 : vector<256x33xi32> to vector<256x33xf32>
    %reduce_sum3A_668 = arith.constant dense<0.000000e+00> : vector<256xf32>
    %reduce_sum3A_669 = vector.multi_reduction <add>, %convert_element_type3A_667, %reduce_sum3A_668 [1] : vector<256x33xf32> to vector<256xf32>
    %broadcast_in_dim3A_670 = vector.shape_cast %reduce_sum3A_669 : vector<256xf32> to vector<256x1xf32>
    %le3A_671 = arith.constant 1.100000e+01 : f32
    %le3A_672 = vector.broadcast %le3A_671 : f32 to vector<256x33xf32>
    %le3A_673 = arith.cmpf ole, %concatenate3A, %le3A_672 : vector<256x33xf32>
    %convert_element_type3A_674 = arith.extui %le3A_673 : vector<256x33xi1> to vector<256x33xi32>
    %convert_element_type3A_675 = arith.sitofp %convert_element_type3A_674 : vector<256x33xi32> to vector<256x33xf32>
    %reduce_sum3A_676 = arith.constant dense<0.000000e+00> : vector<256xf32>
    %reduce_sum3A_677 = vector.multi_reduction <add>, %convert_element_type3A_675, %reduce_sum3A_676 [1] : vector<256x33xf32> to vector<256xf32>
    %broadcast_in_dim3A_678 = vector.shape_cast %reduce_sum3A_677 : vector<256xf32> to vector<256x1xf32>
    %le3A_679 = arith.constant 1.200000e+01 : f32
    %le3A_680 = vector.broadcast %le3A_679 : f32 to vector<256x33xf32>
    %le3A_681 = arith.cmpf ole, %concatenate3A, %le3A_680 : vector<256x33xf32>
    %convert_element_type3A_682 = arith.extui %le3A_681 : vector<256x33xi1> to vector<256x33xi32>
    %convert_element_type3A_683 = arith.sitofp %convert_element_type3A_682 : vector<256x33xi32> to vector<256x33xf32>
    %reduce_sum3A_684 = arith.constant dense<0.000000e+00> : vector<256xf32>
    %reduce_sum3A_685 = vector.multi_reduction <add>, %convert_element_type3A_683, %reduce_sum3A_684 [1] : vector<256x33xf32> to vector<256xf32>
    %broadcast_in_dim3A_686 = vector.shape_cast %reduce_sum3A_685 : vector<256xf32> to vector<256x1xf32>
    %le3A_687 = arith.constant 1.300000e+01 : f32
    %le3A_688 = vector.broadcast %le3A_687 : f32 to vector<256x33xf32>
    %le3A_689 = arith.cmpf ole, %concatenate3A, %le3A_688 : vector<256x33xf32>
    %convert_element_type3A_690 = arith.extui %le3A_689 : vector<256x33xi1> to vector<256x33xi32>
    %convert_element_type3A_691 = arith.sitofp %convert_element_type3A_690 : vector<256x33xi32> to vector<256x33xf32>
    %reduce_sum3A_692 = arith.constant dense<0.000000e+00> : vector<256xf32>
    %reduce_sum3A_693 = vector.multi_reduction <add>, %convert_element_type3A_691, %reduce_sum3A_692 [1] : vector<256x33xf32> to vector<256xf32>
    %broadcast_in_dim3A_694 = vector.shape_cast %reduce_sum3A_693 : vector<256xf32> to vector<256x1xf32>
    %le3A_695 = arith.constant 1.400000e+01 : f32
    %le3A_696 = vector.broadcast %le3A_695 : f32 to vector<256x33xf32>
    %le3A_697 = arith.cmpf ole, %concatenate3A, %le3A_696 : vector<256x33xf32>
    %convert_element_type3A_698 = arith.extui %le3A_697 : vector<256x33xi1> to vector<256x33xi32>
    %convert_element_type3A_699 = arith.sitofp %convert_element_type3A_698 : vector<256x33xi32> to vector<256x33xf32>
    %reduce_sum3A_700 = arith.constant dense<0.000000e+00> : vector<256xf32>
    %reduce_sum3A_701 = vector.multi_reduction <add>, %convert_element_type3A_699, %reduce_sum3A_700 [1] : vector<256x33xf32> to vector<256xf32>
    %broadcast_in_dim3A_702 = vector.shape_cast %reduce_sum3A_701 : vector<256xf32> to vector<256x1xf32>
    %le3A_703 = arith.constant 1.500000e+01 : f32
    %le3A_704 = vector.broadcast %le3A_703 : f32 to vector<256x33xf32>
    %le3A_705 = arith.cmpf ole, %concatenate3A, %le3A_704 : vector<256x33xf32>
    %convert_element_type3A_706 = arith.extui %le3A_705 : vector<256x33xi1> to vector<256x33xi32>
    %convert_element_type3A_707 = arith.sitofp %convert_element_type3A_706 : vector<256x33xi32> to vector<256x33xf32>
    %reduce_sum3A_708 = arith.constant dense<0.000000e+00> : vector<256xf32>
    %reduce_sum3A_709 = vector.multi_reduction <add>, %convert_element_type3A_707, %reduce_sum3A_708 [1] : vector<256x33xf32> to vector<256xf32>
    %broadcast_in_dim3A_710 = vector.shape_cast %reduce_sum3A_709 : vector<256xf32> to vector<256x1xf32>
    %le3A_711 = arith.constant 1.600000e+01 : f32
    %le3A_712 = vector.broadcast %le3A_711 : f32 to vector<256x33xf32>
    %le3A_713 = arith.cmpf ole, %concatenate3A, %le3A_712 : vector<256x33xf32>
    %convert_element_type3A_714 = arith.extui %le3A_713 : vector<256x33xi1> to vector<256x33xi32>
    %convert_element_type3A_715 = arith.sitofp %convert_element_type3A_714 : vector<256x33xi32> to vector<256x33xf32>
    %reduce_sum3A_716 = arith.constant dense<0.000000e+00> : vector<256xf32>
    %reduce_sum3A_717 = vector.multi_reduction <add>, %convert_element_type3A_715, %reduce_sum3A_716 [1] : vector<256x33xf32> to vector<256xf32>
    %broadcast_in_dim3A_718 = vector.shape_cast %reduce_sum3A_717 : vector<256xf32> to vector<256x1xf32>
    %le3A_719 = arith.constant 1.700000e+01 : f32
    %le3A_720 = vector.broadcast %le3A_719 : f32 to vector<256x33xf32>
    %le3A_721 = arith.cmpf ole, %concatenate3A, %le3A_720 : vector<256x33xf32>
    %convert_element_type3A_722 = arith.extui %le3A_721 : vector<256x33xi1> to vector<256x33xi32>
    %convert_element_type3A_723 = arith.sitofp %convert_element_type3A_722 : vector<256x33xi32> to vector<256x33xf32>
    %reduce_sum3A_724 = arith.constant dense<0.000000e+00> : vector<256xf32>
    %reduce_sum3A_725 = vector.multi_reduction <add>, %convert_element_type3A_723, %reduce_sum3A_724 [1] : vector<256x33xf32> to vector<256xf32>
    %broadcast_in_dim3A_726 = vector.shape_cast %reduce_sum3A_725 : vector<256xf32> to vector<256x1xf32>
    %le3A_727 = arith.constant 1.800000e+01 : f32
    %le3A_728 = vector.broadcast %le3A_727 : f32 to vector<256x33xf32>
    %le3A_729 = arith.cmpf ole, %concatenate3A, %le3A_728 : vector<256x33xf32>
    %convert_element_type3A_730 = arith.extui %le3A_729 : vector<256x33xi1> to vector<256x33xi32>
    %convert_element_type3A_731 = arith.sitofp %convert_element_type3A_730 : vector<256x33xi32> to vector<256x33xf32>
    %reduce_sum3A_732 = arith.constant dense<0.000000e+00> : vector<256xf32>
    %reduce_sum3A_733 = vector.multi_reduction <add>, %convert_element_type3A_731, %reduce_sum3A_732 [1] : vector<256x33xf32> to vector<256xf32>
    %broadcast_in_dim3A_734 = vector.shape_cast %reduce_sum3A_733 : vector<256xf32> to vector<256x1xf32>
    %le3A_735 = arith.constant 1.900000e+01 : f32
    %le3A_736 = vector.broadcast %le3A_735 : f32 to vector<256x33xf32>
    %le3A_737 = arith.cmpf ole, %concatenate3A, %le3A_736 : vector<256x33xf32>
    %convert_element_type3A_738 = arith.extui %le3A_737 : vector<256x33xi1> to vector<256x33xi32>
    %convert_element_type3A_739 = arith.sitofp %convert_element_type3A_738 : vector<256x33xi32> to vector<256x33xf32>
    %reduce_sum3A_740 = arith.constant dense<0.000000e+00> : vector<256xf32>
    %reduce_sum3A_741 = vector.multi_reduction <add>, %convert_element_type3A_739, %reduce_sum3A_740 [1] : vector<256x33xf32> to vector<256xf32>
    %broadcast_in_dim3A_742 = vector.shape_cast %reduce_sum3A_741 : vector<256xf32> to vector<256x1xf32>
    %le3A_743 = arith.constant 2.000000e+01 : f32
    %le3A_744 = vector.broadcast %le3A_743 : f32 to vector<256x33xf32>
    %le3A_745 = arith.cmpf ole, %concatenate3A, %le3A_744 : vector<256x33xf32>
    %convert_element_type3A_746 = arith.extui %le3A_745 : vector<256x33xi1> to vector<256x33xi32>
    %convert_element_type3A_747 = arith.sitofp %convert_element_type3A_746 : vector<256x33xi32> to vector<256x33xf32>
    %reduce_sum3A_748 = arith.constant dense<0.000000e+00> : vector<256xf32>
    %reduce_sum3A_749 = vector.multi_reduction <add>, %convert_element_type3A_747, %reduce_sum3A_748 [1] : vector<256x33xf32> to vector<256xf32>
    %broadcast_in_dim3A_750 = vector.shape_cast %reduce_sum3A_749 : vector<256xf32> to vector<256x1xf32>
    %le3A_751 = arith.constant 2.100000e+01 : f32
    %le3A_752 = vector.broadcast %le3A_751 : f32 to vector<256x33xf32>
    %le3A_753 = arith.cmpf ole, %concatenate3A, %le3A_752 : vector<256x33xf32>
    %convert_element_type3A_754 = arith.extui %le3A_753 : vector<256x33xi1> to vector<256x33xi32>
    %convert_element_type3A_755 = arith.sitofp %convert_element_type3A_754 : vector<256x33xi32> to vector<256x33xf32>
    %reduce_sum3A_756 = arith.constant dense<0.000000e+00> : vector<256xf32>
    %reduce_sum3A_757 = vector.multi_reduction <add>, %convert_element_type3A_755, %reduce_sum3A_756 [1] : vector<256x33xf32> to vector<256xf32>
    %broadcast_in_dim3A_758 = vector.shape_cast %reduce_sum3A_757 : vector<256xf32> to vector<256x1xf32>
    %le3A_759 = arith.constant 2.200000e+01 : f32
    %le3A_760 = vector.broadcast %le3A_759 : f32 to vector<256x33xf32>
    %le3A_761 = arith.cmpf ole, %concatenate3A, %le3A_760 : vector<256x33xf32>
    %convert_element_type3A_762 = arith.extui %le3A_761 : vector<256x33xi1> to vector<256x33xi32>
    %convert_element_type3A_763 = arith.sitofp %convert_element_type3A_762 : vector<256x33xi32> to vector<256x33xf32>
    %reduce_sum3A_764 = arith.constant dense<0.000000e+00> : vector<256xf32>
    %reduce_sum3A_765 = vector.multi_reduction <add>, %convert_element_type3A_763, %reduce_sum3A_764 [1] : vector<256x33xf32> to vector<256xf32>
    %broadcast_in_dim3A_766 = vector.shape_cast %reduce_sum3A_765 : vector<256xf32> to vector<256x1xf32>
    %le3A_767 = arith.constant 2.300000e+01 : f32
    %le3A_768 = vector.broadcast %le3A_767 : f32 to vector<256x33xf32>
    %le3A_769 = arith.cmpf ole, %concatenate3A, %le3A_768 : vector<256x33xf32>
    %convert_element_type3A_770 = arith.extui %le3A_769 : vector<256x33xi1> to vector<256x33xi32>
    %convert_element_type3A_771 = arith.sitofp %convert_element_type3A_770 : vector<256x33xi32> to vector<256x33xf32>
    %reduce_sum3A_772 = arith.constant dense<0.000000e+00> : vector<256xf32>
    %reduce_sum3A_773 = vector.multi_reduction <add>, %convert_element_type3A_771, %reduce_sum3A_772 [1] : vector<256x33xf32> to vector<256xf32>
    %broadcast_in_dim3A_774 = vector.shape_cast %reduce_sum3A_773 : vector<256xf32> to vector<256x1xf32>
    %le3A_775 = arith.constant 2.400000e+01 : f32
    %le3A_776 = vector.broadcast %le3A_775 : f32 to vector<256x33xf32>
    %le3A_777 = arith.cmpf ole, %concatenate3A, %le3A_776 : vector<256x33xf32>
    %convert_element_type3A_778 = arith.extui %le3A_777 : vector<256x33xi1> to vector<256x33xi32>
    %convert_element_type3A_779 = arith.sitofp %convert_element_type3A_778 : vector<256x33xi32> to vector<256x33xf32>
    %reduce_sum3A_780 = arith.constant dense<0.000000e+00> : vector<256xf32>
    %reduce_sum3A_781 = vector.multi_reduction <add>, %convert_element_type3A_779, %reduce_sum3A_780 [1] : vector<256x33xf32> to vector<256xf32>
    %broadcast_in_dim3A_782 = vector.shape_cast %reduce_sum3A_781 : vector<256xf32> to vector<256x1xf32>
    %le3A_783 = arith.constant 2.500000e+01 : f32
    %le3A_784 = vector.broadcast %le3A_783 : f32 to vector<256x33xf32>
    %le3A_785 = arith.cmpf ole, %concatenate3A, %le3A_784 : vector<256x33xf32>
    %convert_element_type3A_786 = arith.extui %le3A_785 : vector<256x33xi1> to vector<256x33xi32>
    %convert_element_type3A_787 = arith.sitofp %convert_element_type3A_786 : vector<256x33xi32> to vector<256x33xf32>
    %reduce_sum3A_788 = arith.constant dense<0.000000e+00> : vector<256xf32>
    %reduce_sum3A_789 = vector.multi_reduction <add>, %convert_element_type3A_787, %reduce_sum3A_788 [1] : vector<256x33xf32> to vector<256xf32>
    %broadcast_in_dim3A_790 = vector.shape_cast %reduce_sum3A_789 : vector<256xf32> to vector<256x1xf32>
    %le3A_791 = arith.constant 2.600000e+01 : f32
    %le3A_792 = vector.broadcast %le3A_791 : f32 to vector<256x33xf32>
    %le3A_793 = arith.cmpf ole, %concatenate3A, %le3A_792 : vector<256x33xf32>
    %convert_element_type3A_794 = arith.extui %le3A_793 : vector<256x33xi1> to vector<256x33xi32>
    %convert_element_type3A_795 = arith.sitofp %convert_element_type3A_794 : vector<256x33xi32> to vector<256x33xf32>
    %reduce_sum3A_796 = arith.constant dense<0.000000e+00> : vector<256xf32>
    %reduce_sum3A_797 = vector.multi_reduction <add>, %convert_element_type3A_795, %reduce_sum3A_796 [1] : vector<256x33xf32> to vector<256xf32>
    %broadcast_in_dim3A_798 = vector.shape_cast %reduce_sum3A_797 : vector<256xf32> to vector<256x1xf32>
    %le3A_799 = arith.constant 2.700000e+01 : f32
    %le3A_800 = vector.broadcast %le3A_799 : f32 to vector<256x33xf32>
    %le3A_801 = arith.cmpf ole, %concatenate3A, %le3A_800 : vector<256x33xf32>
    %convert_element_type3A_802 = arith.extui %le3A_801 : vector<256x33xi1> to vector<256x33xi32>
    %convert_element_type3A_803 = arith.sitofp %convert_element_type3A_802 : vector<256x33xi32> to vector<256x33xf32>
    %reduce_sum3A_804 = arith.constant dense<0.000000e+00> : vector<256xf32>
    %reduce_sum3A_805 = vector.multi_reduction <add>, %convert_element_type3A_803, %reduce_sum3A_804 [1] : vector<256x33xf32> to vector<256xf32>
    %broadcast_in_dim3A_806 = vector.shape_cast %reduce_sum3A_805 : vector<256xf32> to vector<256x1xf32>
    %le3A_807 = arith.constant 2.800000e+01 : f32
    %le3A_808 = vector.broadcast %le3A_807 : f32 to vector<256x33xf32>
    %le3A_809 = arith.cmpf ole, %concatenate3A, %le3A_808 : vector<256x33xf32>
    %convert_element_type3A_810 = arith.extui %le3A_809 : vector<256x33xi1> to vector<256x33xi32>
    %convert_element_type3A_811 = arith.sitofp %convert_element_type3A_810 : vector<256x33xi32> to vector<256x33xf32>
    %reduce_sum3A_812 = arith.constant dense<0.000000e+00> : vector<256xf32>
    %reduce_sum3A_813 = vector.multi_reduction <add>, %convert_element_type3A_811, %reduce_sum3A_812 [1] : vector<256x33xf32> to vector<256xf32>
    %broadcast_in_dim3A_814 = vector.shape_cast %reduce_sum3A_813 : vector<256xf32> to vector<256x1xf32>
    %le3A_815 = arith.constant 2.900000e+01 : f32
    %le3A_816 = vector.broadcast %le3A_815 : f32 to vector<256x33xf32>
    %le3A_817 = arith.cmpf ole, %concatenate3A, %le3A_816 : vector<256x33xf32>
    %convert_element_type3A_818 = arith.extui %le3A_817 : vector<256x33xi1> to vector<256x33xi32>
    %convert_element_type3A_819 = arith.sitofp %convert_element_type3A_818 : vector<256x33xi32> to vector<256x33xf32>
    %reduce_sum3A_820 = arith.constant dense<0.000000e+00> : vector<256xf32>
    %reduce_sum3A_821 = vector.multi_reduction <add>, %convert_element_type3A_819, %reduce_sum3A_820 [1] : vector<256x33xf32> to vector<256xf32>
    %broadcast_in_dim3A_822 = vector.shape_cast %reduce_sum3A_821 : vector<256xf32> to vector<256x1xf32>
    %le3A_823 = arith.constant 3.000000e+01 : f32
    %le3A_824 = vector.broadcast %le3A_823 : f32 to vector<256x33xf32>
    %le3A_825 = arith.cmpf ole, %concatenate3A, %le3A_824 : vector<256x33xf32>
    %convert_element_type3A_826 = arith.extui %le3A_825 : vector<256x33xi1> to vector<256x33xi32>
    %convert_element_type3A_827 = arith.sitofp %convert_element_type3A_826 : vector<256x33xi32> to vector<256x33xf32>
    %reduce_sum3A_828 = arith.constant dense<0.000000e+00> : vector<256xf32>
    %reduce_sum3A_829 = vector.multi_reduction <add>, %convert_element_type3A_827, %reduce_sum3A_828 [1] : vector<256x33xf32> to vector<256xf32>
    %broadcast_in_dim3A_830 = vector.shape_cast %reduce_sum3A_829 : vector<256xf32> to vector<256x1xf32>
    %le3A_831 = arith.constant 3.100000e+01 : f32
    %le3A_832 = vector.broadcast %le3A_831 : f32 to vector<256x33xf32>
    %le3A_833 = arith.cmpf ole, %concatenate3A, %le3A_832 : vector<256x33xf32>
    %convert_element_type3A_834 = arith.extui %le3A_833 : vector<256x33xi1> to vector<256x33xi32>
    %convert_element_type3A_835 = arith.sitofp %convert_element_type3A_834 : vector<256x33xi32> to vector<256x33xf32>
    %reduce_sum3A_836 = arith.constant dense<0.000000e+00> : vector<256xf32>
    %reduce_sum3A_837 = vector.multi_reduction <add>, %convert_element_type3A_835, %reduce_sum3A_836 [1] : vector<256x33xf32> to vector<256xf32>
    %broadcast_in_dim3A_838 = vector.shape_cast %reduce_sum3A_837 : vector<256xf32> to vector<256x1xf32>
    %concatenate3A_839 = tpu.concatenate %broadcast_in_dim3A_590, %broadcast_in_dim3A_598, %broadcast_in_dim3A_606, %broadcast_in_dim3A_614, %broadcast_in_dim3A_622, %broadcast_in_dim3A_630, %broadcast_in_dim3A_638, %broadcast_in_dim3A_646, %broadcast_in_dim3A_654, %broadcast_in_dim3A_662, %broadcast_in_dim3A_670, %broadcast_in_dim3A_678, %broadcast_in_dim3A_686, %broadcast_in_dim3A_694, %broadcast_in_dim3A_702, %broadcast_in_dim3A_710, %broadcast_in_dim3A_718, %broadcast_in_dim3A_726, %broadcast_in_dim3A_734, %broadcast_in_dim3A_742, %broadcast_in_dim3A_750, %broadcast_in_dim3A_758, %broadcast_in_dim3A_766, %broadcast_in_dim3A_774, %broadcast_in_dim3A_782, %broadcast_in_dim3A_790, %broadcast_in_dim3A_798, %broadcast_in_dim3A_806, %broadcast_in_dim3A_814, %broadcast_in_dim3A_822, %broadcast_in_dim3A_830, %broadcast_in_dim3A_838 in 1 : vector<256x1xf32>, vector<256x1xf32>, vector<256x1xf32>, vector<256x1xf32>, vector<256x1xf32>, vector<256x1xf32>, vector<256x1xf32>, vector<256x1xf32>, vector<256x1xf32>, vector<256x1xf32>, vector<256x1xf32>, vector<256x1xf32>, vector<256x1xf32>, vector<256x1xf32>, vector<256x1xf32>, vector<256x1xf32>, vector<256x1xf32>, vector<256x1xf32>, vector<256x1xf32>, vector<256x1xf32>, vector<256x1xf32>, vector<256x1xf32>, vector<256x1xf32>, vector<256x1xf32>, vector<256x1xf32>, vector<256x1xf32>, vector<256x1xf32>, vector<256x1xf32>, vector<256x1xf32>, vector<256x1xf32>, vector<256x1xf32>, vector<256x1xf32> -> vector<256x32xf32>
    %mul3A = arith.constant 3.125000e-02 : f32
    %mul3A_840 = vector.broadcast %mul3A : f32 to vector<256x32xf32>
    %mul3A_841 = arith.mulf %concatenate3A_839, %mul3A_840 : vector<256x32xf32>
    %get3A_842 = arith.constant 0 : index
    %get3A_843 = arith.constant 0 : index
    %get3A_844 = vector.load %arg3[%get3A_842, %get3A_843] : memref<256x32xf32, #tpu.memory_space<vmem>>, vector<256x32xf32>
    %sub3A = arith.subf %mul3A_841, %get3A_844 : vector<256x32xf32>
    %mul3A_845 = arith.mulf %sub3A, %sub3A : vector<256x32xf32>
    %reduce_sum3A_846 = vector.shape_cast %mul3A_845 : vector<256x32xf32> to vector<1x256x32xf32>
    %reduce_sum3A_847 = arith.constant dense<0.000000e+00> : vector<1xf32>
    %reduce_sum3A_848 = vector.multi_reduction <add>, %reduce_sum3A_846, %reduce_sum3A_847 [1, 2] : vector<1x256x32xf32> to vector<1xf32>
    %reduce_sum3A_849 = vector.shape_cast %reduce_sum3A_848 : vector<1xf32> to vector<1x1x1xf32>
    %reduce_sum3A_850 = vector.extract %reduce_sum3A_849[0, 0, 0] : f32 from vector<1x1x1xf32>
    %mul3A_851 = arith.constant 3.05175781E-5 : f32
    %mul3A_852 = arith.mulf %reduce_sum3A_850, %mul3A_851 : f32
    %eq3A_853 = arith.constant 0 : i32
    %eq3A_854 = arith.cmpi eq, %arg0, %eq3A_853 : i32
    %convert_element_type3A_855 = arith.extui %eq3A_854 : i1 to i32
    %cond3A = arith.constant 0 : i32
    %cond3A_856 = arith.cmpi ne, %convert_element_type3A_855, %cond3A : i32
    scf.if %cond3A_856 {
      %swap3A_863 = arith.constant 0.000000e+00 : f32
      %swap3A_864 = arith.constant 0 : index
      %swap3A_865 = arith.constant 0 : index
      %swap3A_866 = memref.load %arg4[%swap3A_864, %swap3A_865] : memref<1x1xf32, #tpu.memory_space<smem>>
      memref.store %swap3A_863, %arg4[%swap3A_864, %swap3A_865] : memref<1x1xf32, #tpu.memory_space<smem>>
    } else {
    }
    %get3A_857 = arith.constant 0 : index
    %get3A_858 = arith.constant 0 : index
    %get3A_859 = memref.load %arg4[%get3A_857, %get3A_858] : memref<1x1xf32, #tpu.memory_space<smem>>
    %add3A_860 = arith.addf %get3A_859, %mul3A_852 : f32
    %swap3A = arith.constant 0 : index
    %swap3A_861 = arith.constant 0 : index
    %swap3A_862 = memref.load %arg4[%swap3A, %swap3A_861] : memref<1x1xf32, #tpu.memory_space<smem>>
    memref.store %add3A_860, %arg4[%swap3A, %swap3A_861] : memref<1x1xf32, #tpu.memory_space<smem>>
    return
  }
  func.func @transform_0(%arg0: i32) -> (i32, i32) {
    %c0_i32 = arith.constant 0 : i32
    %c0_i32_0 = arith.constant 0 : i32
    return %arg0, %c0_i32 : i32, i32
  }
  func.func @transform_1(%arg0: i32) -> (i32, i32, i32) {
    %c0_i32 = arith.constant 0 : i32
    %c0_i32_0 = arith.constant 0 : i32
    %c0_i32_1 = arith.constant 0 : i32
    return %arg0, %c0_i32, %c0_i32_0 : i32, i32, i32
  }
  func.func @transform_2(%arg0: i32) -> (i32, i32) {
    %c0_i32 = arith.constant 0 : i32
    %c0_i32_0 = arith.constant 0 : i32
    return %arg0, %c0_i32 : i32, i32
  }
  func.func @transform_3(%arg0: i32) -> (i32, i32) {
    %c0_i32 = arith.constant 0 : i32
    %c0_i32_0 = arith.constant 0 : i32
    %c0_i32_1 = arith.constant 0 : i32
    return %c0_i32, %c0_i32_0 : i32, i32
  }
}

</mosaic_0001>

<sc_bundles>
// kernel: kernel.5.cloned.1.call-start
scs
__scs_entry_jumppad:
0x0: {  	(pc) =	sbr.rel $0x88, $3  }
0x1: {  	(tag) =	ssettag $0x0;
	lr =	simm.s32 $0x1  }
0x2: {  	[smem:$0x3F9F] =	sst lr;
	_ =	strace $0xD0000000  }
0x3: {  	_ = 	snop  }
0x4: {  	_ = 	snop  }
0x5: {  	_ = 	snop  }
0x6: {  	_ = 	snop  }
0x7: {  	_ = 	snop  }
__scs_overlays_trampoline_lowered:
0x8: {  	[smem:$0x3FAE] =	sst s0  }
0x9: {  	[smem:$0x3FAF] =	sst s1  }
0xa: {  	[smem:$0x3FB0] =	sst s2  }
0xb: {  	[smem:$0x3FB1] =	sst s3  }
0xc: {  	[smem:$0x3FB2] =	sst s4  }
0xd: {  	[smem:$0x3FB3] =	sst s5  }
0xe: {  	[smem:$0x3FB4] =	sst s6  }
0xf: {  	[smem:$0x3FB5] =	sst s7  }
0x10: {  	[smem:$0x3FB6] =	sst s8  }
0x11: {  	[smem:$0x3FB7] =	sst s9;
	s0 =	simm.s32 @!p0 $0x0  }
0x12: {  	s1 =	sld [smem:$0x3F9D];
	s0 =	simm.s32 @p0 $0x1  }
0x13: {  	[smem:$0x3FB8] =	sst s0;
	s0 =	simm.s32 @!p1 $0x0  }
0x14: {  	s2 =	sld [smem:$0x3F9C];
	s0 =	simm.s32 @p1 $0x1  }
0x15: {  	[smem:$0x3FB9] =	sst s0;
	s0 =	simm.s32 @!p2 $0x0  }
0x16: {  	s3 =	sld [smem:$0x3FDB];
	s0 =	simm.s32 @p2 $0x1  }
0x17: {  	s4 =	simm.s32 $0x1BF5;
	[smem:$0x3FBB] =	sst s0  }
0x18: {  	s0 =	sld [smem:$0x3F9E];
	_ =	swait.ge [sflag:s4], $0x0  }
0x19: {  	s7 =	sld [smem:$0x3F9F]  }
0x1a: {  	s8 =	sadd.s32 $0xFFFFE003, lr  }
0x1b: {  	s9 =	sadd.s32 $0xFFFFFEF7, lr;
	s5 =	simm.s32 $0xFFFFFFFF;
	p2 =	slt.u32 s8, $0xFFFFF086  }
0x1c: {  	p1 =	slt.u32 s9, $0xF7A;
	s5 =	simm.s32 @!p2 $0x0  }
0x1d: {  	s5 =	simm.s32 @p1 $0x1;
	p0 =	seq.s32 s7, s2  }
0x1e: {  	s7 =	smul.u32 @!p0 $0xF7A, s2;
	p2 =	seq.s32 @!p0 s5, $0x0  }
0x1f: {  	s9 =	smul.u32 $0xF7A, s1;
	s8 =	simm.s32 @!p0 $0x1BF5;
	p2 =	por !p2, p0  }
0x20: {  	[sflag:s8] =	ssyncset.s32 @!p0 $0xFFFFF086;
	s6 =	sadd.s32 @!p0 s3, s7;
	s7 =	simm.s32 @!p0 $0x108  }
0x21: {  	s3 =	sadd.s32 s3, s9;
	s6 =	sadd.s32 @!p0 $0x88, s6;
	s7 =	simm.s32 @p2 $0x1082  }
0x22: {  	[simem:s7], [sflag:s8] =	dma.local @!p0 [hbm:s6], $0xF7A  }
0x23: {  	s9 =	sor.u32 $0xD0000000, s2;
	s6 =	simm.s32 $0x108;
	_ =	swait.ge @!p0 [sflag:s8], $0x0  }
0x24: {  	s3 =	sadd.s32 $0x88, s3;
	s6 =	simm.s32 @!p1 $0x1082;
	[sflag:s4] =	ssyncset.s32 $0xFFFFF086  }
0x25: {  	[simem:s6], [sflag:s4] =	dma.local [hbm:s3], $0xF7A  }
0x26: {  	[smem:$0x3F9F] =	sst s1;
	(tag) =	ssettag s2;
	_ =	strace s9  }
0x27: {  	s1 =	sld [smem:$0x3FAF]  }
0x28: {  	s2 =	sld [smem:$0x3FB0]  }
0x29: {  	s4 =	sld [smem:$0x3FB2]  }
0x2a: {  	p0 =	seq.s32 s5, $0x0;
	s5 =	sld [smem:$0x3FB3]  }
0x2b: {  	s6 =	sld [smem:$0x3FB4]  }
0x2c: {  	s7 =	sld [smem:$0x3FB5]  }
0x2d: {  	s3 =	simm.s32 $0x108;
	s8 =	sld [smem:$0x3FB6]  }
0x2e: {  	s3 =	simm.s32 @!p0 $0x1082;
	s9 =	sld [smem:$0x3FB7]  }
0x2f: {  	lr =	sadd.s32 s0, s3;
	s0 =	sld [smem:$0x3FAE]  }
0x30: {  	s3 =	sld [smem:$0x3FB1]  }
0x31: {  	[smem:$0x3FBA] =	sst s10  }
0x32: {  	s10 =	sld [smem:$0x3FB8];
	_ =	sdelay $0x3  }
0x33: {  	p0 =	seq.s32 s10, $0x1;
	s10 =	sld [smem:$0x3FBA];
	_ =	sdelay $0x3  }
0x34: {  	[smem:$0x3FBA] =	sst s10  }
0x35: {  	s10 =	sld [smem:$0x3FB9];
	_ =	sdelay $0x3  }
0x36: {  	p1 =	seq.s32 s10, $0x1;
	s10 =	sld [smem:$0x3FBA];
	_ =	sdelay $0x3  }
0x37: {  	[smem:$0x3FBA] =	sst s10  }
0x38: {  	s10 =	sld [smem:$0x3FBB]  }
0x39: {  	_ = 	snop;
	(pc) =	sbr.ind lr, $3  }
0x3a: {  	_ = 	snop  }
0x3b: {  	_ = 	snop  }
0x3c: {  	p2 =	seq.s32 s10, $0x1;
	s10 =	sld [smem:$0x3FBA]  }
0x3d: {  	_ =	shalt  }
0x3e: {  	_ =	shalt  }
0x3f: {  	_ =	shalt  }
0x40: {  	_ =	shalt  }
0x41: {  	_ =	shalt  }
0x42: {  	_ =	shalt  }
0x43: {  	_ =	shalt  }
0x44: {  	_ =	shalt  }
0x45: {  	_ =	shalt  }
0x46: {  	_ =	shalt  }
0x47: {  	_ =	shalt  }
0x48: {  	_ =	shalt  }
0x49: {  	_ =	shalt  }
0x4a: {  	_ =	shalt  }
0x4b: {  	_ =	shalt  }
0x4c: {  	_ =	shalt  }
0x4d: {  	_ =	shalt  }
0x4e: {  	_ =	shalt  }
0x4f: {  	_ =	shalt  }
0x50: {  	_ =	shalt  }
0x51: {  	_ =	shalt  }
0x52: {  	_ =	shalt  }
0x53: {  	_ =	shalt  }
0x54: {  	_ =	shalt  }
0x55: {  	_ =	shalt  }
0x56: {  	_ =	shalt  }
0x57: {  	_ =	shalt  }
0x58: {  	_ =	shalt  }
0x59: {  	_ =	shalt  }
0x5a: {  	_ =	shalt  }
0x5b: {  	_ =	shalt  }
0x5c: {  	_ =	shalt  }
0x5d: {  	_ =	shalt  }
0x5e: {  	_ =	shalt  }
0x5f: {  	_ =	shalt  }
0x60: {  	_ =	shalt  }
0x61: {  	_ =	shalt  }
0x62: {  	_ =	shalt  }
0x63: {  	_ =	shalt  }
0x64: {  	_ =	shalt  }
0x65: {  	_ =	shalt  }
0x66: {  	_ =	shalt  }
0x67: {  	_ =	shalt  }
0x68: {  	_ =	shalt  }
0x69: {  	_ =	shalt  }
0x6a: {  	_ =	shalt  }
0x6b: {  	_ =	shalt  }
0x6c: {  	_ =	shalt  }
0x6d: {  	_ =	shalt  }
0x6e: {  	_ =	shalt  }
0x6f: {  	_ =	shalt  }
0x70: {  	_ =	shalt  }
0x71: {  	_ =	shalt  }
0x72: {  	_ =	shalt  }
0x73: {  	_ =	shalt  }
0x74: {  	_ =	shalt  }
0x75: {  	_ =	shalt  }
0x76: {  	_ =	shalt  }
0x77: {  	_ =	shalt  }
0x78: {  	_ =	shalt  }
0x79: {  	_ =	shalt  }
0x7a: {  	_ =	shalt  }
0x7b: {  	_ =	shalt  }
0x7c: {  	_ =	shalt  }
0x7d: {  	_ =	shalt  }
0x7e: {  	_ =	shalt  }
0x7f: {  	_ =	shalt  }
0x80: {  	_ =	shalt  }
0x81: {  	_ =	shalt  }
0x82: {  	_ =	shalt  }
0x83: {  	_ =	shalt  }
0x84: {  	_ =	shalt  }
0x85: {  	_ =	shalt  }
0x86: {  	_ =	shalt  }
0x87: {  	_ =	shalt  }
.Lfunc_end0:
.L_simem_size_0:
called_computation_lowered:
.L_overlay_start_0:
0x88: {  	s2 =	sld [smem:$0x3FD9]  }
0x89: {  	s3 =	sld [smem:$0x3FFE];
	_ =	sdelay $0x1  }
0x8a: {  	s1 =	srdreg.scid  }
0x8b: {  	s0 =	sand.u32 $0x1, s1  }
0x8c: {  	s16 =	sshll.u32 s0, $0xA;
	s2 =	sadd.s32 s3, s2  }
0x8d: {  	s2 =	sadd.s32 s2, s16  }
0x8e: {  	[smem:$0x3FC6] =	sst s2  }
0x8f: {  	_ = 	snop  }
0x90: {  	(tm) =	ssettm $0x1  }
0x91: {  	s17 =	sld [smem:$0x3FFB];
	_ =	sdelay $0x3  }
0x92: {  	_ =	strace s17  }
0x93: {  	s2 =	sld [smem:$0x3FFC];
	_ =	sdelay $0x3  }
0x94: {  	_ =	strace s2  }
0x95: {  	s2 =	sld [smem:$0x3FFD];
	_ =	sdelay $0x3  }
0x96: {  	_ =	strace s2  }
0x97: {  	_ =	strace $0x8FFFFFFF  }
0x98: {  	s18 =	sld [smem:$0x3FDB];
	_ =	sdelay $0x1  }
0x99: {  	s19 =	simm.s32 $_scs_section_size  }
0x9a: {  	s4 =	simm.s32 $_size__tile_overlayer_lowered;
	s5 =	simm.s32 $_tile_overlayer_lowered  }
0x9b: {  	s22 =	simm.s32 $0x1BFF;
	s21 =	sshll.u32 s5, $0x1;
	s2 =	sadd.s32 s19, s18  }
0x9c: {  	s6 =	simm.s32 $0x0;
	s20 =	sshll.u32 s4, $0x1;
	s4 =	sadd.s32 s21, s2  }
0x9d: {  	[timem:s6], [sflag:s22] =	dma.local [hbm:s4], s20  }
0x9e: {  	_ =	swait.ge [sflag:s22], s20  }
0x9f: {  	s3 =	ssub.s32 $0x0, s20;
	[sflag:s22] =	ssyncset.done $0x0  }
0xa0: {  	[sflag:s22] =	ssyncadd.s32 s3;
	_ =	sdelay $0x1  }
0xa1: {  	s23 =	simm.s32 $0x1B8B  }
0xa2: {  	_ =	swait.ge [sflag:s23], $0x1  }
0xa3: {  	[sflag:s23] =	ssyncset.done $0x0  }
0xa4: {  	s25 =	simm.s32 $0x1B8E;
	s24 =	sld [smem:$0x3FFE];
	[sflag:s23] =	ssyncadd.s32 $0xFFFFFFFF  }
0xa5: {  	s26 =	simm.s32 $execute0_lowered;
	[smem:$0x3FD2] =	sst s25  }
0xa6: {  	s4 =	sshll.u32 s26, $0x1;
	_ =	strace $0x80000046;
	[dreg:$0x1] =	wrdreg $0xFFFFFFFF  }
0xa7: {  	s28 =	simm.s32 $_size_execute0_lowered;
	s2 =	sadd.s32 s2, s4;
	[dreg:$0x0] =	wrdreg $0x0  }
0xa8: {  	s4 =	sshll.u32 s28, $0x1;
	[dreg:$0x2] =	wrdreg s2  }
0xa9: {  	[dreg:$0x3] =	wrdreg s4  }
0xaa: {  	[dreg:$0x4] =	wrdreg $0xC0  }
0xab: {  	_ =	task [dreg:s6], $0x5FFFF  }
0xac: {  	[dreg:$0x1] =	wrdreg $0xFFFFFFFF  }
0xad: {  	[dreg:$0x0] =	wrdreg $0x60  }
0xae: {  	[dreg:$0x2] =	wrdreg s24  }
0xaf: {  	[dreg:$0x3] =	wrdreg $0x9  }
0xb0: {  	_ =	task.clear_ibuf [dreg:s6], $0x4FFFF;
	_ =	strace $0x90000046  }
0xb1: {  	s29 =	simm.s32 $0x9;
	_ =	strace $0x80000048  }
0xb2: {  	_ =	swait.ge [sflag:s29], $0x1  }
0xb3: {  	[sflag:s29] =	ssyncadd.s32 $0xFFFFFFFF  }
0xb4: {  	_ =	strace $0x90000048  }
0xb5: {  	_ =	sfence  }
0xb6: {  	s30 =	sld [smem:$0x0];
	_ =	sdelay $0x2  }
0xb7: {  	s31 =	sshll.u32 s1, $0xD;
	s1 =	sshrl.u32 s1, $0x2  }
0xb8: {  	s3 =	sand.u32 $0x4000, s31;
	s1 =	sadd.s32 s1, s30  }
0xb9: {  	s0 =	sor.u32 s3, s0;
	s1 =	sshll.u32 s1, $0x11  }
0xba: {  	s0 =	sor.u32 s1, s0  }
0xbb: {  	s0 =	sadd.s32 $0x8F2B, s0  }
0xbc: {  	[sflag:s0] =	ssyncadd.remote.s32 $0x1  }
0xbd: {  	_ =	sfence.sel $0xFFFF  }
0xbe: {  	[dreg:$0x0] =	wrdreg $0xFFFFFFFF;
	(pc) =	sbr.abs _section_cstart, $3  }
0xbf: {  	[dreg:$0x1] =	wrdreg $0xFFFFFFFF  }
0xc0: {  	_ =	task.clear_ibuf [dreg:s6], $0x2FFFF;
	_ =	strace $0x9FFFFFFF  }
0xc1: {  	(tm) =	ssettm $0x7FFFFFFF  }
tec
execute0_lowered:
.L_overlay_start_1:
0x0: {  	(tag) =	ssettag $0x1  }
0x1: {  	s0 =	rddreg [dreg:$0x0]  }
0x2: {  	s15 =	rddreg [dreg:$0x1];
	s2 =	simm.s32 $0x0  }
0x3: {  	s8 =	simm.s32 $0x100;
	[smem:$0x7FF] =	sst s2  }
0x4: {  	s9 =	simm.s32 $0x180;
	_ =	strace $0x80000047;
	[dreg:$0x8] =	wrdreg s8  }
0x5: {  	s1 =	srdreg.scid;
	s10 =	simm.s32 $0x200;
	[dreg:$0x9] =	wrdreg s9  }
0x6: {  	s3 =	stileid.u32;
	s12 =	simm.s32 $0x280;
	[dreg:$0xa] =	wrdreg s10  }
0x7: {  	s13 =	simm.s32 $0x300;
	s14 =	simm.s32 $0x380;
	[dreg:$0xb] =	wrdreg s12  }
0x8: {  	s16 =	simm.s32 $0x400;
	s17 =	simm.s32 $0x480;
	[dreg:$0xc] =	wrdreg s13  }
0x9: {  	s30 =	simm.s32 $0x80;
	s18 =	simm.s32 $0x500;
	[dreg:$0xd] =	wrdreg s14  }
0xa: {  	s31 =	simm.s32 $0x1;
	s19 =	simm.s32 $0x580;
	[dreg:$0xe] =	wrdreg s16  }
0xb: {  	s20 =	simm.s32 $0x600;
	s21 =	simm.s32 $0x680;
	[dreg:$0xf] =	wrdreg s17  }
0xc: {  	s22 =	simm.s32 $0x700;
	s23 =	simm.s32 $0x780;
	[dreg:$0x10] =	wrdreg s18  }
0xd: {  	s24 =	simm.s32 $0x800;
	s25 =	simm.s32 $0x880;
	[dreg:$0x11] =	wrdreg s19  }
0xe: {  	s26 =	simm.s32 $0x900;
	s28 =	simm.s32 $0xB00;
	[dreg:$0x12] =	wrdreg s20  }
0xf: {  	s29 =	simm.s32 $0xB80;
	p0 =	por $0x0, $0x0;
	[dreg:$0x13] =	wrdreg s21  }
0x10: {  	s1 =	sand.u32 $0x1, s1;
	s3 =	sshll.u32 s3, $0x6;
	[dreg:$0x14] =	wrdreg s22  }
0x11: {  	s4 =	sshll.u32 s1, $0x5;
	s1 =	ssub.s32 $0x2, s1;
	[dreg:$0x15] =	wrdreg s23  }
0x12: {  	s8 =	simm.s32 $0x2080;
	s9 =	simm.s32 $0x3080;
	[dreg:$0x16] =	wrdreg s24  }
0x13: {  	s10 =	simm.s32 $0x4080;
	s12 =	simm.s32 $0x6080;
	[dreg:$0x17] =	wrdreg s25  }
0x14: {  	s13 =	simm.s32 $0x7080;
	s14 =	simm.s32 $0x8080;
	[dreg:$0x18] =	wrdreg s26  }
0x15: {  	s24 =	simm.s32 $0x980;
	s25 =	simm.s32 $0xA00;
	s26 =	simm.s32 $0xA80  }
0x16: {  	s16 =	simm.s32 $0xC00;
	s17 =	simm.s32 $0xD00;
	s18 =	simm.s32 $0xD80  }
0x17: {  	s19 =	simm.s32 $0xE00;
	s20 =	simm.s32 $0xE80;
	s21 =	simm.s32 $0xF00  }
0x18: {  	s22 =	simm.s32 $0xF80;
	s3 =	sor.u32 s4, s3;
	s11 =	sshrl.u32 s1, $0x1  }
0x19: {  	s4 =	sshll.u32 s3, $0x4;
	s5 =	sshrl.u32 s3, $0x3;
	s3 =	sshll.u32 s3, $0x9  }
0x1a: {  	s1 =	ssub.s32 s1, s11;
	s4 =	sadd.s32 s4, s0;
	s5 =	sadd.s32 s0, s5  }
0x1b: {  	s3 =	sadd.s32 s3, s0;
	[dreg:$0x2] =	wrdreg s5;
	s4 =	sadd.s32 $0x90200, s4  }
0x1c: {  	s1 =	smax.u32 s1, $0x1;
	s5 =	sadd.s32 $0x10200, s3;
	[dreg:$0x3] =	wrdreg s4  }
0x1d: {  	s6 =	sadd.s32 $0x11200, s3;
	p1 =	sne.s32 s1, $0x1;
	[dreg:$0x4] =	wrdreg s5  }
.Ltmp0:
0x1e: {  	s7 =	sadd.s32 $0x12200, s3;
	[dreg:$0x5] =	wrdreg s6;
	(pc) =	sbr.rel @!p1 .LBB2_1-.Ltmp0, $4  }
0x1f: {  	s23 =	simm.s32 $0x1000;
	s3 =	sadd.s32 $0x13200, s3;
	[dreg:$0x6] =	wrdreg s7  }
0x20: {  	s11 =	simm.s32 $0x5080;
	[dreg:$0x7] =	wrdreg s3;
	s4 =	sadd.s32 $0x200, s0  }
0x21: {  	s3 =	simm.s32 $0x3;
	s6 =	simm.s32 $0x20;
	s5 =	simm.s32 $0x1080  }
0x22: {  	s7 =	simm.s32 $0x2;
	s0 =	sadd.s32 $0xFFFFFFFF, s1;
	s1 =	rddreg [dreg:$0x2]  }
0x23: {  	[tilespmem:s2], [sflag:$0x3] =	stream.linear.gather [hbm4b:s1+s2], $0x20, $0x38;
	[tilespmem:$0x9080] =	vst v63  }
0x24: {  	_ =	swait.ge [sflag:s3], $0x20  }
0x25: {  	[sflag:s3] =	ssyncset.done $0x0  }
0x26: {  	[sflag:s3] =	ssyncadd.s32 $0xFFFFFFE0  }
0x27: {  	[tilespmem:s30], [sflag:$0x1] =	stream.indirect.gather [hbm4b:s4+s6], $0x80, s2, s6, $0xb8;
	[tilespmem:$0x9080] =	vst v63  }
0x28: {  	_ =	swait.ge [sflag:s31], $0x1000  }
0x29: {  	[sflag:s31] =	ssyncset.done $0x0  }
0x2a: {  	s15 =	rddreg [dreg:$0x3];
	[sflag:s31] =	ssyncadd.s32 $0xFFFFF000  }
0x2b: {  	[hbm4b:s15+s2] =	stream.linear.scatter [tilespmem:s30], [sflag:$0x3], $0x1000, $0x38;
	[tilespmem:$0x9080] =	vst v63  }
0x2c: {  	_ =	swait.ge [sflag:s3], $0x1000  }
0x2d: {  	[sflag:s3] =	ssyncset.done $0x0  }
0x2e: {  	[sflag:s3] =	ssyncadd.s32 $0xFFFFF000  }
0x2f: {  	[tilespmem:s5], [sflag:$0x2] =	stream.indirect.gather [hbm4b:s4+s6], $0x80, s30, s6, $0xb8;
	[tilespmem:$0x9080] =	vst v63  }
0x30: {  	s1 =	rddreg [dreg:$0x8]  }
0x31: {  	[tilespmem:s8], [sflag:$0x2] =	stream.indirect.gather [hbm4b:s4+s6], $0x80, s1, s6, $0xb8;
	[tilespmem:$0x9080] =	vst v63  }
0x32: {  	s15 =	smov.u32 s0;
	s0 =	rddreg [dreg:$0x9]  }
0x33: {  	[tilespmem:s9], [sflag:$0x2] =	stream.indirect.gather [hbm4b:s4+s6], $0x80, s0, s6, $0xb8;
	[tilespmem:$0x9080] =	vst v63  }
0x34: {  	s1 =	rddreg [dreg:$0xa]  }
0x35: {  	[tilespmem:s10], [sflag:$0x2] =	stream.indirect.gather [hbm4b:s4+s6], $0x80, s1, s6, $0xb8;
	[tilespmem:$0x9080] =	vst v63  }
0x36: {  	s0 =	rddreg [dreg:$0xb]  }
0x37: {  	[tilespmem:s11], [sflag:$0x2] =	stream.indirect.gather [hbm4b:s4+s6], $0x80, s0, s6, $0xb8;
	[tilespmem:$0x9080] =	vst v63  }
0x38: {  	s1 =	rddreg [dreg:$0xc]  }
0x39: {  	[tilespmem:s12], [sflag:$0x2] =	stream.indirect.gather [hbm4b:s4+s6], $0x80, s1, s6, $0xb8;
	[tilespmem:$0x9080] =	vst v63  }
0x3a: {  	s0 =	rddreg [dreg:$0xd]  }
0x3b: {  	[tilespmem:s13], [sflag:$0x2] =	stream.indirect.gather [hbm4b:s4+s6], $0x80, s0, s6, $0xb8;
	[tilespmem:$0x9080] =	vst v63  }
0x3c: {  	s1 =	rddreg [dreg:$0xe]  }
0x3d: {  	[tilespmem:s14], [sflag:$0x2] =	stream.indirect.gather [hbm4b:s4+s6], $0x80, s1, s6, $0xb8;
	[tilespmem:$0x9080] =	vst v63  }
0x3e: {  	_ =	swait.ge [sflag:s7], $0x1000  }
0x3f: {  	[sflag:s7] =	ssyncset.done $0x0  }
0x40: {  	[sflag:s7] =	ssyncadd.s32 $0xFFFFF000  }
0x41: {  	_ =	swait.ge [sflag:s7], $0x1000  }
0x42: {  	[sflag:s7] =	ssyncset.done $0x0  }
0x43: {  	[sflag:s7] =	ssyncadd.s32 $0xFFFFF000  }
0x44: {  	_ =	swait.ge [sflag:s7], $0x1000  }
0x45: {  	[sflag:s7] =	ssyncset.done $0x0  }
0x46: {  	[sflag:s7] =	ssyncadd.s32 $0xFFFFF000  }
0x47: {  	_ =	swait.ge [sflag:s7], $0x1000  }
0x48: {  	[sflag:s7] =	ssyncset.done $0x0  }
0x49: {  	[sflag:s7] =	ssyncadd.s32 $0xFFFFF000  }
0x4a: {  	_ =	swait.ge [sflag:s7], $0x1000  }
0x4b: {  	[sflag:s7] =	ssyncset.done $0x0  }
0x4c: {  	[sflag:s7] =	ssyncadd.s32 $0xFFFFF000  }
0x4d: {  	_ =	swait.ge [sflag:s7], $0x1000  }
0x4e: {  	[sflag:s7] =	ssyncset.done $0x0  }
0x4f: {  	[sflag:s7] =	ssyncadd.s32 $0xFFFFF000  }
0x50: {  	_ =	swait.ge [sflag:s7], $0x1000  }
0x51: {  	[sflag:s7] =	ssyncset.done $0x0  }
0x52: {  	[sflag:s7] =	ssyncadd.s32 $0xFFFFF000  }
0x53: {  	_ =	swait.ge [sflag:s7], $0x1000  }
0x54: {  	[sflag:s7] =	ssyncset.done $0x0  }
0x55: {  	s1 =	rddreg [dreg:$0x4];
	[sflag:s7] =	ssyncadd.s32 $0xFFFFF000  }
0x56: {  	[hbm4b:s1+s2] =	stream.linear.scatter [tilespmem:s5], [sflag:$0x3], $0x8000, $0x38;
	[tilespmem:$0x9080] =	vst v63  }
0x57: {  	_ =	swait.ge [sflag:s3], $0x8000  }
0x58: {  	[sflag:s3] =	ssyncset.done $0x0  }
0x59: {  	s0 =	rddreg [dreg:$0xf];
	[sflag:s3] =	ssyncadd.s32 $0xFFFF8000  }
0x5a: {  	[tilespmem:s5], [sflag:$0x2] =	stream.indirect.gather [hbm4b:s4+s6], $0x80, s0, s6, $0xb8;
	[tilespmem:$0x9080] =	vst v63  }
0x5b: {  	s1 =	rddreg [dreg:$0x10]  }
0x5c: {  	[tilespmem:s8], [sflag:$0x2] =	stream.indirect.gather [hbm4b:s4+s6], $0x80, s1, s6, $0xb8;
	[tilespmem:$0x9080] =	vst v63  }
0x5d: {  	s0 =	rddreg [dreg:$0x11]  }
0x5e: {  	[tilespmem:s9], [sflag:$0x2] =	stream.indirect.gather [hbm4b:s4+s6], $0x80, s0, s6, $0xb8;
	[tilespmem:$0x9080] =	vst v63  }
0x5f: {  	s1 =	rddreg [dreg:$0x12]  }
0x60: {  	[tilespmem:s10], [sflag:$0x2] =	stream.indirect.gather [hbm4b:s4+s6], $0x80, s1, s6, $0xb8;
	[tilespmem:$0x9080] =	vst v63  }
0x61: {  	s0 =	rddreg [dreg:$0x13]  }
0x62: {  	[tilespmem:s11], [sflag:$0x2] =	stream.indirect.gather [hbm4b:s4+s6], $0x80, s0, s6, $0xb8;
	[tilespmem:$0x9080] =	vst v63  }
0x63: {  	s1 =	rddreg [dreg:$0x14]  }
0x64: {  	[tilespmem:s12], [sflag:$0x2] =	stream.indirect.gather [hbm4b:s4+s6], $0x80, s1, s6, $0xb8;
	[tilespmem:$0x9080] =	vst v63  }
0x65: {  	s0 =	rddreg [dreg:$0x15]  }
0x66: {  	[tilespmem:s13], [sflag:$0x2] =	stream.indirect.gather [hbm4b:s4+s6], $0x80, s0, s6, $0xb8;
	[tilespmem:$0x9080] =	vst v63  }
0x67: {  	s1 =	rddreg [dreg:$0x16]  }
0x68: {  	[tilespmem:s14], [sflag:$0x2] =	stream.indirect.gather [hbm4b:s4+s6], $0x80, s1, s6, $0xb8;
	[tilespmem:$0x9080] =	vst v63  }
0x69: {  	_ =	swait.ge [sflag:s7], $0x1000  }
0x6a: {  	[sflag:s7] =	ssyncset.done $0x0  }
0x6b: {  	[sflag:s7] =	ssyncadd.s32 $0xFFFFF000  }
0x6c: {  	_ =	swait.ge [sflag:s7], $0x1000  }
0x6d: {  	[sflag:s7] =	ssyncset.done $0x0  }
0x6e: {  	[sflag:s7] =	ssyncadd.s32 $0xFFFFF000  }
0x6f: {  	_ =	swait.ge [sflag:s7], $0x1000  }
0x70: {  	[sflag:s7] =	ssyncset.done $0x0  }
0x71: {  	[sflag:s7] =	ssyncadd.s32 $0xFFFFF000  }
0x72: {  	_ =	swait.ge [sflag:s7], $0x1000  }
0x73: {  	[sflag:s7] =	ssyncset.done $0x0  }
0x74: {  	[sflag:s7] =	ssyncadd.s32 $0xFFFFF000  }
0x75: {  	_ =	swait.ge [sflag:s7], $0x1000  }
0x76: {  	[sflag:s7] =	ssyncset.done $0x0  }
0x77: {  	[sflag:s7] =	ssyncadd.s32 $0xFFFFF000  }
0x78: {  	_ =	swait.ge [sflag:s7], $0x1000  }
0x79: {  	[sflag:s7] =	ssyncset.done $0x0  }
0x7a: {  	[sflag:s7] =	ssyncadd.s32 $0xFFFFF000  }
0x7b: {  	_ =	swait.ge [sflag:s7], $0x1000  }
0x7c: {  	[sflag:s7] =	ssyncset.done $0x0  }
0x7d: {  	[sflag:s7] =	ssyncadd.s32 $0xFFFFF000  }
0x7e: {  	_ =	swait.ge [sflag:s7], $0x1000  }
0x7f: {  	[sflag:s7] =	ssyncset.done $0x0  }
0x80: {  	s1 =	rddreg [dreg:$0x5];
	[sflag:s7] =	ssyncadd.s32 $0xFFFFF000  }
0x81: {  	[hbm4b:s1+s2] =	stream.linear.scatter [tilespmem:s5], [sflag:$0x3], $0x8000, $0x38;
	[tilespmem:$0x9080] =	vst v63  }
0x82: {  	_ =	swait.ge [sflag:s3], $0x8000  }
0x83: {  	[sflag:s3] =	ssyncset.done $0x0  }
0x84: {  	s0 =	rddreg [dreg:$0x17];
	[sflag:s3] =	ssyncadd.s32 $0xFFFF8000  }
0x85: {  	[tilespmem:s5], [sflag:$0x2] =	stream.indirect.gather [hbm4b:s4+s6], $0x80, s0, s6, $0xb8;
	[tilespmem:$0x9080] =	vst v63  }
0x86: {  	s1 =	rddreg [dreg:$0x18]  }
0x87: {  	[tilespmem:s8], [sflag:$0x2] =	stream.indirect.gather [hbm4b:s4+s6], $0x80, s1, s6, $0xb8;
	[tilespmem:$0x9080] =	vst v63  }
0x88: {  	_ = 	snop  }
0x89: {  	[tilespmem:s9], [sflag:$0x2] =	stream.indirect.gather [hbm4b:s4+s6], $0x80, s24, s6, $0xb8;
	[tilespmem:$0x9080] =	vst v63  }
0x8a: {  	_ = 	snop  }
0x8b: {  	[tilespmem:s10], [sflag:$0x2] =	stream.indirect.gather [hbm4b:s4+s6], $0x80, s25, s6, $0xb8;
	[tilespmem:$0x9080] =	vst v63  }
0x8c: {  	_ = 	snop  }
0x8d: {  	[tilespmem:s11], [sflag:$0x2] =	stream.indirect.gather [hbm4b:s4+s6], $0x80, s26, s6, $0xb8;
	[tilespmem:$0x9080] =	vst v63  }
0x8e: {  	_ = 	snop  }
0x8f: {  	[tilespmem:s12], [sflag:$0x2] =	stream.indirect.gather [hbm4b:s4+s6], $0x80, s28, s6, $0xb8;
	[tilespmem:$0x9080] =	vst v63  }
0x90: {  	_ = 	snop  }
0x91: {  	[tilespmem:s13], [sflag:$0x2] =	stream.indirect.gather [hbm4b:s4+s6], $0x80, s29, s6, $0xb8;
	[tilespmem:$0x9080] =	vst v63  }
0x92: {  	_ = 	snop  }
0x93: {  	[tilespmem:s14], [sflag:$0x2] =	stream.indirect.gather [hbm4b:s4+s6], $0x80, s16, s6, $0xb8;
	[tilespmem:$0x9080] =	vst v63  }
0x94: {  	_ =	swait.ge [sflag:s7], $0x1000  }
0x95: {  	[sflag:s7] =	ssyncset.done $0x0  }
0x96: {  	[sflag:s7] =	ssyncadd.s32 $0xFFFFF000  }
0x97: {  	_ =	swait.ge [sflag:s7], $0x1000  }
0x98: {  	[sflag:s7] =	ssyncset.done $0x0  }
0x99: {  	[sflag:s7] =	ssyncadd.s32 $0xFFFFF000  }
0x9a: {  	_ =	swait.ge [sflag:s7], $0x1000  }
0x9b: {  	[sflag:s7] =	ssyncset.done $0x0  }
0x9c: {  	[sflag:s7] =	ssyncadd.s32 $0xFFFFF000  }
0x9d: {  	_ =	swait.ge [sflag:s7], $0x1000  }
0x9e: {  	[sflag:s7] =	ssyncset.done $0x0  }
0x9f: {  	[sflag:s7] =	ssyncadd.s32 $0xFFFFF000  }
0xa0: {  	_ =	swait.ge [sflag:s7], $0x1000  }
0xa1: {  	[sflag:s7] =	ssyncset.done $0x0  }
0xa2: {  	[sflag:s7] =	ssyncadd.s32 $0xFFFFF000  }
0xa3: {  	_ =	swait.ge [sflag:s7], $0x1000  }
0xa4: {  	[sflag:s7] =	ssyncset.done $0x0  }
0xa5: {  	[sflag:s7] =	ssyncadd.s32 $0xFFFFF000  }
0xa6: {  	_ =	swait.ge [sflag:s7], $0x1000  }
0xa7: {  	[sflag:s7] =	ssyncset.done $0x0  }
0xa8: {  	[sflag:s7] =	ssyncadd.s32 $0xFFFFF000  }
0xa9: {  	_ =	swait.ge [sflag:s7], $0x1000  }
0xaa: {  	[sflag:s7] =	ssyncset.done $0x0  }
0xab: {  	s1 =	rddreg [dreg:$0x6];
	[sflag:s7] =	ssyncadd.s32 $0xFFFFF000  }
0xac: {  	[hbm4b:s1+s2] =	stream.linear.scatter [tilespmem:s5], [sflag:$0x3], $0x8000, $0x38;
	[tilespmem:$0x9080] =	vst v63  }
0xad: {  	_ =	swait.ge [sflag:s3], $0x8000  }
0xae: {  	[sflag:s3] =	ssyncset.done $0x0  }
0xaf: {  	s1 =	simm.s32 $0xC80;
	[sflag:s3] =	ssyncadd.s32 $0xFFFF8000  }
0xb0: {  	[tilespmem:s5], [sflag:$0x2] =	stream.indirect.gather [hbm4b:s4+s6], $0x80, s1, s6, $0xb8;
	[tilespmem:$0x9080] =	vst v63  }
0xb1: {  	_ = 	snop  }
0xb2: {  	[tilespmem:s8], [sflag:$0x2] =	stream.indirect.gather [hbm4b:s4+s6], $0x80, s17, s6, $0xb8;
	[tilespmem:$0x9080] =	vst v63  }
0xb3: {  	_ = 	snop  }
0xb4: {  	[tilespmem:s9], [sflag:$0x2] =	stream.indirect.gather [hbm4b:s4+s6], $0x80, s18, s6, $0xb8;
	[tilespmem:$0x9080] =	vst v63  }
0xb5: {  	_ = 	snop  }
0xb6: {  	[tilespmem:s10], [sflag:$0x2] =	stream.indirect.gather [hbm4b:s4+s6], $0x80, s19, s6, $0xb8;
	[tilespmem:$0x9080] =	vst v63  }
0xb7: {  	_ = 	snop  }
0xb8: {  	[tilespmem:s11], [sflag:$0x2] =	stream.indirect.gather [hbm4b:s4+s6], $0x80, s20, s6, $0xb8;
	[tilespmem:$0x9080] =	vst v63  }
0xb9: {  	_ = 	snop  }
0xba: {  	[tilespmem:s12], [sflag:$0x2] =	stream.indirect.gather [hbm4b:s4+s6], $0x80, s21, s6, $0xb8;
	[tilespmem:$0x9080] =	vst v63  }
0xbb: {  	_ = 	snop  }
0xbc: {  	[tilespmem:s13], [sflag:$0x2] =	stream.indirect.gather [hbm4b:s4+s6], $0x80, s22, s6, $0xb8;
	[tilespmem:$0x9080] =	vst v63  }
0xbd: {  	_ = 	snop  }
0xbe: {  	[tilespmem:s14], [sflag:$0x2] =	stream.indirect.gather [hbm4b:s4+s6], $0x80, s23, s6, $0xb8;
	[tilespmem:$0x9080] =	vst v63  }
0xbf: {  	_ =	swait.ge [sflag:s7], $0x1000  }
0xc0: {  	[sflag:s7] =	ssyncset.done $0x0  }
0xc1: {  	[sflag:s7] =	ssyncadd.s32 $0xFFFFF000  }
0xc2: {  	_ =	swait.ge [sflag:s7], $0x1000  }
0xc3: {  	[sflag:s7] =	ssyncset.done $0x0  }
0xc4: {  	[sflag:s7] =	ssyncadd.s32 $0xFFFFF000  }
0xc5: {  	_ =	swait.ge [sflag:s7], $0x1000  }
0xc6: {  	[sflag:s7] =	ssyncset.done $0x0  }
0xc7: {  	[sflag:s7] =	ssyncadd.s32 $0xFFFFF000  }
0xc8: {  	_ =	swait.ge [sflag:s7], $0x1000  }
0xc9: {  	[sflag:s7] =	ssyncset.done $0x0  }
0xca: {  	[sflag:s7] =	ssyncadd.s32 $0xFFFFF000  }
0xcb: {  	_ =	swait.ge [sflag:s7], $0x1000  }
0xcc: {  	[sflag:s7] =	ssyncset.done $0x0  }
0xcd: {  	[sflag:s7] =	ssyncadd.s32 $0xFFFFF000  }
0xce: {  	_ =	swait.ge [sflag:s7], $0x1000  }
0xcf: {  	[sflag:s7] =	ssyncset.done $0x0  }
0xd0: {  	[sflag:s7] =	ssyncadd.s32 $0xFFFFF000  }
0xd1: {  	_ =	swait.ge [sflag:s7], $0x1000  }
0xd2: {  	[sflag:s7] =	ssyncset.done $0x0  }
0xd3: {  	[sflag:s7] =	ssyncadd.s32 $0xFFFFF000  }
0xd4: {  	p1 =	sne.s32 s15, $0x1;
	_ =	swait.ge [sflag:s7], $0x1000  }
.Ltmp1:
0xd5: {  	[sflag:s7] =	ssyncset.done $0x0;
	(pc) =	sbr.rel @!p1 .LBB2_3-.Ltmp1, $4  }
0xd6: {  	s1 =	rddreg [dreg:$0x7];
	[sflag:s7] =	ssyncadd.s32 $0xFFFFF000  }
0xd7: {  	[hbm4b:s1+s2] =	stream.linear.scatter [tilespmem:s5], [sflag:$0x3], $0x8000, $0x38;
	[tilespmem:$0x9080] =	vst v63  }
0xd8: {  	p0 =	por $0x1, $0x1;
	_ =	swait.ge [sflag:s3], $0x8000  }
0xd9: {  	s0 =	sadd.s32 $0xFFFFFFFF, s15;
	s1 =	rddreg [dreg:$0x2];
	[sflag:s3] =	ssyncset.done $0x0  }
.LBB2_4:
0xda: {  	[sflag:s3] =	ssyncadd.s32 $0xFFFF8000  }
0xdb: {  	[tilespmem:s2], [sflag:$0x3] =	stream.linear.gather [hbm4b:s1+s2], $0x20, $0x38;
	[tilespmem:$0x9080] =	vst v63  }
0xdc: {  	_ =	swait.ge [sflag:s3], $0x20  }
0xdd: {  	[sflag:s3] =	ssyncset.done $0x0  }
0xde: {  	[sflag:s3] =	ssyncadd.s32 $0xFFFFFFE0  }
0xdf: {  	[tilespmem:s30], [sflag:$0x1] =	stream.indirect.gather [hbm4b:s4+s6], $0x80, s2, s6, $0xb8;
	[tilespmem:$0x9080] =	vst v63  }
0xe0: {  	_ =	swait.ge [sflag:s31], $0x1000  }
0xe1: {  	[sflag:s31] =	ssyncset.done $0x0  }
0xe2: {  	s15 =	rddreg [dreg:$0x3];
	[sflag:s31] =	ssyncadd.s32 $0xFFFFF000  }
0xe3: {  	[hbm4b:s15+s2] =	stream.linear.scatter [tilespmem:s30], [sflag:$0x3], $0x1000, $0x38;
	[tilespmem:$0x9080] =	vst v63  }
0xe4: {  	_ =	swait.ge [sflag:s3], $0x1000  }
0xe5: {  	[sflag:s3] =	ssyncset.done $0x0  }
0xe6: {  	[sflag:s3] =	ssyncadd.s32 $0xFFFFF000  }
0xe7: {  	[tilespmem:s5], [sflag:$0x2] =	stream.indirect.gather [hbm4b:s4+s6], $0x80, s30, s6, $0xb8;
	[tilespmem:$0x9080] =	vst v63  }
0xe8: {  	s1 =	rddreg [dreg:$0x8]  }
0xe9: {  	[tilespmem:s8], [sflag:$0x2] =	stream.indirect.gather [hbm4b:s4+s6], $0x80, s1, s6, $0xb8;
	[tilespmem:$0x9080] =	vst v63  }
0xea: {  	s15 =	rddreg [dreg:$0x9]  }
0xeb: {  	[tilespmem:s9], [sflag:$0x2] =	stream.indirect.gather [hbm4b:s4+s6], $0x80, s15, s6, $0xb8;
	[tilespmem:$0x9080] =	vst v63  }
0xec: {  	s1 =	rddreg [dreg:$0xa]  }
0xed: {  	[tilespmem:s10], [sflag:$0x2] =	stream.indirect.gather [hbm4b:s4+s6], $0x80, s1, s6, $0xb8;
	[tilespmem:$0x9080] =	vst v63  }
0xee: {  	s15 =	rddreg [dreg:$0xb]  }
0xef: {  	[tilespmem:s11], [sflag:$0x2] =	stream.indirect.gather [hbm4b:s4+s6], $0x80, s15, s6, $0xb8;
	[tilespmem:$0x9080] =	vst v63  }
0xf0: {  	s1 =	rddreg [dreg:$0xc]  }
0xf1: {  	[tilespmem:s12], [sflag:$0x2] =	stream.indirect.gather [hbm4b:s4+s6], $0x80, s1, s6, $0xb8;
	[tilespmem:$0x9080] =	vst v63  }
0xf2: {  	s15 =	rddreg [dreg:$0xd]  }
0xf3: {  	[tilespmem:s13], [sflag:$0x2] =	stream.indirect.gather [hbm4b:s4+s6], $0x80, s15, s6, $0xb8;
	[tilespmem:$0x9080] =	vst v63  }
0xf4: {  	s1 =	rddreg [dreg:$0xe]  }
0xf5: {  	[tilespmem:s14], [sflag:$0x2] =	stream.indirect.gather [hbm4b:s4+s6], $0x80, s1, s6, $0xb8;
	[tilespmem:$0x9080] =	vst v63  }
0xf6: {  	_ =	swait.ge [sflag:s7], $0x1000  }
0xf7: {  	[sflag:s7] =	ssyncset.done $0x0  }
0xf8: {  	[sflag:s7] =	ssyncadd.s32 $0xFFFFF000  }
0xf9: {  	_ =	swait.ge [sflag:s7], $0x1000  }
0xfa: {  	[sflag:s7] =	ssyncset.done $0x0  }
0xfb: {  	[sflag:s7] =	ssyncadd.s32 $0xFFFFF000  }
0xfc: {  	_ =	swait.ge [sflag:s7], $0x1000  }
0xfd: {  	[sflag:s7] =	ssyncset.done $0x0  }
0xfe: {  	[sflag:s7] =	ssyncadd.s32 $0xFFFFF000  }
0xff: {  	_ =	swait.ge [sflag:s7], $0x1000  }
0x100: {  	[sflag:s7] =	ssyncset.done $0x0  }
0x101: {  	[sflag:s7] =	ssyncadd.s32 $0xFFFFF000  }
0x102: {  	_ =	swait.ge [sflag:s7], $0x1000  }
0x103: {  	[sflag:s7] =	ssyncset.done $0x0  }
0x104: {  	[sflag:s7] =	ssyncadd.s32 $0xFFFFF000  }
0x105: {  	_ =	swait.ge [sflag:s7], $0x1000  }
0x106: {  	[sflag:s7] =	ssyncset.done $0x0  }
0x107: {  	[sflag:s7] =	ssyncadd.s32 $0xFFFFF000  }
0x108: {  	_ =	swait.ge [sflag:s7], $0x1000  }
0x109: {  	[sflag:s7] =	ssyncset.done $0x0  }
0x10a: {  	[sflag:s7] =	ssyncadd.s32 $0xFFFFF000  }
0x10b: {  	_ =	swait.ge [sflag:s7], $0x1000  }
0x10c: {  	[sflag:s7] =	ssyncset.done $0x0  }
0x10d: {  	s15 =	rddreg [dreg:$0x4];
	[sflag:s7] =	ssyncadd.s32 $0xFFFFF000  }
0x10e: {  	[hbm4b:s15+s2] =	stream.linear.scatter [tilespmem:s5], [sflag:$0x3], $0x8000, $0x38;
	[tilespmem:$0x9080] =	vst v63  }
0x10f: {  	_ =	swait.ge [sflag:s3], $0x8000  }
0x110: {  	[sflag:s3] =	ssyncset.done $0x0  }
0x111: {  	s1 =	rddreg [dreg:$0xf];
	[sflag:s3] =	ssyncadd.s32 $0xFFFF8000  }
0x112: {  	[tilespmem:s5], [sflag:$0x2] =	stream.indirect.gather [hbm4b:s4+s6], $0x80, s1, s6, $0xb8;
	[tilespmem:$0x9080] =	vst v63  }
0x113: {  	s15 =	rddreg [dreg:$0x10]  }
0x114: {  	[tilespmem:s8], [sflag:$0x2] =	stream.indirect.gather [hbm4b:s4+s6], $0x80, s15, s6, $0xb8;
	[tilespmem:$0x9080] =	vst v63  }
0x115: {  	s1 =	rddreg [dreg:$0x11]  }
0x116: {  	[tilespmem:s9], [sflag:$0x2] =	stream.indirect.gather [hbm4b:s4+s6], $0x80, s1, s6, $0xb8;
	[tilespmem:$0x9080] =	vst v63  }
0x117: {  	s15 =	rddreg [dreg:$0x12]  }
0x118: {  	[tilespmem:s10], [sflag:$0x2] =	stream.indirect.gather [hbm4b:s4+s6], $0x80, s15, s6, $0xb8;
	[tilespmem:$0x9080] =	vst v63  }
0x119: {  	s1 =	rddreg [dreg:$0x13]  }
0x11a: {  	[tilespmem:s11], [sflag:$0x2] =	stream.indirect.gather [hbm4b:s4+s6], $0x80, s1, s6, $0xb8;
	[tilespmem:$0x9080] =	vst v63  }
0x11b: {  	s15 =	rddreg [dreg:$0x14]  }
0x11c: {  	[tilespmem:s12], [sflag:$0x2] =	stream.indirect.gather [hbm4b:s4+s6], $0x80, s15, s6, $0xb8;
	[tilespmem:$0x9080] =	vst v63  }
0x11d: {  	s1 =	rddreg [dreg:$0x15]  }
0x11e: {  	[tilespmem:s13], [sflag:$0x2] =	stream.indirect.gather [hbm4b:s4+s6], $0x80, s1, s6, $0xb8;
	[tilespmem:$0x9080] =	vst v63  }
0x11f: {  	s15 =	rddreg [dreg:$0x16]  }
0x120: {  	[tilespmem:s14], [sflag:$0x2] =	stream.indirect.gather [hbm4b:s4+s6], $0x80, s15, s6, $0xb8;
	[tilespmem:$0x9080] =	vst v63  }
0x121: {  	_ =	swait.ge [sflag:s7], $0x1000  }
0x122: {  	[sflag:s7] =	ssyncset.done $0x0  }
0x123: {  	[sflag:s7] =	ssyncadd.s32 $0xFFFFF000  }
0x124: {  	_ =	swait.ge [sflag:s7], $0x1000  }
0x125: {  	[sflag:s7] =	ssyncset.done $0x0  }
0x126: {  	[sflag:s7] =	ssyncadd.s32 $0xFFFFF000  }
0x127: {  	_ =	swait.ge [sflag:s7], $0x1000  }
0x128: {  	[sflag:s7] =	ssyncset.done $0x0  }
0x129: {  	[sflag:s7] =	ssyncadd.s32 $0xFFFFF000  }
0x12a: {  	_ =	swait.ge [sflag:s7], $0x1000  }
0x12b: {  	[sflag:s7] =	ssyncset.done $0x0  }
0x12c: {  	[sflag:s7] =	ssyncadd.s32 $0xFFFFF000  }
0x12d: {  	_ =	swait.ge [sflag:s7], $0x1000  }
0x12e: {  	[sflag:s7] =	ssyncset.done $0x0  }
0x12f: {  	[sflag:s7] =	ssyncadd.s32 $0xFFFFF000  }
0x130: {  	_ =	swait.ge [sflag:s7], $0x1000  }
0x131: {  	[sflag:s7] =	ssyncset.done $0x0  }
0x132: {  	[sflag:s7] =	ssyncadd.s32 $0xFFFFF000  }
0x133: {  	_ =	swait.ge [sflag:s7], $0x1000  }
0x134: {  	[sflag:s7] =	ssyncset.done $0x0  }
0x135: {  	[sflag:s7] =	ssyncadd.s32 $0xFFFFF000  }
0x136: {  	_ =	swait.ge [sflag:s7], $0x1000  }
0x137: {  	[sflag:s7] =	ssyncset.done $0x0  }
0x138: {  	s15 =	rddreg [dreg:$0x5];
	[sflag:s7] =	ssyncadd.s32 $0xFFFFF000  }
0x139: {  	[hbm4b:s15+s2] =	stream.linear.scatter [tilespmem:s5], [sflag:$0x3], $0x8000, $0x38;
	[tilespmem:$0x9080] =	vst v63  }
0x13a: {  	_ =	swait.ge [sflag:s3], $0x8000  }
0x13b: {  	[sflag:s3] =	ssyncset.done $0x0  }
0x13c: {  	s1 =	rddreg [dreg:$0x17];
	[sflag:s3] =	ssyncadd.s32 $0xFFFF8000  }
0x13d: {  	[tilespmem:s5], [sflag:$0x2] =	stream.indirect.gather [hbm4b:s4+s6], $0x80, s1, s6, $0xb8;
	[tilespmem:$0x9080] =	vst v63  }
0x13e: {  	s15 =	rddreg [dreg:$0x18]  }
0x13f: {  	[tilespmem:s8], [sflag:$0x2] =	stream.indirect.gather [hbm4b:s4+s6], $0x80, s15, s6, $0xb8;
	[tilespmem:$0x9080] =	vst v63  }
0x140: {  	_ = 	snop  }
0x141: {  	[tilespmem:s9], [sflag:$0x2] =	stream.indirect.gather [hbm4b:s4+s6], $0x80, s24, s6, $0xb8;
	[tilespmem:$0x9080] =	vst v63  }
0x142: {  	_ = 	snop  }
0x143: {  	[tilespmem:s10], [sflag:$0x2] =	stream.indirect.gather [hbm4b:s4+s6], $0x80, s25, s6, $0xb8;
	[tilespmem:$0x9080] =	vst v63  }
0x144: {  	_ = 	snop  }
0x145: {  	[tilespmem:s11], [sflag:$0x2] =	stream.indirect.gather [hbm4b:s4+s6], $0x80, s26, s6, $0xb8;
	[tilespmem:$0x9080] =	vst v63  }
0x146: {  	_ = 	snop  }
0x147: {  	[tilespmem:s12], [sflag:$0x2] =	stream.indirect.gather [hbm4b:s4+s6], $0x80, s28, s6, $0xb8;
	[tilespmem:$0x9080] =	vst v63  }
0x148: {  	_ = 	snop  }
0x149: {  	[tilespmem:s13], [sflag:$0x2] =	stream.indirect.gather [hbm4b:s4+s6], $0x80, s29, s6, $0xb8;
	[tilespmem:$0x9080] =	vst v63  }
0x14a: {  	_ = 	snop  }
0x14b: {  	[tilespmem:s14], [sflag:$0x2] =	stream.indirect.gather [hbm4b:s4+s6], $0x80, s16, s6, $0xb8;
	[tilespmem:$0x9080] =	vst v63  }
0x14c: {  	_ =	swait.ge [sflag:s7], $0x1000  }
0x14d: {  	[sflag:s7] =	ssyncset.done $0x0  }
0x14e: {  	[sflag:s7] =	ssyncadd.s32 $0xFFFFF000  }
0x14f: {  	_ =	swait.ge [sflag:s7], $0x1000  }
0x150: {  	[sflag:s7] =	ssyncset.done $0x0  }
0x151: {  	[sflag:s7] =	ssyncadd.s32 $0xFFFFF000  }
0x152: {  	_ =	swait.ge [sflag:s7], $0x1000  }
0x153: {  	[sflag:s7] =	ssyncset.done $0x0  }
0x154: {  	[sflag:s7] =	ssyncadd.s32 $0xFFFFF000  }
0x155: {  	_ =	swait.ge [sflag:s7], $0x1000  }
0x156: {  	[sflag:s7] =	ssyncset.done $0x0  }
0x157: {  	[sflag:s7] =	ssyncadd.s32 $0xFFFFF000  }
0x158: {  	_ =	swait.ge [sflag:s7], $0x1000  }
0x159: {  	[sflag:s7] =	ssyncset.done $0x0  }
0x15a: {  	[sflag:s7] =	ssyncadd.s32 $0xFFFFF000  }
0x15b: {  	_ =	swait.ge [sflag:s7], $0x1000  }
0x15c: {  	[sflag:s7] =	ssyncset.done $0x0  }
0x15d: {  	[sflag:s7] =	ssyncadd.s32 $0xFFFFF000  }
0x15e: {  	_ =	swait.ge [sflag:s7], $0x1000  }
0x15f: {  	[sflag:s7] =	ssyncset.done $0x0  }
0x160: {  	[sflag:s7] =	ssyncadd.s32 $0xFFFFF000  }
0x161: {  	_ =	swait.ge [sflag:s7], $0x1000  }
0x162: {  	[sflag:s7] =	ssyncset.done $0x0  }
0x163: {  	s15 =	rddreg [dreg:$0x6];
	[sflag:s7] =	ssyncadd.s32 $0xFFFFF000  }
0x164: {  	[hbm4b:s15+s2] =	stream.linear.scatter [tilespmem:s5], [sflag:$0x3], $0x8000, $0x38;
	[tilespmem:$0x9080] =	vst v63  }
0x165: {  	_ =	swait.ge [sflag:s3], $0x8000  }
0x166: {  	[sflag:s3] =	ssyncset.done $0x0  }
0x167: {  	s15 =	simm.s32 $0xC80;
	[sflag:s3] =	ssyncadd.s32 $0xFFFF8000  }
0x168: {  	[tilespmem:s5], [sflag:$0x2] =	stream.indirect.gather [hbm4b:s4+s6], $0x80, s15, s6, $0xb8;
	[tilespmem:$0x9080] =	vst v63  }
0x169: {  	_ = 	snop  }
0x16a: {  	[tilespmem:s8], [sflag:$0x2] =	stream.indirect.gather [hbm4b:s4+s6], $0x80, s17, s6, $0xb8;
	[tilespmem:$0x9080] =	vst v63  }
0x16b: {  	_ = 	snop  }
0x16c: {  	[tilespmem:s9], [sflag:$0x2] =	stream.indirect.gather [hbm4b:s4+s6], $0x80, s18, s6, $0xb8;
	[tilespmem:$0x9080] =	vst v63  }
0x16d: {  	_ = 	snop  }
0x16e: {  	[tilespmem:s10], [sflag:$0x2] =	stream.indirect.gather [hbm4b:s4+s6], $0x80, s19, s6, $0xb8;
	[tilespmem:$0x9080] =	vst v63  }
0x16f: {  	_ = 	snop  }
0x170: {  	[tilespmem:s11], [sflag:$0x2] =	stream.indirect.gather [hbm4b:s4+s6], $0x80, s20, s6, $0xb8;
	[tilespmem:$0x9080] =	vst v63  }
0x171: {  	_ = 	snop  }
0x172: {  	[tilespmem:s12], [sflag:$0x2] =	stream.indirect.gather [hbm4b:s4+s6], $0x80, s21, s6, $0xb8;
	[tilespmem:$0x9080] =	vst v63  }
0x173: {  	_ = 	snop  }
0x174: {  	[tilespmem:s13], [sflag:$0x2] =	stream.indirect.gather [hbm4b:s4+s6], $0x80, s22, s6, $0xb8;
	[tilespmem:$0x9080] =	vst v63  }
0x175: {  	_ = 	snop  }
0x176: {  	[tilespmem:s14], [sflag:$0x2] =	stream.indirect.gather [hbm4b:s4+s6], $0x80, s23, s6, $0xb8;
	[tilespmem:$0x9080] =	vst v63  }
0x177: {  	_ =	swait.ge [sflag:s7], $0x1000  }
0x178: {  	[sflag:s7] =	ssyncset.done $0x0  }
0x179: {  	[sflag:s7] =	ssyncadd.s32 $0xFFFFF000  }
0x17a: {  	_ =	swait.ge [sflag:s7], $0x1000  }
0x17b: {  	[sflag:s7] =	ssyncset.done $0x0  }
0x17c: {  	[sflag:s7] =	ssyncadd.s32 $0xFFFFF000  }
0x17d: {  	_ =	swait.ge [sflag:s7], $0x1000  }
0x17e: {  	[sflag:s7] =	ssyncset.done $0x0  }
0x17f: {  	[sflag:s7] =	ssyncadd.s32 $0xFFFFF000  }
0x180: {  	_ =	swait.ge [sflag:s7], $0x1000  }
0x181: {  	[sflag:s7] =	ssyncset.done $0x0  }
0x182: {  	[sflag:s7] =	ssyncadd.s32 $0xFFFFF000  }
0x183: {  	_ =	swait.ge [sflag:s7], $0x1000  }
0x184: {  	[sflag:s7] =	ssyncset.done $0x0  }
0x185: {  	[sflag:s7] =	ssyncadd.s32 $0xFFFFF000  }
0x186: {  	_ =	swait.ge [sflag:s7], $0x1000  }
0x187: {  	[sflag:s7] =	ssyncset.done $0x0  }
0x188: {  	[sflag:s7] =	ssyncadd.s32 $0xFFFFF000  }
0x189: {  	_ =	swait.ge [sflag:s7], $0x1000  }
0x18a: {  	[sflag:s7] =	ssyncset.done $0x0  }
0x18b: {  	[sflag:s7] =	ssyncadd.s32 $0xFFFFF000  }
0x18c: {  	p1 =	sne.s32 s0, $0x1;
	_ =	swait.ge [sflag:s7], $0x1000  }
.Ltmp2:
0x18d: {  	[sflag:s7] =	ssyncset.done $0x0;
	(pc) =	sbr.rel @p1 .LBB2_4-.Ltmp2, $4  }
0x18e: {  	s15 =	rddreg [dreg:$0x7];
	[sflag:s7] =	ssyncadd.s32 $0xFFFFF000  }
0x18f: {  	[hbm4b:s15+s2] =	stream.linear.scatter [tilespmem:s5], [sflag:$0x3], $0x8000, $0x38;
	[tilespmem:$0x9080] =	vst v63  }
0x190: {  	_ =	swait.ge [sflag:s3], $0x8000  }
0x191: {  	s0 =	sadd.s32 $0xFFFFFFFF, s0;
	s1 =	rddreg [dreg:$0x2];
	[sflag:s3] =	ssyncset.done $0x0  }
0x192: {  	s23 =	simm.s32 $0xC00;
	s29 =	simm.s32 $0xB80  }
0x193: {  	s28 =	simm.s32 $0xB00;
	s26 =	simm.s32 $0xA80;
	s25 =	simm.s32 $0xA00  }
0x194: {  	s24 =	simm.s32 $0x980;
	s22 =	simm.s32 $0xF80;
	s21 =	simm.s32 $0xF00  }
0x195: {  	s20 =	simm.s32 $0xE80;
	s19 =	simm.s32 $0xE00;
	s18 =	simm.s32 $0xD80  }
0x196: {  	s17 =	simm.s32 $0xD00;
	s16 =	simm.s32 $0xC80;
	s15 =	rddreg [dreg:$0x1]  }
.LBB2_6:
0x197: {  	[sflag:s3] =	ssyncadd.s32 @p0 $0xFFFF8000  }
0x198: {  	[tilespmem:s2], [sflag:$0x3] =	stream.linear.gather [hbm4b:s1+s2], $0x20, $0x38;
	[tilespmem:$0x9080] =	vst v63  }
0x199: {  	_ =	swait.ge [sflag:s3], $0x20  }
0x19a: {  	[sflag:s3] =	ssyncset.done $0x0  }
0x19b: {  	[sflag:s3] =	ssyncadd.s32 $0xFFFFFFE0  }
0x19c: {  	[tilespmem:s30], [sflag:$0x1] =	stream.indirect.gather [hbm4b:s4+s6], $0x80, s2, s6, $0xb8;
	[tilespmem:$0x9080] =	vst v63  }
0x19d: {  	_ =	swait.ge [sflag:s31], $0x1000  }
0x19e: {  	[sflag:s31] =	ssyncset.done $0x0  }
0x19f: {  	s0 =	rddreg [dreg:$0x3];
	[sflag:s31] =	ssyncadd.s32 $0xFFFFF000  }
0x1a0: {  	[hbm4b:s0+s2] =	stream.linear.scatter [tilespmem:s30], [sflag:$0x3], $0x1000, $0x38;
	[tilespmem:$0x9080] =	vst v63  }
0x1a1: {  	_ =	swait.ge [sflag:s3], $0x1000  }
0x1a2: {  	[sflag:s3] =	ssyncset.done $0x0  }
0x1a3: {  	[sflag:s3] =	ssyncadd.s32 $0xFFFFF000  }
0x1a4: {  	[tilespmem:s5], [sflag:$0x2] =	stream.indirect.gather [hbm4b:s4+s6], $0x80, s30, s6, $0xb8;
	[tilespmem:$0x9080] =	vst v63  }
0x1a5: {  	s1 =	rddreg [dreg:$0x8]  }
0x1a6: {  	[tilespmem:s8], [sflag:$0x2] =	stream.indirect.gather [hbm4b:s4+s6], $0x80, s1, s6, $0xb8;
	[tilespmem:$0x9080] =	vst v63  }
0x1a7: {  	s30 =	rddreg [dreg:$0x9]  }
0x1a8: {  	[tilespmem:s9], [sflag:$0x2] =	stream.indirect.gather [hbm4b:s4+s6], $0x80, s30, s6, $0xb8;
	[tilespmem:$0x9080] =	vst v63  }
0x1a9: {  	s31 =	rddreg [dreg:$0xa]  }
0x1aa: {  	[tilespmem:s10], [sflag:$0x2] =	stream.indirect.gather [hbm4b:s4+s6], $0x80, s31, s6, $0xb8;
	[tilespmem:$0x9080] =	vst v63  }
0x1ab: {  	s30 =	rddreg [dreg:$0xb]  }
0x1ac: {  	[tilespmem:s11], [sflag:$0x2] =	stream.indirect.gather [hbm4b:s4+s6], $0x80, s30, s6, $0xb8;
	[tilespmem:$0x9080] =	vst v63  }
0x1ad: {  	s31 =	rddreg [dreg:$0xc]  }
0x1ae: {  	[tilespmem:s12], [sflag:$0x2] =	stream.indirect.gather [hbm4b:s4+s6], $0x80, s31, s6, $0xb8;
	[tilespmem:$0x9080] =	vst v63  }
0x1af: {  	s30 =	rddreg [dreg:$0xd]  }
0x1b0: {  	[tilespmem:s13], [sflag:$0x2] =	stream.indirect.gather [hbm4b:s4+s6], $0x80, s30, s6, $0xb8;
	[tilespmem:$0x9080] =	vst v63  }
0x1b1: {  	s31 =	rddreg [dreg:$0xe]  }
0x1b2: {  	[tilespmem:s14], [sflag:$0x2] =	stream.indirect.gather [hbm4b:s4+s6], $0x80, s31, s6, $0xb8;
	[tilespmem:$0x9080] =	vst v63  }
0x1b3: {  	_ =	swait.ge [sflag:s7], $0x1000  }
0x1b4: {  	[sflag:s7] =	ssyncset.done $0x0  }
0x1b5: {  	[sflag:s7] =	ssyncadd.s32 $0xFFFFF000  }
0x1b6: {  	_ =	swait.ge [sflag:s7], $0x1000  }
0x1b7: {  	[sflag:s7] =	ssyncset.done $0x0  }
0x1b8: {  	[sflag:s7] =	ssyncadd.s32 $0xFFFFF000  }
0x1b9: {  	_ =	swait.ge [sflag:s7], $0x1000  }
0x1ba: {  	[sflag:s7] =	ssyncset.done $0x0  }
0x1bb: {  	[sflag:s7] =	ssyncadd.s32 $0xFFFFF000  }
0x1bc: {  	_ =	swait.ge [sflag:s7], $0x1000  }
0x1bd: {  	[sflag:s7] =	ssyncset.done $0x0  }
0x1be: {  	[sflag:s7] =	ssyncadd.s32 $0xFFFFF000  }
0x1bf: {  	_ =	swait.ge [sflag:s7], $0x1000  }
0x1c0: {  	[sflag:s7] =	ssyncset.done $0x0  }
0x1c1: {  	[sflag:s7] =	ssyncadd.s32 $0xFFFFF000  }
0x1c2: {  	_ =	swait.ge [sflag:s7], $0x1000  }
0x1c3: {  	[sflag:s7] =	ssyncset.done $0x0  }
0x1c4: {  	[sflag:s7] =	ssyncadd.s32 $0xFFFFF000  }
0x1c5: {  	_ =	swait.ge [sflag:s7], $0x1000  }
0x1c6: {  	[sflag:s7] =	ssyncset.done $0x0  }
0x1c7: {  	[sflag:s7] =	ssyncadd.s32 $0xFFFFF000  }
0x1c8: {  	_ =	swait.ge [sflag:s7], $0x1000  }
0x1c9: {  	[sflag:s7] =	ssyncset.done $0x0  }
0x1ca: {  	s1 =	rddreg [dreg:$0x4];
	[sflag:s7] =	ssyncadd.s32 $0xFFFFF000  }
0x1cb: {  	[hbm4b:s1+s2] =	stream.linear.scatter [tilespmem:s5], [sflag:$0x3], $0x8000, $0x38;
	[tilespmem:$0x9080] =	vst v63  }
0x1cc: {  	_ =	swait.ge [sflag:s3], $0x8000  }
0x1cd: {  	[sflag:s3] =	ssyncset.done $0x0  }
0x1ce: {  	s30 =	rddreg [dreg:$0xf];
	[sflag:s3] =	ssyncadd.s32 $0xFFFF8000  }
0x1cf: {  	[tilespmem:s5], [sflag:$0x2] =	stream.indirect.gather [hbm4b:s4+s6], $0x80, s30, s6, $0xb8;
	[tilespmem:$0x9080] =	vst v63  }
0x1d0: {  	s31 =	rddreg [dreg:$0x10]  }
0x1d1: {  	[tilespmem:s8], [sflag:$0x2] =	stream.indirect.gather [hbm4b:s4+s6], $0x80, s31, s6, $0xb8;
	[tilespmem:$0x9080] =	vst v63  }
0x1d2: {  	s30 =	rddreg [dreg:$0x11]  }
0x1d3: {  	[tilespmem:s9], [sflag:$0x2] =	stream.indirect.gather [hbm4b:s4+s6], $0x80, s30, s6, $0xb8;
	[tilespmem:$0x9080] =	vst v63  }
0x1d4: {  	s31 =	rddreg [dreg:$0x12]  }
0x1d5: {  	[tilespmem:s10], [sflag:$0x2] =	stream.indirect.gather [hbm4b:s4+s6], $0x80, s31, s6, $0xb8;
	[tilespmem:$0x9080] =	vst v63  }
0x1d6: {  	s30 =	rddreg [dreg:$0x13]  }
0x1d7: {  	[tilespmem:s11], [sflag:$0x2] =	stream.indirect.gather [hbm4b:s4+s6], $0x80, s30, s6, $0xb8;
	[tilespmem:$0x9080] =	vst v63  }
0x1d8: {  	s31 =	rddreg [dreg:$0x14]  }
0x1d9: {  	[tilespmem:s12], [sflag:$0x2] =	stream.indirect.gather [hbm4b:s4+s6], $0x80, s31, s6, $0xb8;
	[tilespmem:$0x9080] =	vst v63  }
0x1da: {  	s30 =	rddreg [dreg:$0x15]  }
0x1db: {  	[tilespmem:s13], [sflag:$0x2] =	stream.indirect.gather [hbm4b:s4+s6], $0x80, s30, s6, $0xb8;
	[tilespmem:$0x9080] =	vst v63  }
0x1dc: {  	s31 =	rddreg [dreg:$0x16]  }
0x1dd: {  	[tilespmem:s14], [sflag:$0x2] =	stream.indirect.gather [hbm4b:s4+s6], $0x80, s31, s6, $0xb8;
	[tilespmem:$0x9080] =	vst v63  }
0x1de: {  	_ =	swait.ge [sflag:s7], $0x1000  }
0x1df: {  	[sflag:s7] =	ssyncset.done $0x0  }
0x1e0: {  	[sflag:s7] =	ssyncadd.s32 $0xFFFFF000  }
0x1e1: {  	_ =	swait.ge [sflag:s7], $0x1000  }
0x1e2: {  	[sflag:s7] =	ssyncset.done $0x0  }
0x1e3: {  	[sflag:s7] =	ssyncadd.s32 $0xFFFFF000  }
0x1e4: {  	_ =	swait.ge [sflag:s7], $0x1000  }
0x1e5: {  	[sflag:s7] =	ssyncset.done $0x0  }
0x1e6: {  	[sflag:s7] =	ssyncadd.s32 $0xFFFFF000  }
0x1e7: {  	_ =	swait.ge [sflag:s7], $0x1000  }
0x1e8: {  	[sflag:s7] =	ssyncset.done $0x0  }
0x1e9: {  	[sflag:s7] =	ssyncadd.s32 $0xFFFFF000  }
0x1ea: {  	_ =	swait.ge [sflag:s7], $0x1000  }
0x1eb: {  	[sflag:s7] =	ssyncset.done $0x0  }
0x1ec: {  	[sflag:s7] =	ssyncadd.s32 $0xFFFFF000  }
0x1ed: {  	_ =	swait.ge [sflag:s7], $0x1000  }
0x1ee: {  	[sflag:s7] =	ssyncset.done $0x0  }
0x1ef: {  	[sflag:s7] =	ssyncadd.s32 $0xFFFFF000  }
0x1f0: {  	_ =	swait.ge [sflag:s7], $0x1000  }
0x1f1: {  	[sflag:s7] =	ssyncset.done $0x0  }
0x1f2: {  	[sflag:s7] =	ssyncadd.s32 $0xFFFFF000  }
0x1f3: {  	_ =	swait.ge [sflag:s7], $0x1000  }
0x1f4: {  	[sflag:s7] =	ssyncset.done $0x0  }
0x1f5: {  	s1 =	rddreg [dreg:$0x5];
	[sflag:s7] =	ssyncadd.s32 $0xFFFFF000  }
0x1f6: {  	[hbm4b:s1+s2] =	stream.linear.scatter [tilespmem:s5], [sflag:$0x3], $0x8000, $0x38;
	[tilespmem:$0x9080] =	vst v63  }
0x1f7: {  	_ =	swait.ge [sflag:s3], $0x8000  }
0x1f8: {  	[sflag:s3] =	ssyncset.done $0x0  }
0x1f9: {  	s30 =	rddreg [dreg:$0x17];
	[sflag:s3] =	ssyncadd.s32 $0xFFFF8000  }
0x1fa: {  	[tilespmem:s5], [sflag:$0x2] =	stream.indirect.gather [hbm4b:s4+s6], $0x80, s30, s6, $0xb8;
	[tilespmem:$0x9080] =	vst v63  }
0x1fb: {  	s31 =	rddreg [dreg:$0x18]  }
0x1fc: {  	[tilespmem:s8], [sflag:$0x2] =	stream.indirect.gather [hbm4b:s4+s6], $0x80, s31, s6, $0xb8;
	[tilespmem:$0x9080] =	vst v63  }
0x1fd: {  	_ = 	snop  }
0x1fe: {  	[tilespmem:s9], [sflag:$0x2] =	stream.indirect.gather [hbm4b:s4+s6], $0x80, s24, s6, $0xb8;
	[tilespmem:$0x9080] =	vst v63  }
0x1ff: {  	_ = 	snop  }
0x200: {  	[tilespmem:s10], [sflag:$0x2] =	stream.indirect.gather [hbm4b:s4+s6], $0x80, s25, s6, $0xb8;
	[tilespmem:$0x9080] =	vst v63  }
0x201: {  	_ = 	snop  }
0x202: {  	[tilespmem:s11], [sflag:$0x2] =	stream.indirect.gather [hbm4b:s4+s6], $0x80, s26, s6, $0xb8;
	[tilespmem:$0x9080] =	vst v63  }
0x203: {  	_ = 	snop  }
0x204: {  	[tilespmem:s12], [sflag:$0x2] =	stream.indirect.gather [hbm4b:s4+s6], $0x80, s28, s6, $0xb8;
	[tilespmem:$0x9080] =	vst v63  }
0x205: {  	_ = 	snop  }
0x206: {  	[tilespmem:s13], [sflag:$0x2] =	stream.indirect.gather [hbm4b:s4+s6], $0x80, s29, s6, $0xb8;
	[tilespmem:$0x9080] =	vst v63  }
0x207: {  	_ = 	snop  }
0x208: {  	[tilespmem:s14], [sflag:$0x2] =	stream.indirect.gather [hbm4b:s4+s6], $0x80, s23, s6, $0xb8;
	[tilespmem:$0x9080] =	vst v63  }
0x209: {  	_ =	swait.ge [sflag:s7], $0x1000  }
0x20a: {  	[sflag:s7] =	ssyncset.done $0x0  }
0x20b: {  	[sflag:s7] =	ssyncadd.s32 $0xFFFFF000  }
0x20c: {  	_ =	swait.ge [sflag:s7], $0x1000  }
0x20d: {  	[sflag:s7] =	ssyncset.done $0x0  }
0x20e: {  	[sflag:s7] =	ssyncadd.s32 $0xFFFFF000  }
0x20f: {  	_ =	swait.ge [sflag:s7], $0x1000  }
0x210: {  	[sflag:s7] =	ssyncset.done $0x0  }
0x211: {  	[sflag:s7] =	ssyncadd.s32 $0xFFFFF000  }
0x212: {  	_ =	swait.ge [sflag:s7], $0x1000  }
0x213: {  	[sflag:s7] =	ssyncset.done $0x0  }
0x214: {  	[sflag:s7] =	ssyncadd.s32 $0xFFFFF000  }
0x215: {  	_ =	swait.ge [sflag:s7], $0x1000  }
0x216: {  	[sflag:s7] =	ssyncset.done $0x0  }
0x217: {  	[sflag:s7] =	ssyncadd.s32 $0xFFFFF000  }
0x218: {  	_ =	swait.ge [sflag:s7], $0x1000  }
0x219: {  	[sflag:s7] =	ssyncset.done $0x0  }
0x21a: {  	[sflag:s7] =	ssyncadd.s32 $0xFFFFF000  }
0x21b: {  	_ =	swait.ge [sflag:s7], $0x1000  }
0x21c: {  	[sflag:s7] =	ssyncset.done $0x0  }
0x21d: {  	[sflag:s7] =	ssyncadd.s32 $0xFFFFF000  }
0x21e: {  	_ =	swait.ge [sflag:s7], $0x1000  }
0x21f: {  	[sflag:s7] =	ssyncset.done $0x0  }
0x220: {  	s28 =	rddreg [dreg:$0x6];
	[sflag:s7] =	ssyncadd.s32 $0xFFFFF000  }
0x221: {  	[hbm4b:s28+s2] =	stream.linear.scatter [tilespmem:s5], [sflag:$0x3], $0x8000, $0x38;
	[tilespmem:$0x9080] =	vst v63  }
0x222: {  	_ =	swait.ge [sflag:s3], $0x8000  }
0x223: {  	[sflag:s3] =	ssyncset.done $0x0  }
0x224: {  	[sflag:s3] =	ssyncadd.s32 $0xFFFF8000  }
0x225: {  	[tilespmem:s5], [sflag:$0x2] =	stream.indirect.gather [hbm4b:s4+s6], $0x80, s16, s6, $0xb8;
	[tilespmem:$0x9080] =	vst v63  }
0x226: {  	_ = 	snop  }
0x227: {  	[tilespmem:s8], [sflag:$0x2] =	stream.indirect.gather [hbm4b:s4+s6], $0x80, s17, s6, $0xb8;
	[tilespmem:$0x9080] =	vst v63  }
0x228: {  	_ = 	snop  }
0x229: {  	[tilespmem:s9], [sflag:$0x2] =	stream.indirect.gather [hbm4b:s4+s6], $0x80, s18, s6, $0xb8;
	[tilespmem:$0x9080] =	vst v63  }
0x22a: {  	_ = 	snop  }
0x22b: {  	[tilespmem:s10], [sflag:$0x2] =	stream.indirect.gather [hbm4b:s4+s6], $0x80, s19, s6, $0xb8;
	[tilespmem:$0x9080] =	vst v63  }
0x22c: {  	_ = 	snop  }
0x22d: {  	[tilespmem:s11], [sflag:$0x2] =	stream.indirect.gather [hbm4b:s4+s6], $0x80, s20, s6, $0xb8;
	[tilespmem:$0x9080] =	vst v63  }
0x22e: {  	_ = 	snop  }
0x22f: {  	[tilespmem:s12], [sflag:$0x2] =	stream.indirect.gather [hbm4b:s4+s6], $0x80, s21, s6, $0xb8;
	[tilespmem:$0x9080] =	vst v63  }
0x230: {  	_ = 	snop  }
0x231: {  	[tilespmem:s13], [sflag:$0x2] =	stream.indirect.gather [hbm4b:s4+s6], $0x80, s22, s6, $0xb8;
	[tilespmem:$0x9080] =	vst v63  }
0x232: {  	s29 =	simm.s32 $0x1000  }
0x233: {  	[tilespmem:s14], [sflag:$0x2] =	stream.indirect.gather [hbm4b:s4+s6], $0x80, s29, s6, $0xb8;
	[tilespmem:$0x9080] =	vst v63  }
0x234: {  	_ =	swait.ge [sflag:s7], $0x1000  }
0x235: {  	[sflag:s7] =	ssyncset.done $0x0  }
0x236: {  	[sflag:s7] =	ssyncadd.s32 $0xFFFFF000  }
0x237: {  	_ =	swait.ge [sflag:s7], $0x1000  }
0x238: {  	[sflag:s7] =	ssyncset.done $0x0  }
0x239: {  	[sflag:s7] =	ssyncadd.s32 $0xFFFFF000  }
0x23a: {  	_ =	swait.ge [sflag:s7], $0x1000  }
0x23b: {  	[sflag:s7] =	ssyncset.done $0x0  }
0x23c: {  	[sflag:s7] =	ssyncadd.s32 $0xFFFFF000  }
0x23d: {  	_ =	swait.ge [sflag:s7], $0x1000  }
0x23e: {  	[sflag:s7] =	ssyncset.done $0x0  }
0x23f: {  	[sflag:s7] =	ssyncadd.s32 $0xFFFFF000  }
0x240: {  	_ =	swait.ge [sflag:s7], $0x1000  }
0x241: {  	[sflag:s7] =	ssyncset.done $0x0  }
0x242: {  	[sflag:s7] =	ssyncadd.s32 $0xFFFFF000  }
0x243: {  	_ =	swait.ge [sflag:s7], $0x1000  }
0x244: {  	[sflag:s7] =	ssyncset.done $0x0  }
0x245: {  	[sflag:s7] =	ssyncadd.s32 $0xFFFFF000  }
0x246: {  	_ =	swait.ge [sflag:s7], $0x1000  }
0x247: {  	[sflag:s7] =	ssyncset.done $0x0  }
0x248: {  	[sflag:s7] =	ssyncadd.s32 $0xFFFFF000  }
0x249: {  	_ =	swait.ge [sflag:s7], $0x1000  }
0x24a: {  	[sflag:s7] =	ssyncset.done $0x0  }
0x24b: {  	s30 =	rddreg [dreg:$0x7];
	[sflag:s7] =	ssyncadd.s32 $0xFFFFF000  }
0x24c: {  	[hbm4b:s30+s2] =	stream.linear.scatter [tilespmem:s5], [sflag:$0x3], $0x8000, $0x38;
	[tilespmem:$0x9080] =	vst v63  }
0x24d: {  	_ =	swait.ge [sflag:s3], $0x8000  }
0x24e: {  	[sflag:s3] =	ssyncset.done $0x0  }
0x24f: {  	[sflag:s3] =	ssyncadd.s32 $0xFFFF8000  }
0x250: {  	_ =	sfence.sel $0x180000  }
0x251: {  	s31 =	stileid.u32;
	[bflag:$0x0] =	sbarrier.arrive $0xFFFF  }
0x252: {  	p0 =	sne.s32 s31, $0x0;
	_ =	strace $0x90000047  }
0x253: {  	s0 =	sadd.s32 @!p0 $0x100000, s15;
	[bflag:$0x2] =	sbarrier.arrive $0xFFFF  }
0x254: {  	[sflag:s0] =	ssyncadd.tile.s32 @!p0 $0x1;
	_ =	shalt  }
.LBB2_1:
.Ltmp3:
0x255: {  	s23 =	simm.s32 $0xC00;
	(pc) =	sbr.rel .LBB2_6-.Ltmp3, $4  }
0x256: {  	s29 =	simm.s32 $0xB80;
	s28 =	simm.s32 $0xB00;
	s26 =	simm.s32 $0xA80  }
0x257: {  	s25 =	simm.s32 $0xA00;
	s24 =	simm.s32 $0x980;
	s22 =	simm.s32 $0xF80  }
0x258: {  	s21 =	simm.s32 $0xF00;
	s20 =	simm.s32 $0xE80;
	s19 =	simm.s32 $0xE00  }
0x259: {  	s18 =	simm.s32 $0xD80;
	s17 =	simm.s32 $0xD00;
	s16 =	simm.s32 $0xC80  }
.LBB2_3:
.Ltmp4:
0x25a: {  	s23 =	simm.s32 $0xC00;
	s29 =	simm.s32 $0xB80;
	(pc) =	sbr.rel .LBB2_6-.Ltmp4, $4  }
0x25b: {  	s28 =	simm.s32 $0xB00;
	s26 =	simm.s32 $0xA80;
	s25 =	simm.s32 $0xA00  }
0x25c: {  	s24 =	simm.s32 $0x980;
	s22 =	simm.s32 $0xF80;
	s21 =	simm.s32 $0xF00  }
0x25d: {  	s20 =	simm.s32 $0xE80;
	s19 =	simm.s32 $0xE00;
	s18 =	simm.s32 $0xD80  }
0x25e: {  	s17 =	simm.s32 $0xD00;
	s16 =	simm.s32 $0xC80;
	s15 =	rddreg [dreg:$0x1]  }
.Lfunc_end2:
_tile_overlayer_lowered:
.L_overlay_start_2:
0x25f: {  	(tag) =	ssettag $0x2  }
0x260: {  	s0 =	rddreg [dreg:$0x0];
	s2 =	stileid.u32  }
0x261: {  	s1 =	rddreg [dreg:$0x1];
	p0 =	sne.s32 s2, $0x0  }
0x262: {  	s3 =	rddreg [dreg:$0x2];
	[bflag:$0x3] =	sbarrier.arrive $0xFFFF;
	s2 =	simm.s32 @!p0 $0x1C03  }
0x263: {  	[timem:s3], [sflag:s2] =	dma.local @!p0 [hbm:s0], s1  }
0x264: {  	s0 =	simm.s32 @!p0 $0x3  }
0x265: {  	_ =	swait.ge @!p0 [sflag:s0], s1  }
0x266: {  	s1 =	ssub.s32 @!p0 $0x0, s1;
	[sflag:s0] =	ssyncset.done @!p0 $0x0  }
0x267: {  	[sflag:s0] =	ssyncadd.s32 @!p0 s1  }
0x268: {  	[bflag:$0x3] =	sbarrier.arrive $0xFFFF  }
0x269: {  	_ =	shalt  }

</sc_bundles>
